<compile_context>
chip_gen: v7x
topology: tpu7x:2x2x1
jax: 0.10.2.dev20260603
libtpu: 0.0.44.dev20260713+nightly
codegen_flags: <defaults>
</compile_context>

<pallas_src>
import functools

import jax
import jax.numpy as jnp
from jax import lax
from jax.experimental import pallas as pl
from jax.experimental.pallas import tpu as pltpu
from jax.experimental.pallas import tpu_sc as plsc

R = 128
C = 32768
R_TC = 96
R_SC = R - R_TC
NCORE = 2
NSUB = 16
L = 16
NW = NCORE * NSUB
RPW = max(1, R_SC // NW)
NACC = 8
VPB = L * NACC
NIT = C // VPB
BIG = 0x7FFFFFFF
TCB = 8

_sc_scratch = (
    [pltpu.VMEM((C,), jnp.float32) for _ in range(2)]
    + [pltpu.VMEM((L,), jnp.int32)]
    + [pltpu.SemaphoreType.DMA, pltpu.SemaphoreType.DMA]
)


def _sc_body(x_hbm, out_hbm, buf0, buf1, res_v, sem0, sem1):
    wid = lax.axis_index("s") * NCORE + lax.axis_index("c")
    row0 = R_TC + wid * RPW
    bufs = (buf0, buf1)
    sems = (sem0, sem1)
    lanes = lax.iota(jnp.int32, L)

    pltpu.make_async_copy(x_hbm.at[row0], buf0, sem0).start()
    if RPW > 1:
        pltpu.make_async_copy(x_hbm.at[row0 + 1], buf1, sem1).start()

    resvec = jnp.zeros((L,), jnp.int32)
    for j in range(RPW):
        buf = bufs[j % 2]
        sem = sems[j % 2]
        pltpu.make_async_copy(x_hbm.at[row0 + j], buf, sem).wait()

        neg = jnp.full((L,), -jnp.inf, jnp.float32)
        init = (
            tuple(neg for _ in range(NACC)),
            tuple(jnp.zeros((L,), jnp.int32) for _ in range(NACC)),
            tuple(lanes + a * L for a in range(NACC)),
        )

        @plsc.parallel_loop(0, NIT, step=1, unroll=2, carry=init)
        def loop_out(it, carry, buf=buf):
            best, bidx, idx = carry
            base = it * VPB
            nb = []
            ni = []
            nx = []
            for a in range(NACC):
                v = buf[pl.ds(base + a * L, L)]
                m = v > best[a]
                nb.append(jnp.where(m, v, best[a]))
                ni.append(jnp.where(m, idx[a], bidx[a]))
                nx.append(idx[a] + VPB)
            return tuple(nb), tuple(ni), tuple(nx)

        best, bidx, _ = loop_out

        if j + 2 < RPW:
            pltpu.make_async_copy(x_hbm.at[row0 + j + 2], buf, sem).start()

        cb, ci = best[0], bidx[0]
        for a in range(1, NACC):
            take = (best[a] > cb) | ((best[a] == cb) & (bidx[a] < ci))
            cb = jnp.where(take, best[a], cb)
            ci = jnp.where(take, bidx[a], ci)

        rowmax = cb
        for sh in (8, 4, 2, 1):
            rot = (lanes + sh) & (L - 1)
            rowmax = jnp.maximum(
                rowmax, rowmax.at[rot].get(mode="promise_in_bounds")
            )
        cand = jnp.where(cb == rowmax, ci, jnp.full((L,), BIG, jnp.int32))
        for sh in (8, 4, 2, 1):
            rot = (lanes + sh) & (L - 1)
            cand = jnp.minimum(
                cand, cand.at[rot].get(mode="promise_in_bounds")
            )
        resvec = jnp.where(lanes == j, cand, resvec)

    res_v[...] = resvec
    pltpu.sync_copy(res_v, out_hbm.at[pl.ds(wid * L, L)])


@functools.cache
def _get_sc_kernel():
    mesh = plsc.VectorSubcoreMesh(
        core_axis_name="c",
        subcore_axis_name="s",
        num_cores=NCORE,
        num_subcores=NSUB,
    )
    return pl.kernel(
        _sc_body,
        out_type=jax.ShapeDtypeStruct((NW * L,), jnp.int32),
        mesh=mesh,
        scratch_types=_sc_scratch,
        compiler_params=pltpu.CompilerParams(skip_device_barrier=True),
    )


TC_NRB = R_TC // TCB
TC_NACC = 8
TC_NT = C // 128


def _tc_body(x_ref, o_ref):
    lane = lax.broadcasted_iota(jnp.int32, (TCB, 128), 1)
    best = [jnp.full((TCB, 128), -jnp.inf, jnp.float32) for _ in range(TC_NACC)]
    bidx = [jnp.zeros((TCB, 128), jnp.int32) for _ in range(TC_NACC)]
    for t in range(TC_NT):
        a = t % TC_NACC
        x = x_ref[:, pl.ds(t * 128, 128)]
        idx = lane + (t * 128)
        m = x > best[a]
        best[a] = jnp.where(m, x, best[a])
        bidx[a] = jnp.where(m, idx, bidx[a])
    cb, ci = best[0], bidx[0]
    for a in range(1, TC_NACC):
        take = (best[a] > cb) | ((best[a] == cb) & (bidx[a] < ci))
        cb = jnp.where(take, best[a], cb)
        ci = jnp.where(take, bidx[a], ci)
    mx = jnp.max(cb, axis=1, keepdims=True)
    cand = jnp.where(cb == mx, ci, BIG)
    o_ref[...] = jnp.min(cand, axis=1)[None, None, :]


def _tc_argmax(x):
    x = pltpu.with_memory_space_constraint(x, pltpu.MemorySpace.HBM)
    return pl.pallas_call(
        _tc_body,
        grid=(TC_NRB,),
        in_specs=[pl.BlockSpec((TCB, C), lambda i: (i, 0))],
        out_specs=pl.BlockSpec((1, 1, TCB), lambda i: (i, 0, 0)),
        out_shape=jax.ShapeDtypeStruct((TC_NRB, 1, TCB), jnp.int32),
    )(x)


def kernel(x):
    tc_out = _tc_argmax(x)
    tc_rows = tc_out.reshape(R_TC)
    if R_SC:
        sc_out = _get_sc_kernel()(x)
        sc_rows = sc_out.reshape(NW, L)[:, :RPW].reshape(R_SC)
        tc_rows = jnp.concatenate([tc_rows, sc_rows])
    return tc_rows.astype(jnp.int64)

# --- scband reference (transcript-rebuilt; emitter-appended) ---
"""Pipeline reference for scband-model-new-73315091744387 (READ-ONLY COPY).

The authoritative reference and input builder live on the scoring server;
editing this copy changes nothing except your own understanding.
"""

import jax, jax.numpy as jnp
import numpy as np

DIM = 1

def setup_inputs(seed: int = 0) -> dict:
    key = jax.random.key(seed)
    x = jax.random.normal(key, (128, 32768), dtype=jnp.float32)
    return {"x": x}

def reference(x):
    # Faithful translation of the module: argmax along self.dim, returned as int64 (long)
    out = jnp.argmax(x, axis=DIM).astype(jnp.int64)
    return out

if __name__ == "__main__":
    import jax
    _d = setup_inputs()
    print(jax.jit(kernel)(*tuple(_d.values())))

</pallas_src>

<mosaic_0001>
#map = affine_map<(d0, d1) -> (0, 0)>
#map1 = affine_map<(d0, d1) -> (0)>
module attributes {stable_mosaic.version = 14 : i64} {
  func.func @_sc_body(%arg0: i32, %arg1: i32, %arg2: memref<128x32768xf32, #tpu.memory_space<hbm>>, %arg3: memref<512xi32, #tpu.memory_space<hbm>>, %arg4: memref<32768xf32, #tpu.memory_space<vmem>>, %arg5: memref<32768xf32, #tpu.memory_space<vmem>>, %arg6: memref<16xi32, #tpu.memory_space<vmem>>, %arg7: memref<!tpu.dma_semaphore, #tpu.memory_space<semaphore_mem>>, %arg8: memref<!tpu.dma_semaphore, #tpu.memory_space<semaphore_mem>>) attributes {dimension_semantics = [#tpu.dimension_semantics<core_parallel>, #tpu.dimension_semantics<subcore_parallel>], iteration_bounds = array<i64: 2, 16>, scalar_prefetch = 0 : i64, scratch_operands = 5 : i64, tpu.core_type = #tpu.core_type<sc_vector_subcore>, window_params = [{transform_indices = #map}, {transform_indices = #map1}]} {
    %mul3A = arith.constant 2 : i32
    %mul3A_0 = arith.muli %arg1, %mul3A : i32
    %add3A = arith.addi %mul3A_0, %arg0 : i32
    %mul3A_1 = arith.constant 1 : i32
    %mul3A_2 = arith.muli %add3A, %mul3A_1 : i32
    %add3A_3 = arith.constant 96 : i32
    %add3A_4 = arith.addi %add3A_3, %mul3A_2 : i32
    %iota3A = tpu.iota {dimensions = array<i32: 0>} : vector<16xi32>
    %dma_start3A = arith.constant 0 : i32
    %dma_start3A_5 = tpu.memref_slice %arg2[%add3A_4, %dma_start3A] : memref<128x32768xf32, #tpu.memory_space<hbm>> -> memref<1x32768xf32, #tpu.memory_space<hbm>>
    %dma_start3A_6 = tpu.memref_squeeze %dma_start3A_5 : memref<1x32768xf32, #tpu.memory_space<hbm>> -> memref<32768xf32, #tpu.memory_space<hbm>>
    %dma_start3A_7 = arith.constant 0 : i32
    %dma_start3A_8 = tpu.memref_slice %arg2[%add3A_4, %dma_start3A_7] : memref<128x32768xf32, #tpu.memory_space<hbm>> -> memref<1x32768xf32, #tpu.memory_space<hbm>>
    %dma_start3A_9 = tpu.memref_squeeze %dma_start3A_8 : memref<1x32768xf32, #tpu.memory_space<hbm>> -> memref<32768xf32, #tpu.memory_space<hbm>>
    tpu.enqueue_dma source(%dma_start3A_9 : memref<32768xf32, #tpu.memory_space<hbm>>) target(%arg4 : memref<32768xf32, #tpu.memory_space<vmem>>) target_semaphore(%arg7 : memref<!tpu.dma_semaphore, #tpu.memory_space<semaphore_mem>>)
    %broadcast_in_dim3A = arith.constant 0 : i32
    %broadcast_in_dim3A_10 = vector.broadcast %broadcast_in_dim3A : i32 to vector<16xi32>
    %add3A_11 = arith.constant 0 : i32
    %add3A_12 = arith.addi %add3A_4, %add3A_11 : i32
    %dma_wait3A = arith.constant 0 : i32
    %dma_wait3A_13 = tpu.memref_slice %arg2[%add3A_12, %dma_wait3A] : memref<128x32768xf32, #tpu.memory_space<hbm>> -> memref<1x32768xf32, #tpu.memory_space<hbm>>
    %dma_wait3A_14 = tpu.memref_squeeze %dma_wait3A_13 : memref<1x32768xf32, #tpu.memory_space<hbm>> -> memref<32768xf32, #tpu.memory_space<hbm>>
    %dma_wait3A_15 = arith.constant 0 : i32
    %dma_wait3A_16 = tpu.memref_slice %arg2[%add3A_12, %dma_wait3A_15] : memref<128x32768xf32, #tpu.memory_space<hbm>> -> memref<1x32768xf32, #tpu.memory_space<hbm>>
    %dma_wait3A_17 = tpu.memref_squeeze %dma_wait3A_16 : memref<1x32768xf32, #tpu.memory_space<hbm>> -> memref<32768xf32, #tpu.memory_space<hbm>>
    tpu.wait_dma2 semaphore(%arg7 : memref<!tpu.dma_semaphore, #tpu.memory_space<semaphore_mem>>) src(%dma_wait3A_17 : memref<32768xf32, #tpu.memory_space<hbm>>) dst(%arg4 : memref<32768xf32, #tpu.memory_space<vmem>>)
    %broadcast_in_dim3A_18 = arith.constant 0xFF800000 : f32
    %broadcast_in_dim3A_19 = vector.broadcast %broadcast_in_dim3A_18 : f32 to vector<16xf32>
    %broadcast_in_dim3A_20 = arith.constant 0 : i32
    %broadcast_in_dim3A_21 = vector.broadcast %broadcast_in_dim3A_20 : i32 to vector<16xi32>
    %broadcast_in_dim3A_22 = arith.constant 0 : i32
    %broadcast_in_dim3A_23 = vector.broadcast %broadcast_in_dim3A_22 : i32 to vector<16xi32>
    %broadcast_in_dim3A_24 = arith.constant 0 : i32
    %broadcast_in_dim3A_25 = vector.broadcast %broadcast_in_dim3A_24 : i32 to vector<16xi32>
    %broadcast_in_dim3A_26 = arith.constant 0 : i32
    %broadcast_in_dim3A_27 = vector.broadcast %broadcast_in_dim3A_26 : i32 to vector<16xi32>
    %broadcast_in_dim3A_28 = arith.constant 0 : i32
    %broadcast_in_dim3A_29 = vector.broadcast %broadcast_in_dim3A_28 : i32 to vector<16xi32>
    %broadcast_in_dim3A_30 = arith.constant 0 : i32
    %broadcast_in_dim3A_31 = vector.broadcast %broadcast_in_dim3A_30 : i32 to vector<16xi32>
    %broadcast_in_dim3A_32 = arith.constant 0 : i32
    %broadcast_in_dim3A_33 = vector.broadcast %broadcast_in_dim3A_32 : i32 to vector<16xi32>
    %broadcast_in_dim3A_34 = arith.constant 0 : i32
    %broadcast_in_dim3A_35 = vector.broadcast %broadcast_in_dim3A_34 : i32 to vector<16xi32>
    %add3A_36 = arith.constant 0 : i32
    %add3A_37 = vector.broadcast %add3A_36 : i32 to vector<16xi32>
    %add3A_38 = arith.addi %iota3A, %add3A_37 : vector<16xi32>
    %add3A_39 = arith.constant 16 : i32
    %add3A_40 = vector.broadcast %add3A_39 : i32 to vector<16xi32>
    %add3A_41 = arith.addi %iota3A, %add3A_40 : vector<16xi32>
    %add3A_42 = arith.constant 32 : i32
    %add3A_43 = vector.broadcast %add3A_42 : i32 to vector<16xi32>
    %add3A_44 = arith.addi %iota3A, %add3A_43 : vector<16xi32>
    %add3A_45 = arith.constant 48 : i32
    %add3A_46 = vector.broadcast %add3A_45 : i32 to vector<16xi32>
    %add3A_47 = arith.addi %iota3A, %add3A_46 : vector<16xi32>
    %add3A_48 = arith.constant 64 : i32
    %add3A_49 = vector.broadcast %add3A_48 : i32 to vector<16xi32>
    %add3A_50 = arith.addi %iota3A, %add3A_49 : vector<16xi32>
    %add3A_51 = arith.constant 80 : i32
    %add3A_52 = vector.broadcast %add3A_51 : i32 to vector<16xi32>
    %add3A_53 = arith.addi %iota3A, %add3A_52 : vector<16xi32>
    %add3A_54 = arith.constant 96 : i32
    %add3A_55 = vector.broadcast %add3A_54 : i32 to vector<16xi32>
    %add3A_56 = arith.addi %iota3A, %add3A_55 : vector<16xi32>
    %add3A_57 = arith.constant 112 : i32
    %add3A_58 = vector.broadcast %add3A_57 : i32 to vector<16xi32>
    %add3A_59 = arith.addi %iota3A, %add3A_58 : vector<16xi32>
    %parallel_loop3A = arith.constant 0 : i32
    %parallel_loop3A_60 = arith.constant 256 : i32
    %parallel_loop3A_61 = arith.constant 1 : i32
    %parallel_loop3A_62:24 = scf.for %parallel_loop3A_252 = %parallel_loop3A to %parallel_loop3A_60 step %parallel_loop3A_61 iter_args(%parallel_loop3A_253 = %broadcast_in_dim3A_19, %parallel_loop3A_254 = %broadcast_in_dim3A_19, %parallel_loop3A_255 = %broadcast_in_dim3A_19, %parallel_loop3A_256 = %broadcast_in_dim3A_19, %parallel_loop3A_257 = %broadcast_in_dim3A_19, %parallel_loop3A_258 = %broadcast_in_dim3A_19, %parallel_loop3A_259 = %broadcast_in_dim3A_19, %parallel_loop3A_260 = %broadcast_in_dim3A_19, %parallel_loop3A_261 = %broadcast_in_dim3A_21, %parallel_loop3A_262 = %broadcast_in_dim3A_23, %parallel_loop3A_263 = %broadcast_in_dim3A_25, %parallel_loop3A_264 = %broadcast_in_dim3A_27, %parallel_loop3A_265 = %broadcast_in_dim3A_29, %parallel_loop3A_266 = %broadcast_in_dim3A_31, %parallel_loop3A_267 = %broadcast_in_dim3A_33, %parallel_loop3A_268 = %broadcast_in_dim3A_35, %parallel_loop3A_269 = %add3A_38, %parallel_loop3A_270 = %add3A_41, %parallel_loop3A_271 = %add3A_44, %parallel_loop3A_272 = %add3A_47, %parallel_loop3A_273 = %add3A_50, %parallel_loop3A_274 = %add3A_53, %parallel_loop3A_275 = %add3A_56, %parallel_loop3A_276 = %add3A_59) -> (vector<16xf32>, vector<16xf32>, vector<16xf32>, vector<16xf32>, vector<16xf32>, vector<16xf32>, vector<16xf32>, vector<16xf32>, vector<16xi32>, vector<16xi32>, vector<16xi32>, vector<16xi32>, vector<16xi32>, vector<16xi32>, vector<16xi32>, vector<16xi32>, vector<16xi32>, vector<16xi32>, vector<16xi32>, vector<16xi32>, vector<16xi32>, vector<16xi32>, vector<16xi32>, vector<16xi32>)  : i32 {
      %parallel_loop3A_277 = arith.constant 128 : i32
      %parallel_loop3A_278 = arith.muli %parallel_loop3A_252, %parallel_loop3A_277 : i32
      %parallel_loop3A_279 = arith.constant 0 : i32
      %parallel_loop3A_280 = arith.addi %parallel_loop3A_278, %parallel_loop3A_279 : i32
      %parallel_loop3A_281 = arith.index_cast %parallel_loop3A_280 : i32 to index
      %parallel_loop3A_282 = tpu.vector_load %arg4[%parallel_loop3A_281] {strides = array<i32>} : memref<32768xf32, #tpu.memory_space<vmem>>, vector<16xf32>,
      %parallel_loop3A_283 = vector.shape_cast %parallel_loop3A_282 : vector<16xf32> to vector<16xf32>
      %parallel_loop3A_284 = arith.cmpf ogt, %parallel_loop3A_283, %parallel_loop3A_253 : vector<16xf32>
      %parallel_loop3A_285 = arith.select %parallel_loop3A_284, %parallel_loop3A_283, %parallel_loop3A_253 : vector<16xi1>, vector<16xf32>
      %parallel_loop3A_286 = arith.select %parallel_loop3A_284, %parallel_loop3A_269, %parallel_loop3A_261 : vector<16xi1>, vector<16xi32>
      %parallel_loop3A_287 = arith.constant 128 : i32
      %parallel_loop3A_288 = vector.broadcast %parallel_loop3A_287 : i32 to vector<16xi32>
      %parallel_loop3A_289 = arith.addi %parallel_loop3A_269, %parallel_loop3A_288 : vector<16xi32>
      %parallel_loop3A_290 = arith.constant 16 : i32
      %parallel_loop3A_291 = arith.addi %parallel_loop3A_278, %parallel_loop3A_290 : i32
      %parallel_loop3A_292 = arith.index_cast %parallel_loop3A_291 : i32 to index
      %parallel_loop3A_293 = tpu.vector_load %arg4[%parallel_loop3A_292] {strides = array<i32>} : memref<32768xf32, #tpu.memory_space<vmem>>, vector<16xf32>,
      %parallel_loop3A_294 = vector.shape_cast %parallel_loop3A_293 : vector<16xf32> to vector<16xf32>
      %parallel_loop3A_295 = arith.cmpf ogt, %parallel_loop3A_294, %parallel_loop3A_254 : vector<16xf32>
      %parallel_loop3A_296 = arith.select %parallel_loop3A_295, %parallel_loop3A_294, %parallel_loop3A_254 : vector<16xi1>, vector<16xf32>
      %parallel_loop3A_297 = arith.select %parallel_loop3A_295, %parallel_loop3A_270, %parallel_loop3A_262 : vector<16xi1>, vector<16xi32>
      %parallel_loop3A_298 = arith.constant 128 : i32
      %parallel_loop3A_299 = vector.broadcast %parallel_loop3A_298 : i32 to vector<16xi32>
      %parallel_loop3A_300 = arith.addi %parallel_loop3A_270, %parallel_loop3A_299 : vector<16xi32>
      %parallel_loop3A_301 = arith.constant 32 : i32
      %parallel_loop3A_302 = arith.addi %parallel_loop3A_278, %parallel_loop3A_301 : i32
      %parallel_loop3A_303 = arith.index_cast %parallel_loop3A_302 : i32 to index
      %parallel_loop3A_304 = tpu.vector_load %arg4[%parallel_loop3A_303] {strides = array<i32>} : memref<32768xf32, #tpu.memory_space<vmem>>, vector<16xf32>,
      %parallel_loop3A_305 = vector.shape_cast %parallel_loop3A_304 : vector<16xf32> to vector<16xf32>
      %parallel_loop3A_306 = arith.cmpf ogt, %parallel_loop3A_305, %parallel_loop3A_255 : vector<16xf32>
      %parallel_loop3A_307 = arith.select %parallel_loop3A_306, %parallel_loop3A_305, %parallel_loop3A_255 : vector<16xi1>, vector<16xf32>
      %parallel_loop3A_308 = arith.select %parallel_loop3A_306, %parallel_loop3A_271, %parallel_loop3A_263 : vector<16xi1>, vector<16xi32>
      %parallel_loop3A_309 = arith.constant 128 : i32
      %parallel_loop3A_310 = vector.broadcast %parallel_loop3A_309 : i32 to vector<16xi32>
      %parallel_loop3A_311 = arith.addi %parallel_loop3A_271, %parallel_loop3A_310 : vector<16xi32>
      %parallel_loop3A_312 = arith.constant 48 : i32
      %parallel_loop3A_313 = arith.addi %parallel_loop3A_278, %parallel_loop3A_312 : i32
      %parallel_loop3A_314 = arith.index_cast %parallel_loop3A_313 : i32 to index
      %parallel_loop3A_315 = tpu.vector_load %arg4[%parallel_loop3A_314] {strides = array<i32>} : memref<32768xf32, #tpu.memory_space<vmem>>, vector<16xf32>,
      %parallel_loop3A_316 = vector.shape_cast %parallel_loop3A_315 : vector<16xf32> to vector<16xf32>
      %parallel_loop3A_317 = arith.cmpf ogt, %parallel_loop3A_316, %parallel_loop3A_256 : vector<16xf32>
      %parallel_loop3A_318 = arith.select %parallel_loop3A_317, %parallel_loop3A_316, %parallel_loop3A_256 : vector<16xi1>, vector<16xf32>
      %parallel_loop3A_319 = arith.select %parallel_loop3A_317, %parallel_loop3A_272, %parallel_loop3A_264 : vector<16xi1>, vector<16xi32>
      %parallel_loop3A_320 = arith.constant 128 : i32
      %parallel_loop3A_321 = vector.broadcast %parallel_loop3A_320 : i32 to vector<16xi32>
      %parallel_loop3A_322 = arith.addi %parallel_loop3A_272, %parallel_loop3A_321 : vector<16xi32>
      %parallel_loop3A_323 = arith.constant 64 : i32
      %parallel_loop3A_324 = arith.addi %parallel_loop3A_278, %parallel_loop3A_323 : i32
      %parallel_loop3A_325 = arith.index_cast %parallel_loop3A_324 : i32 to index
      %parallel_loop3A_326 = tpu.vector_load %arg4[%parallel_loop3A_325] {strides = array<i32>} : memref<32768xf32, #tpu.memory_space<vmem>>, vector<16xf32>,
      %parallel_loop3A_327 = vector.shape_cast %parallel_loop3A_326 : vector<16xf32> to vector<16xf32>
      %parallel_loop3A_328 = arith.cmpf ogt, %parallel_loop3A_327, %parallel_loop3A_257 : vector<16xf32>
      %parallel_loop3A_329 = arith.select %parallel_loop3A_328, %parallel_loop3A_327, %parallel_loop3A_257 : vector<16xi1>, vector<16xf32>
      %parallel_loop3A_330 = arith.select %parallel_loop3A_328, %parallel_loop3A_273, %parallel_loop3A_265 : vector<16xi1>, vector<16xi32>
      %parallel_loop3A_331 = arith.constant 128 : i32
      %parallel_loop3A_332 = vector.broadcast %parallel_loop3A_331 : i32 to vector<16xi32>
      %parallel_loop3A_333 = arith.addi %parallel_loop3A_273, %parallel_loop3A_332 : vector<16xi32>
      %parallel_loop3A_334 = arith.constant 80 : i32
      %parallel_loop3A_335 = arith.addi %parallel_loop3A_278, %parallel_loop3A_334 : i32
      %parallel_loop3A_336 = arith.index_cast %parallel_loop3A_335 : i32 to index
      %parallel_loop3A_337 = tpu.vector_load %arg4[%parallel_loop3A_336] {strides = array<i32>} : memref<32768xf32, #tpu.memory_space<vmem>>, vector<16xf32>,
      %parallel_loop3A_338 = vector.shape_cast %parallel_loop3A_337 : vector<16xf32> to vector<16xf32>
      %parallel_loop3A_339 = arith.cmpf ogt, %parallel_loop3A_338, %parallel_loop3A_258 : vector<16xf32>
      %parallel_loop3A_340 = arith.select %parallel_loop3A_339, %parallel_loop3A_338, %parallel_loop3A_258 : vector<16xi1>, vector<16xf32>
      %parallel_loop3A_341 = arith.select %parallel_loop3A_339, %parallel_loop3A_274, %parallel_loop3A_266 : vector<16xi1>, vector<16xi32>
      %parallel_loop3A_342 = arith.constant 128 : i32
      %parallel_loop3A_343 = vector.broadcast %parallel_loop3A_342 : i32 to vector<16xi32>
      %parallel_loop3A_344 = arith.addi %parallel_loop3A_274, %parallel_loop3A_343 : vector<16xi32>
      %parallel_loop3A_345 = arith.constant 96 : i32
      %parallel_loop3A_346 = arith.addi %parallel_loop3A_278, %parallel_loop3A_345 : i32
      %parallel_loop3A_347 = arith.index_cast %parallel_loop3A_346 : i32 to index
      %parallel_loop3A_348 = tpu.vector_load %arg4[%parallel_loop3A_347] {strides = array<i32>} : memref<32768xf32, #tpu.memory_space<vmem>>, vector<16xf32>,
      %parallel_loop3A_349 = vector.shape_cast %parallel_loop3A_348 : vector<16xf32> to vector<16xf32>
      %parallel_loop3A_350 = arith.cmpf ogt, %parallel_loop3A_349, %parallel_loop3A_259 : vector<16xf32>
      %parallel_loop3A_351 = arith.select %parallel_loop3A_350, %parallel_loop3A_349, %parallel_loop3A_259 : vector<16xi1>, vector<16xf32>
      %parallel_loop3A_352 = arith.select %parallel_loop3A_350, %parallel_loop3A_275, %parallel_loop3A_267 : vector<16xi1>, vector<16xi32>
      %parallel_loop3A_353 = arith.constant 128 : i32
      %parallel_loop3A_354 = vector.broadcast %parallel_loop3A_353 : i32 to vector<16xi32>
      %parallel_loop3A_355 = arith.addi %parallel_loop3A_275, %parallel_loop3A_354 : vector<16xi32>
      %parallel_loop3A_356 = arith.constant 112 : i32
      %parallel_loop3A_357 = arith.addi %parallel_loop3A_278, %parallel_loop3A_356 : i32
      %parallel_loop3A_358 = arith.index_cast %parallel_loop3A_357 : i32 to index
      %parallel_loop3A_359 = tpu.vector_load %arg4[%parallel_loop3A_358] {strides = array<i32>} : memref<32768xf32, #tpu.memory_space<vmem>>, vector<16xf32>,
      %parallel_loop3A_360 = vector.shape_cast %parallel_loop3A_359 : vector<16xf32> to vector<16xf32>
      %parallel_loop3A_361 = arith.cmpf ogt, %parallel_loop3A_360, %parallel_loop3A_260 : vector<16xf32>
      %parallel_loop3A_362 = arith.select %parallel_loop3A_361, %parallel_loop3A_360, %parallel_loop3A_260 : vector<16xi1>, vector<16xf32>
      %parallel_loop3A_363 = arith.select %parallel_loop3A_361, %parallel_loop3A_276, %parallel_loop3A_268 : vector<16xi1>, vector<16xi32>
      %parallel_loop3A_364 = arith.constant 128 : i32
      %parallel_loop3A_365 = vector.broadcast %parallel_loop3A_364 : i32 to vector<16xi32>
      %parallel_loop3A_366 = arith.addi %parallel_loop3A_276, %parallel_loop3A_365 : vector<16xi32>
      scf.yield %parallel_loop3A_285, %parallel_loop3A_296, %parallel_loop3A_307, %parallel_loop3A_318, %parallel_loop3A_329, %parallel_loop3A_340, %parallel_loop3A_351, %parallel_loop3A_362, %parallel_loop3A_286, %parallel_loop3A_297, %parallel_loop3A_308, %parallel_loop3A_319, %parallel_loop3A_330, %parallel_loop3A_341, %parallel_loop3A_352, %parallel_loop3A_363, %parallel_loop3A_289, %parallel_loop3A_300, %parallel_loop3A_311, %parallel_loop3A_322, %parallel_loop3A_333, %parallel_loop3A_344, %parallel_loop3A_355, %parallel_loop3A_366 : vector<16xf32>, vector<16xf32>, vector<16xf32>, vector<16xf32>, vector<16xf32>, vector<16xf32>, vector<16xf32>, vector<16xf32>, vector<16xi32>, vector<16xi32>, vector<16xi32>, vector<16xi32>, vector<16xi32>, vector<16xi32>, vector<16xi32>, vector<16xi32>, vector<16xi32>, vector<16xi32>, vector<16xi32>, vector<16xi32>, vector<16xi32>, vector<16xi32>, vector<16xi32>, vector<16xi32>
    } {sc.loop_unroll_factor = 2 : i64, sc.parallel_access}
    %gt3A = arith.cmpf ogt, %parallel_loop3A_62#1, %parallel_loop3A_62#0 : vector<16xf32>
    %eq3A = arith.cmpf oeq, %parallel_loop3A_62#1, %parallel_loop3A_62#0 : vector<16xf32>
    %lt3A = arith.cmpi slt, %parallel_loop3A_62#9, %parallel_loop3A_62#8 : vector<16xi32>
    %and3A = arith.andi %eq3A, %lt3A : vector<16xi1>
    %or3A = arith.ori %gt3A, %and3A : vector<16xi1>
    %select_n3A = arith.select %or3A, %parallel_loop3A_62#1, %parallel_loop3A_62#0 : vector<16xi1>, vector<16xf32>
    %select_n3A_63 = arith.select %or3A, %parallel_loop3A_62#9, %parallel_loop3A_62#8 : vector<16xi1>, vector<16xi32>
    %gt3A_64 = arith.cmpf ogt, %parallel_loop3A_62#2, %select_n3A : vector<16xf32>
    %eq3A_65 = arith.cmpf oeq, %parallel_loop3A_62#2, %select_n3A : vector<16xf32>
    %lt3A_66 = arith.cmpi slt, %parallel_loop3A_62#10, %select_n3A_63 : vector<16xi32>
    %and3A_67 = arith.andi %eq3A_65, %lt3A_66 : vector<16xi1>
    %or3A_68 = arith.ori %gt3A_64, %and3A_67 : vector<16xi1>
    %select_n3A_69 = arith.select %or3A_68, %parallel_loop3A_62#2, %select_n3A : vector<16xi1>, vector<16xf32>
    %select_n3A_70 = arith.select %or3A_68, %parallel_loop3A_62#10, %select_n3A_63 : vector<16xi1>, vector<16xi32>
    %gt3A_71 = arith.cmpf ogt, %parallel_loop3A_62#3, %select_n3A_69 : vector<16xf32>
    %eq3A_72 = arith.cmpf oeq, %parallel_loop3A_62#3, %select_n3A_69 : vector<16xf32>
    %lt3A_73 = arith.cmpi slt, %parallel_loop3A_62#11, %select_n3A_70 : vector<16xi32>
    %and3A_74 = arith.andi %eq3A_72, %lt3A_73 : vector<16xi1>
    %or3A_75 = arith.ori %gt3A_71, %and3A_74 : vector<16xi1>
    %select_n3A_76 = arith.select %or3A_75, %parallel_loop3A_62#3, %select_n3A_69 : vector<16xi1>, vector<16xf32>
    %select_n3A_77 = arith.select %or3A_75, %parallel_loop3A_62#11, %select_n3A_70 : vector<16xi1>, vector<16xi32>
    %gt3A_78 = arith.cmpf ogt, %parallel_loop3A_62#4, %select_n3A_76 : vector<16xf32>
    %eq3A_79 = arith.cmpf oeq, %parallel_loop3A_62#4, %select_n3A_76 : vector<16xf32>
    %lt3A_80 = arith.cmpi slt, %parallel_loop3A_62#12, %select_n3A_77 : vector<16xi32>
    %and3A_81 = arith.andi %eq3A_79, %lt3A_80 : vector<16xi1>
    %or3A_82 = arith.ori %gt3A_78, %and3A_81 : vector<16xi1>
    %select_n3A_83 = arith.select %or3A_82, %parallel_loop3A_62#4, %select_n3A_76 : vector<16xi1>, vector<16xf32>
    %select_n3A_84 = arith.select %or3A_82, %parallel_loop3A_62#12, %select_n3A_77 : vector<16xi1>, vector<16xi32>
    %gt3A_85 = arith.cmpf ogt, %parallel_loop3A_62#5, %select_n3A_83 : vector<16xf32>
    %eq3A_86 = arith.cmpf oeq, %parallel_loop3A_62#5, %select_n3A_83 : vector<16xf32>
    %lt3A_87 = arith.cmpi slt, %parallel_loop3A_62#13, %select_n3A_84 : vector<16xi32>
    %and3A_88 = arith.andi %eq3A_86, %lt3A_87 : vector<16xi1>
    %or3A_89 = arith.ori %gt3A_85, %and3A_88 : vector<16xi1>
    %select_n3A_90 = arith.select %or3A_89, %parallel_loop3A_62#5, %select_n3A_83 : vector<16xi1>, vector<16xf32>
    %select_n3A_91 = arith.select %or3A_89, %parallel_loop3A_62#13, %select_n3A_84 : vector<16xi1>, vector<16xi32>
    %gt3A_92 = arith.cmpf ogt, %parallel_loop3A_62#6, %select_n3A_90 : vector<16xf32>
    %eq3A_93 = arith.cmpf oeq, %parallel_loop3A_62#6, %select_n3A_90 : vector<16xf32>
    %lt3A_94 = arith.cmpi slt, %parallel_loop3A_62#14, %select_n3A_91 : vector<16xi32>
    %and3A_95 = arith.andi %eq3A_93, %lt3A_94 : vector<16xi1>
    %or3A_96 = arith.ori %gt3A_92, %and3A_95 : vector<16xi1>
    %select_n3A_97 = arith.select %or3A_96, %parallel_loop3A_62#6, %select_n3A_90 : vector<16xi1>, vector<16xf32>
    %select_n3A_98 = arith.select %or3A_96, %parallel_loop3A_62#14, %select_n3A_91 : vector<16xi1>, vector<16xi32>
    %gt3A_99 = arith.cmpf ogt, %parallel_loop3A_62#7, %select_n3A_97 : vector<16xf32>
    %eq3A_100 = arith.cmpf oeq, %parallel_loop3A_62#7, %select_n3A_97 : vector<16xf32>
    %lt3A_101 = arith.cmpi slt, %parallel_loop3A_62#15, %select_n3A_98 : vector<16xi32>
    %and3A_102 = arith.andi %eq3A_100, %lt3A_101 : vector<16xi1>
    %or3A_103 = arith.ori %gt3A_99, %and3A_102 : vector<16xi1>
    %select_n3A_104 = arith.select %or3A_103, %parallel_loop3A_62#7, %select_n3A_97 : vector<16xi1>, vector<16xf32>
    %select_n3A_105 = arith.select %or3A_103, %parallel_loop3A_62#15, %select_n3A_98 : vector<16xi1>, vector<16xi32>
    %add3A_106 = arith.constant 8 : i32
    %add3A_107 = vector.broadcast %add3A_106 : i32 to vector<16xi32>
    %add3A_108 = arith.addi %iota3A, %add3A_107 : vector<16xi32>
    %and3A_109 = arith.constant 15 : i32
    %and3A_110 = vector.broadcast %and3A_109 : i32 to vector<16xi32>
    %and3A_111 = arith.andi %add3A_108, %and3A_110 : vector<16xi32>
    %lt3A_112 = arith.constant 0 : i32
    %lt3A_113 = vector.broadcast %lt3A_112 : i32 to vector<16xi32>
    %lt3A_114 = arith.cmpi slt, %and3A_111, %lt3A_113 : vector<16xi32>
    %add3A_115 = arith.constant 16 : i32
    %add3A_116 = vector.broadcast %add3A_115 : i32 to vector<16xi32>
    %add3A_117 = arith.addi %and3A_111, %add3A_116 : vector<16xi32>
    %select_n3A_118 = arith.select %lt3A_114, %add3A_117, %and3A_111 : vector<16xi1>, vector<16xi32>
    %broadcast_in_dim3A_119 = vector.shape_cast %select_n3A_118 : vector<16xi32> to vector<16x1xi32>
    %gather3A = vector.shape_cast %broadcast_in_dim3A_119 : vector<16x1xi32> to vector<16xi32>
    %gather3A_120 = tpu.dynamic_gather %select_n3A_104[%gather3A] in [0] : vector<16xf32>, vector<16xi32> -> vector<16xf32>
    %max3A = arith.maximumf %select_n3A_104, %gather3A_120 : vector<16xf32>
    %add3A_121 = arith.constant 4 : i32
    %add3A_122 = vector.broadcast %add3A_121 : i32 to vector<16xi32>
    %add3A_123 = arith.addi %iota3A, %add3A_122 : vector<16xi32>
    %and3A_124 = arith.constant 15 : i32
    %and3A_125 = vector.broadcast %and3A_124 : i32 to vector<16xi32>
    %and3A_126 = arith.andi %add3A_123, %and3A_125 : vector<16xi32>
    %lt3A_127 = arith.constant 0 : i32
    %lt3A_128 = vector.broadcast %lt3A_127 : i32 to vector<16xi32>
    %lt3A_129 = arith.cmpi slt, %and3A_126, %lt3A_128 : vector<16xi32>
    %add3A_130 = arith.constant 16 : i32
    %add3A_131 = vector.broadcast %add3A_130 : i32 to vector<16xi32>
    %add3A_132 = arith.addi %and3A_126, %add3A_131 : vector<16xi32>
    %select_n3A_133 = arith.select %lt3A_129, %add3A_132, %and3A_126 : vector<16xi1>, vector<16xi32>
    %broadcast_in_dim3A_134 = vector.shape_cast %select_n3A_133 : vector<16xi32> to vector<16x1xi32>
    %gather3A_135 = vector.shape_cast %broadcast_in_dim3A_134 : vector<16x1xi32> to vector<16xi32>
    %gather3A_136 = tpu.dynamic_gather %max3A[%gather3A_135] in [0] : vector<16xf32>, vector<16xi32> -> vector<16xf32>
    %max3A_137 = arith.maximumf %max3A, %gather3A_136 : vector<16xf32>
    %add3A_138 = arith.constant 2 : i32
    %add3A_139 = vector.broadcast %add3A_138 : i32 to vector<16xi32>
    %add3A_140 = arith.addi %iota3A, %add3A_139 : vector<16xi32>
    %and3A_141 = arith.constant 15 : i32
    %and3A_142 = vector.broadcast %and3A_141 : i32 to vector<16xi32>
    %and3A_143 = arith.andi %add3A_140, %and3A_142 : vector<16xi32>
    %lt3A_144 = arith.constant 0 : i32
    %lt3A_145 = vector.broadcast %lt3A_144 : i32 to vector<16xi32>
    %lt3A_146 = arith.cmpi slt, %and3A_143, %lt3A_145 : vector<16xi32>
    %add3A_147 = arith.constant 16 : i32
    %add3A_148 = vector.broadcast %add3A_147 : i32 to vector<16xi32>
    %add3A_149 = arith.addi %and3A_143, %add3A_148 : vector<16xi32>
    %select_n3A_150 = arith.select %lt3A_146, %add3A_149, %and3A_143 : vector<16xi1>, vector<16xi32>
    %broadcast_in_dim3A_151 = vector.shape_cast %select_n3A_150 : vector<16xi32> to vector<16x1xi32>
    %gather3A_152 = vector.shape_cast %broadcast_in_dim3A_151 : vector<16x1xi32> to vector<16xi32>
    %gather3A_153 = tpu.dynamic_gather %max3A_137[%gather3A_152] in [0] : vector<16xf32>, vector<16xi32> -> vector<16xf32>
    %max3A_154 = arith.maximumf %max3A_137, %gather3A_153 : vector<16xf32>
    %add3A_155 = arith.constant 1 : i32
    %add3A_156 = vector.broadcast %add3A_155 : i32 to vector<16xi32>
    %add3A_157 = arith.addi %iota3A, %add3A_156 : vector<16xi32>
    %and3A_158 = arith.constant 15 : i32
    %and3A_159 = vector.broadcast %and3A_158 : i32 to vector<16xi32>
    %and3A_160 = arith.andi %add3A_157, %and3A_159 : vector<16xi32>
    %lt3A_161 = arith.constant 0 : i32
    %lt3A_162 = vector.broadcast %lt3A_161 : i32 to vector<16xi32>
    %lt3A_163 = arith.cmpi slt, %and3A_160, %lt3A_162 : vector<16xi32>
    %add3A_164 = arith.constant 16 : i32
    %add3A_165 = vector.broadcast %add3A_164 : i32 to vector<16xi32>
    %add3A_166 = arith.addi %and3A_160, %add3A_165 : vector<16xi32>
    %select_n3A_167 = arith.select %lt3A_163, %add3A_166, %and3A_160 : vector<16xi1>, vector<16xi32>
    %broadcast_in_dim3A_168 = vector.shape_cast %select_n3A_167 : vector<16xi32> to vector<16x1xi32>
    %gather3A_169 = vector.shape_cast %broadcast_in_dim3A_168 : vector<16x1xi32> to vector<16xi32>
    %gather3A_170 = tpu.dynamic_gather %max3A_154[%gather3A_169] in [0] : vector<16xf32>, vector<16xi32> -> vector<16xf32>
    %max3A_171 = arith.maximumf %max3A_154, %gather3A_170 : vector<16xf32>
    %eq3A_172 = arith.cmpf oeq, %select_n3A_104, %max3A_171 : vector<16xf32>
    %broadcast_in_dim3A_173 = arith.constant 2147483647 : i32
    %broadcast_in_dim3A_174 = vector.broadcast %broadcast_in_dim3A_173 : i32 to vector<16xi32>
    %select_n3A_175 = arith.select %eq3A_172, %select_n3A_105, %broadcast_in_dim3A_174 : vector<16xi1>, vector<16xi32>
    %add3A_176 = arith.constant 8 : i32
    %add3A_177 = vector.broadcast %add3A_176 : i32 to vector<16xi32>
    %add3A_178 = arith.addi %iota3A, %add3A_177 : vector<16xi32>
    %and3A_179 = arith.constant 15 : i32
    %and3A_180 = vector.broadcast %and3A_179 : i32 to vector<16xi32>
    %and3A_181 = arith.andi %add3A_178, %and3A_180 : vector<16xi32>
    %lt3A_182 = arith.constant 0 : i32
    %lt3A_183 = vector.broadcast %lt3A_182 : i32 to vector<16xi32>
    %lt3A_184 = arith.cmpi slt, %and3A_181, %lt3A_183 : vector<16xi32>
    %add3A_185 = arith.constant 16 : i32
    %add3A_186 = vector.broadcast %add3A_185 : i32 to vector<16xi32>
    %add3A_187 = arith.addi %and3A_181, %add3A_186 : vector<16xi32>
    %select_n3A_188 = arith.select %lt3A_184, %add3A_187, %and3A_181 : vector<16xi1>, vector<16xi32>
    %broadcast_in_dim3A_189 = vector.shape_cast %select_n3A_188 : vector<16xi32> to vector<16x1xi32>
    %gather3A_190 = vector.shape_cast %broadcast_in_dim3A_189 : vector<16x1xi32> to vector<16xi32>
    %gather3A_191 = tpu.dynamic_gather %select_n3A_175[%gather3A_190] in [0] : vector<16xi32>, vector<16xi32> -> vector<16xi32>
    %min3A = arith.minsi %select_n3A_175, %gather3A_191 : vector<16xi32>
    %add3A_192 = arith.constant 4 : i32
    %add3A_193 = vector.broadcast %add3A_192 : i32 to vector<16xi32>
    %add3A_194 = arith.addi %iota3A, %add3A_193 : vector<16xi32>
    %and3A_195 = arith.constant 15 : i32
    %and3A_196 = vector.broadcast %and3A_195 : i32 to vector<16xi32>
    %and3A_197 = arith.andi %add3A_194, %and3A_196 : vector<16xi32>
    %lt3A_198 = arith.constant 0 : i32
    %lt3A_199 = vector.broadcast %lt3A_198 : i32 to vector<16xi32>
    %lt3A_200 = arith.cmpi slt, %and3A_197, %lt3A_199 : vector<16xi32>
    %add3A_201 = arith.constant 16 : i32
    %add3A_202 = vector.broadcast %add3A_201 : i32 to vector<16xi32>
    %add3A_203 = arith.addi %and3A_197, %add3A_202 : vector<16xi32>
    %select_n3A_204 = arith.select %lt3A_200, %add3A_203, %and3A_197 : vector<16xi1>, vector<16xi32>
    %broadcast_in_dim3A_205 = vector.shape_cast %select_n3A_204 : vector<16xi32> to vector<16x1xi32>
    %gather3A_206 = vector.shape_cast %broadcast_in_dim3A_205 : vector<16x1xi32> to vector<16xi32>
    %gather3A_207 = tpu.dynamic_gather %min3A[%gather3A_206] in [0] : vector<16xi32>, vector<16xi32> -> vector<16xi32>
    %min3A_208 = arith.minsi %min3A, %gather3A_207 : vector<16xi32>
    %add3A_209 = arith.constant 2 : i32
    %add3A_210 = vector.broadcast %add3A_209 : i32 to vector<16xi32>
    %add3A_211 = arith.addi %iota3A, %add3A_210 : vector<16xi32>
    %and3A_212 = arith.constant 15 : i32
    %and3A_213 = vector.broadcast %and3A_212 : i32 to vector<16xi32>
    %and3A_214 = arith.andi %add3A_211, %and3A_213 : vector<16xi32>
    %lt3A_215 = arith.constant 0 : i32
    %lt3A_216 = vector.broadcast %lt3A_215 : i32 to vector<16xi32>
    %lt3A_217 = arith.cmpi slt, %and3A_214, %lt3A_216 : vector<16xi32>
    %add3A_218 = arith.constant 16 : i32
    %add3A_219 = vector.broadcast %add3A_218 : i32 to vector<16xi32>
    %add3A_220 = arith.addi %and3A_214, %add3A_219 : vector<16xi32>
    %select_n3A_221 = arith.select %lt3A_217, %add3A_220, %and3A_214 : vector<16xi1>, vector<16xi32>
    %broadcast_in_dim3A_222 = vector.shape_cast %select_n3A_221 : vector<16xi32> to vector<16x1xi32>
    %gather3A_223 = vector.shape_cast %broadcast_in_dim3A_222 : vector<16x1xi32> to vector<16xi32>
    %gather3A_224 = tpu.dynamic_gather %min3A_208[%gather3A_223] in [0] : vector<16xi32>, vector<16xi32> -> vector<16xi32>
    %min3A_225 = arith.minsi %min3A_208, %gather3A_224 : vector<16xi32>
    %add3A_226 = arith.constant 1 : i32
    %add3A_227 = vector.broadcast %add3A_226 : i32 to vector<16xi32>
    %add3A_228 = arith.addi %iota3A, %add3A_227 : vector<16xi32>
    %and3A_229 = arith.constant 15 : i32
    %and3A_230 = vector.broadcast %and3A_229 : i32 to vector<16xi32>
    %and3A_231 = arith.andi %add3A_228, %and3A_230 : vector<16xi32>
    %lt3A_232 = arith.constant 0 : i32
    %lt3A_233 = vector.broadcast %lt3A_232 : i32 to vector<16xi32>
    %lt3A_234 = arith.cmpi slt, %and3A_231, %lt3A_233 : vector<16xi32>
    %add3A_235 = arith.constant 16 : i32
    %add3A_236 = vector.broadcast %add3A_235 : i32 to vector<16xi32>
    %add3A_237 = arith.addi %and3A_231, %add3A_236 : vector<16xi32>
    %select_n3A_238 = arith.select %lt3A_234, %add3A_237, %and3A_231 : vector<16xi1>, vector<16xi32>
    %broadcast_in_dim3A_239 = vector.shape_cast %select_n3A_238 : vector<16xi32> to vector<16x1xi32>
    %gather3A_240 = vector.shape_cast %broadcast_in_dim3A_239 : vector<16x1xi32> to vector<16xi32>
    %gather3A_241 = tpu.dynamic_gather %min3A_225[%gather3A_240] in [0] : vector<16xi32>, vector<16xi32> -> vector<16xi32>
    %min3A_242 = arith.minsi %min3A_225, %gather3A_241 : vector<16xi32>
    %eq3A_243 = arith.constant 0 : i32
    %eq3A_244 = vector.broadcast %eq3A_243 : i32 to vector<16xi32>
    %eq3A_245 = arith.cmpi eq, %iota3A, %eq3A_244 : vector<16xi32>
    %select_n3A_246 = arith.select %eq3A_245, %min3A_242, %broadcast_in_dim3A_10 : vector<16xi1>, vector<16xi32>
    %swap3A = arith.constant 0 : index
    %swap3A_247 = tpu.vector_load %arg6[%swap3A] {strides = array<i32>} : memref<16xi32, #tpu.memory_space<vmem>>, vector<16xi32>,
    %swap3A_248 = vector.shape_cast %swap3A_247 : vector<16xi32> to vector<16xi32>
    %swap3A_249 = vector.shape_cast %select_n3A_246 : vector<16xi32> to vector<16xi32>
    tpu.vector_store %arg6[%swap3A], %swap3A_249 {strides = array<i32>} : memref<16xi32, #tpu.memory_space<vmem>>, vector<16xi32>,
    %mul3A_250 = arith.constant 16 : i32
    %mul3A_251 = arith.muli %add3A, %mul3A_250 : i32
    "tpu.region"() ({
      %run_scoped3A = tpu.sem_alloc : memref<!tpu.dma_semaphore, #tpu.memory_space<semaphore_mem>>
      %dma_start3A_252 = tpu.memref_slice %arg3[%mul3A_251] : memref<512xi32, #tpu.memory_space<hbm>> -> memref<16xi32, #tpu.memory_space<hbm>>
      %dma_start3A_253 = tpu.memref_slice %arg3[%mul3A_251] : memref<512xi32, #tpu.memory_space<hbm>> -> memref<16xi32, #tpu.memory_space<hbm>>
      tpu.enqueue_dma source(%arg6 : memref<16xi32, #tpu.memory_space<vmem>>) target(%dma_start3A_253 : memref<16xi32, #tpu.memory_space<hbm>>) target_semaphore(%run_scoped3A : memref<!tpu.dma_semaphore, #tpu.memory_space<semaphore_mem>>)
      %dma_wait3A_254 = tpu.memref_slice %arg3[%mul3A_251] : memref<512xi32, #tpu.memory_space<hbm>> -> memref<16xi32, #tpu.memory_space<hbm>>
      %dma_wait3A_255 = tpu.memref_slice %arg3[%mul3A_251] : memref<512xi32, #tpu.memory_space<hbm>> -> memref<16xi32, #tpu.memory_space<hbm>>
      tpu.wait_dma2 semaphore(%run_scoped3A : memref<!tpu.dma_semaphore, #tpu.memory_space<semaphore_mem>>) src(%arg6 : memref<16xi32, #tpu.memory_space<vmem>>) dst(%dma_wait3A_255 : memref<16xi32, #tpu.memory_space<hbm>>)
      tpu.yield
    }) : () -> ()
    return
  }
}

module attributes {stable_mosaic.version = 14 : i64} {
  func.func @_tc_body(%arg0: i32, %arg1: memref<8x32768xf32, #tpu.memory_space<vmem>>, %arg2: memref<1x1x8xi32, #tpu.memory_space<vmem>>) attributes {dimension_semantics = [#tpu.dimension_semantics<arbitrary>], iteration_bounds = array<i64: 12>, scalar_prefetch = 0 : i64, scratch_operands = 0 : i64, tpu.core_type = #tpu.core_type<tc>, window_params = [{transform_indices = @transform_0, window_bounds = array<i64: 8, 32768>}, {transform_indices = @transform_1, window_bounds = array<i64: 1, 1, 8>}]} {
    %iota3A = tpu.iota {dimensions = array<i32: 1>} : vector<8x128xi32>
    %broadcast_in_dim3A = arith.constant 0xFF800000 : f32
    %broadcast_in_dim3A_0 = vector.broadcast %broadcast_in_dim3A : f32 to vector<8x128xf32>
    %broadcast_in_dim3A_1 = arith.constant 0xFF800000 : f32
    %broadcast_in_dim3A_2 = vector.broadcast %broadcast_in_dim3A_1 : f32 to vector<8x128xf32>
    %broadcast_in_dim3A_3 = arith.constant 0xFF800000 : f32
    %broadcast_in_dim3A_4 = vector.broadcast %broadcast_in_dim3A_3 : f32 to vector<8x128xf32>
    %broadcast_in_dim3A_5 = arith.constant 0xFF800000 : f32
    %broadcast_in_dim3A_6 = vector.broadcast %broadcast_in_dim3A_5 : f32 to vector<8x128xf32>
    %broadcast_in_dim3A_7 = arith.constant 0xFF800000 : f32
    %broadcast_in_dim3A_8 = vector.broadcast %broadcast_in_dim3A_7 : f32 to vector<8x128xf32>
    %broadcast_in_dim3A_9 = arith.constant 0xFF800000 : f32
    %broadcast_in_dim3A_10 = vector.broadcast %broadcast_in_dim3A_9 : f32 to vector<8x128xf32>
    %broadcast_in_dim3A_11 = arith.constant 0xFF800000 : f32
    %broadcast_in_dim3A_12 = vector.broadcast %broadcast_in_dim3A_11 : f32 to vector<8x128xf32>
    %broadcast_in_dim3A_13 = arith.constant 0xFF800000 : f32
    %broadcast_in_dim3A_14 = vector.broadcast %broadcast_in_dim3A_13 : f32 to vector<8x128xf32>
    %broadcast_in_dim3A_15 = arith.constant 0 : i32
    %broadcast_in_dim3A_16 = vector.broadcast %broadcast_in_dim3A_15 : i32 to vector<8x128xi32>
    %broadcast_in_dim3A_17 = arith.constant 0 : i32
    %broadcast_in_dim3A_18 = vector.broadcast %broadcast_in_dim3A_17 : i32 to vector<8x128xi32>
    %broadcast_in_dim3A_19 = arith.constant 0 : i32
    %broadcast_in_dim3A_20 = vector.broadcast %broadcast_in_dim3A_19 : i32 to vector<8x128xi32>
    %broadcast_in_dim3A_21 = arith.constant 0 : i32
    %broadcast_in_dim3A_22 = vector.broadcast %broadcast_in_dim3A_21 : i32 to vector<8x128xi32>
    %broadcast_in_dim3A_23 = arith.constant 0 : i32
    %broadcast_in_dim3A_24 = vector.broadcast %broadcast_in_dim3A_23 : i32 to vector<8x128xi32>
    %broadcast_in_dim3A_25 = arith.constant 0 : i32
    %broadcast_in_dim3A_26 = vector.broadcast %broadcast_in_dim3A_25 : i32 to vector<8x128xi32>
    %broadcast_in_dim3A_27 = arith.constant 0 : i32
    %broadcast_in_dim3A_28 = vector.broadcast %broadcast_in_dim3A_27 : i32 to vector<8x128xi32>
    %broadcast_in_dim3A_29 = arith.constant 0 : i32
    %broadcast_in_dim3A_30 = vector.broadcast %broadcast_in_dim3A_29 : i32 to vector<8x128xi32>
    %get3A = arith.constant 0 : index
    %get3A_31 = arith.constant 0 : index
    %get3A_32 = vector.load %arg1[%get3A, %get3A_31] : memref<8x32768xf32, #tpu.memory_space<vmem>>, vector<8x128xf32>
    %add3A = arith.constant 0 : i32
    %add3A_33 = vector.broadcast %add3A : i32 to vector<8x128xi32>
    %add3A_34 = arith.addi %iota3A, %add3A_33 : vector<8x128xi32>
    %gt3A = arith.cmpf ogt, %get3A_32, %broadcast_in_dim3A_0 : vector<8x128xf32>
    %select_n3A = arith.select %gt3A, %get3A_32, %broadcast_in_dim3A_0 : vector<8x128xi1>, vector<8x128xf32>
    %select_n3A_35 = arith.select %gt3A, %add3A_34, %broadcast_in_dim3A_16 : vector<8x128xi1>, vector<8x128xi32>
    %get3A_36 = arith.constant 0 : index
    %get3A_37 = arith.constant 128 : index
    %get3A_38 = vector.load %arg1[%get3A_36, %get3A_37] : memref<8x32768xf32, #tpu.memory_space<vmem>>, vector<8x128xf32>
    %add3A_39 = arith.constant 128 : i32
    %add3A_40 = vector.broadcast %add3A_39 : i32 to vector<8x128xi32>
    %add3A_41 = arith.addi %iota3A, %add3A_40 : vector<8x128xi32>
    %gt3A_42 = arith.cmpf ogt, %get3A_38, %broadcast_in_dim3A_2 : vector<8x128xf32>
    %select_n3A_43 = arith.select %gt3A_42, %get3A_38, %broadcast_in_dim3A_2 : vector<8x128xi1>, vector<8x128xf32>
    %select_n3A_44 = arith.select %gt3A_42, %add3A_41, %broadcast_in_dim3A_18 : vector<8x128xi1>, vector<8x128xi32>
    %get3A_45 = arith.constant 0 : index
    %get3A_46 = arith.constant 256 : index
    %get3A_47 = vector.load %arg1[%get3A_45, %get3A_46] : memref<8x32768xf32, #tpu.memory_space<vmem>>, vector<8x128xf32>
    %add3A_48 = arith.constant 256 : i32
    %add3A_49 = vector.broadcast %add3A_48 : i32 to vector<8x128xi32>
    %add3A_50 = arith.addi %iota3A, %add3A_49 : vector<8x128xi32>
    %gt3A_51 = arith.cmpf ogt, %get3A_47, %broadcast_in_dim3A_4 : vector<8x128xf32>
    %select_n3A_52 = arith.select %gt3A_51, %get3A_47, %broadcast_in_dim3A_4 : vector<8x128xi1>, vector<8x128xf32>
    %select_n3A_53 = arith.select %gt3A_51, %add3A_50, %broadcast_in_dim3A_20 : vector<8x128xi1>, vector<8x128xi32>
    %get3A_54 = arith.constant 0 : index
    %get3A_55 = arith.constant 384 : index
    %get3A_56 = vector.load %arg1[%get3A_54, %get3A_55] : memref<8x32768xf32, #tpu.memory_space<vmem>>, vector<8x128xf32>
    %add3A_57 = arith.constant 384 : i32
    %add3A_58 = vector.broadcast %add3A_57 : i32 to vector<8x128xi32>
    %add3A_59 = arith.addi %iota3A, %add3A_58 : vector<8x128xi32>
    %gt3A_60 = arith.cmpf ogt, %get3A_56, %broadcast_in_dim3A_6 : vector<8x128xf32>
    %select_n3A_61 = arith.select %gt3A_60, %get3A_56, %broadcast_in_dim3A_6 : vector<8x128xi1>, vector<8x128xf32>
    %select_n3A_62 = arith.select %gt3A_60, %add3A_59, %broadcast_in_dim3A_22 : vector<8x128xi1>, vector<8x128xi32>
    %get3A_63 = arith.constant 0 : index
    %get3A_64 = arith.constant 512 : index
    %get3A_65 = vector.load %arg1[%get3A_63, %get3A_64] : memref<8x32768xf32, #tpu.memory_space<vmem>>, vector<8x128xf32>
    %add3A_66 = arith.constant 512 : i32
    %add3A_67 = vector.broadcast %add3A_66 : i32 to vector<8x128xi32>
    %add3A_68 = arith.addi %iota3A, %add3A_67 : vector<8x128xi32>
    %gt3A_69 = arith.cmpf ogt, %get3A_65, %broadcast_in_dim3A_8 : vector<8x128xf32>
    %select_n3A_70 = arith.select %gt3A_69, %get3A_65, %broadcast_in_dim3A_8 : vector<8x128xi1>, vector<8x128xf32>
    %select_n3A_71 = arith.select %gt3A_69, %add3A_68, %broadcast_in_dim3A_24 : vector<8x128xi1>, vector<8x128xi32>
    %get3A_72 = arith.constant 0 : index
    %get3A_73 = arith.constant 640 : index
    %get3A_74 = vector.load %arg1[%get3A_72, %get3A_73] : memref<8x32768xf32, #tpu.memory_space<vmem>>, vector<8x128xf32>
    %add3A_75 = arith.constant 640 : i32
    %add3A_76 = vector.broadcast %add3A_75 : i32 to vector<8x128xi32>
    %add3A_77 = arith.addi %iota3A, %add3A_76 : vector<8x128xi32>
    %gt3A_78 = arith.cmpf ogt, %get3A_74, %broadcast_in_dim3A_10 : vector<8x128xf32>
    %select_n3A_79 = arith.select %gt3A_78, %get3A_74, %broadcast_in_dim3A_10 : vector<8x128xi1>, vector<8x128xf32>
    %select_n3A_80 = arith.select %gt3A_78, %add3A_77, %broadcast_in_dim3A_26 : vector<8x128xi1>, vector<8x128xi32>
    %get3A_81 = arith.constant 0 : index
    %get3A_82 = arith.constant 768 : index
    %get3A_83 = vector.load %arg1[%get3A_81, %get3A_82] : memref<8x32768xf32, #tpu.memory_space<vmem>>, vector<8x128xf32>
    %add3A_84 = arith.constant 768 : i32
    %add3A_85 = vector.broadcast %add3A_84 : i32 to vector<8x128xi32>
    %add3A_86 = arith.addi %iota3A, %add3A_85 : vector<8x128xi32>
    %gt3A_87 = arith.cmpf ogt, %get3A_83, %broadcast_in_dim3A_12 : vector<8x128xf32>
    %select_n3A_88 = arith.select %gt3A_87, %get3A_83, %broadcast_in_dim3A_12 : vector<8x128xi1>, vector<8x128xf32>
    %select_n3A_89 = arith.select %gt3A_87, %add3A_86, %broadcast_in_dim3A_28 : vector<8x128xi1>, vector<8x128xi32>
    %get3A_90 = arith.constant 0 : index
    %get3A_91 = arith.constant 896 : index
    %get3A_92 = vector.load %arg1[%get3A_90, %get3A_91] : memref<8x32768xf32, #tpu.memory_space<vmem>>, vector<8x128xf32>
    %add3A_93 = arith.constant 896 : i32
    %add3A_94 = vector.broadcast %add3A_93 : i32 to vector<8x128xi32>
    %add3A_95 = arith.addi %iota3A, %add3A_94 : vector<8x128xi32>
    %gt3A_96 = arith.cmpf ogt, %get3A_92, %broadcast_in_dim3A_14 : vector<8x128xf32>
    %select_n3A_97 = arith.select %gt3A_96, %get3A_92, %broadcast_in_dim3A_14 : vector<8x128xi1>, vector<8x128xf32>
    %select_n3A_98 = arith.select %gt3A_96, %add3A_95, %broadcast_in_dim3A_30 : vector<8x128xi1>, vector<8x128xi32>
    %get3A_99 = arith.constant 0 : index
    %get3A_100 = arith.constant 1024 : index
    %get3A_101 = vector.load %arg1[%get3A_99, %get3A_100] : memref<8x32768xf32, #tpu.memory_space<vmem>>, vector<8x128xf32>
    %add3A_102 = arith.constant 1024 : i32
    %add3A_103 = vector.broadcast %add3A_102 : i32 to vector<8x128xi32>
    %add3A_104 = arith.addi %iota3A, %add3A_103 : vector<8x128xi32>
    %gt3A_105 = arith.cmpf ogt, %get3A_101, %select_n3A : vector<8x128xf32>
    %select_n3A_106 = arith.select %gt3A_105, %get3A_101, %select_n3A : vector<8x128xi1>, vector<8x128xf32>
    %select_n3A_107 = arith.select %gt3A_105, %add3A_104, %select_n3A_35 : vector<8x128xi1>, vector<8x128xi32>
    %get3A_108 = arith.constant 0 : index
    %get3A_109 = arith.constant 1152 : index
    %get3A_110 = vector.load %arg1[%get3A_108, %get3A_109] : memref<8x32768xf32, #tpu.memory_space<vmem>>, vector<8x128xf32>
    %add3A_111 = arith.constant 1152 : i32
    %add3A_112 = vector.broadcast %add3A_111 : i32 to vector<8x128xi32>
    %add3A_113 = arith.addi %iota3A, %add3A_112 : vector<8x128xi32>
    %gt3A_114 = arith.cmpf ogt, %get3A_110, %select_n3A_43 : vector<8x128xf32>
    %select_n3A_115 = arith.select %gt3A_114, %get3A_110, %select_n3A_43 : vector<8x128xi1>, vector<8x128xf32>
    %select_n3A_116 = arith.select %gt3A_114, %add3A_113, %select_n3A_44 : vector<8x128xi1>, vector<8x128xi32>
    %get3A_117 = arith.constant 0 : index
    %get3A_118 = arith.constant 1280 : index
    %get3A_119 = vector.load %arg1[%get3A_117, %get3A_118] : memref<8x32768xf32, #tpu.memory_space<vmem>>, vector<8x128xf32>
    %add3A_120 = arith.constant 1280 : i32
    %add3A_121 = vector.broadcast %add3A_120 : i32 to vector<8x128xi32>
    %add3A_122 = arith.addi %iota3A, %add3A_121 : vector<8x128xi32>
    %gt3A_123 = arith.cmpf ogt, %get3A_119, %select_n3A_52 : vector<8x128xf32>
    %select_n3A_124 = arith.select %gt3A_123, %get3A_119, %select_n3A_52 : vector<8x128xi1>, vector<8x128xf32>
    %select_n3A_125 = arith.select %gt3A_123, %add3A_122, %select_n3A_53 : vector<8x128xi1>, vector<8x128xi32>
    %get3A_126 = arith.constant 0 : index
    %get3A_127 = arith.constant 1408 : index
    %get3A_128 = vector.load %arg1[%get3A_126, %get3A_127] : memref<8x32768xf32, #tpu.memory_space<vmem>>, vector<8x128xf32>
    %add3A_129 = arith.constant 1408 : i32
    %add3A_130 = vector.broadcast %add3A_129 : i32 to vector<8x128xi32>
    %add3A_131 = arith.addi %iota3A, %add3A_130 : vector<8x128xi32>
    %gt3A_132 = arith.cmpf ogt, %get3A_128, %select_n3A_61 : vector<8x128xf32>
    %select_n3A_133 = arith.select %gt3A_132, %get3A_128, %select_n3A_61 : vector<8x128xi1>, vector<8x128xf32>
    %select_n3A_134 = arith.select %gt3A_132, %add3A_131, %select_n3A_62 : vector<8x128xi1>, vector<8x128xi32>
    %get3A_135 = arith.constant 0 : index
    %get3A_136 = arith.constant 1536 : index
    %get3A_137 = vector.load %arg1[%get3A_135, %get3A_136] : memref<8x32768xf32, #tpu.memory_space<vmem>>, vector<8x128xf32>
    %add3A_138 = arith.constant 1536 : i32
    %add3A_139 = vector.broadcast %add3A_138 : i32 to vector<8x128xi32>
    %add3A_140 = arith.addi %iota3A, %add3A_139 : vector<8x128xi32>
    %gt3A_141 = arith.cmpf ogt, %get3A_137, %select_n3A_70 : vector<8x128xf32>
    %select_n3A_142 = arith.select %gt3A_141, %get3A_137, %select_n3A_70 : vector<8x128xi1>, vector<8x128xf32>
    %select_n3A_143 = arith.select %gt3A_141, %add3A_140, %select_n3A_71 : vector<8x128xi1>, vector<8x128xi32>
    %get3A_144 = arith.constant 0 : index
    %get3A_145 = arith.constant 1664 : index
    %get3A_146 = vector.load %arg1[%get3A_144, %get3A_145] : memref<8x32768xf32, #tpu.memory_space<vmem>>, vector<8x128xf32>
    %add3A_147 = arith.constant 1664 : i32
    %add3A_148 = vector.broadcast %add3A_147 : i32 to vector<8x128xi32>
    %add3A_149 = arith.addi %iota3A, %add3A_148 : vector<8x128xi32>
    %gt3A_150 = arith.cmpf ogt, %get3A_146, %select_n3A_79 : vector<8x128xf32>
    %select_n3A_151 = arith.select %gt3A_150, %get3A_146, %select_n3A_79 : vector<8x128xi1>, vector<8x128xf32>
    %select_n3A_152 = arith.select %gt3A_150, %add3A_149, %select_n3A_80 : vector<8x128xi1>, vector<8x128xi32>
    %get3A_153 = arith.constant 0 : index
    %get3A_154 = arith.constant 1792 : index
    %get3A_155 = vector.load %arg1[%get3A_153, %get3A_154] : memref<8x32768xf32, #tpu.memory_space<vmem>>, vector<8x128xf32>
    %add3A_156 = arith.constant 1792 : i32
    %add3A_157 = vector.broadcast %add3A_156 : i32 to vector<8x128xi32>
    %add3A_158 = arith.addi %iota3A, %add3A_157 : vector<8x128xi32>
    %gt3A_159 = arith.cmpf ogt, %get3A_155, %select_n3A_88 : vector<8x128xf32>
    %select_n3A_160 = arith.select %gt3A_159, %get3A_155, %select_n3A_88 : vector<8x128xi1>, vector<8x128xf32>
    %select_n3A_161 = arith.select %gt3A_159, %add3A_158, %select_n3A_89 : vector<8x128xi1>, vector<8x128xi32>
    %get3A_162 = arith.constant 0 : index
    %get3A_163 = arith.constant 1920 : index
    %get3A_164 = vector.load %arg1[%get3A_162, %get3A_163] : memref<8x32768xf32, #tpu.memory_space<vmem>>, vector<8x128xf32>
    %add3A_165 = arith.constant 1920 : i32
    %add3A_166 = vector.broadcast %add3A_165 : i32 to vector<8x128xi32>
    %add3A_167 = arith.addi %iota3A, %add3A_166 : vector<8x128xi32>
    %gt3A_168 = arith.cmpf ogt, %get3A_164, %select_n3A_97 : vector<8x128xf32>
    %select_n3A_169 = arith.select %gt3A_168, %get3A_164, %select_n3A_97 : vector<8x128xi1>, vector<8x128xf32>
    %select_n3A_170 = arith.select %gt3A_168, %add3A_167, %select_n3A_98 : vector<8x128xi1>, vector<8x128xi32>
    %get3A_171 = arith.constant 0 : index
    %get3A_172 = arith.constant 2048 : index
    %get3A_173 = vector.load %arg1[%get3A_171, %get3A_172] : memref<8x32768xf32, #tpu.memory_space<vmem>>, vector<8x128xf32>
    %add3A_174 = arith.constant 2048 : i32
    %add3A_175 = vector.broadcast %add3A_174 : i32 to vector<8x128xi32>
    %add3A_176 = arith.addi %iota3A, %add3A_175 : vector<8x128xi32>
    %gt3A_177 = arith.cmpf ogt, %get3A_173, %select_n3A_106 : vector<8x128xf32>
    %select_n3A_178 = arith.select %gt3A_177, %get3A_173, %select_n3A_106 : vector<8x128xi1>, vector<8x128xf32>
    %select_n3A_179 = arith.select %gt3A_177, %add3A_176, %select_n3A_107 : vector<8x128xi1>, vector<8x128xi32>
    %get3A_180 = arith.constant 0 : index
    %get3A_181 = arith.constant 2176 : index
    %get3A_182 = vector.load %arg1[%get3A_180, %get3A_181] : memref<8x32768xf32, #tpu.memory_space<vmem>>, vector<8x128xf32>
    %add3A_183 = arith.constant 2176 : i32
    %add3A_184 = vector.broadcast %add3A_183 : i32 to vector<8x128xi32>
    %add3A_185 = arith.addi %iota3A, %add3A_184 : vector<8x128xi32>
    %gt3A_186 = arith.cmpf ogt, %get3A_182, %select_n3A_115 : vector<8x128xf32>
    %select_n3A_187 = arith.select %gt3A_186, %get3A_182, %select_n3A_115 : vector<8x128xi1>, vector<8x128xf32>
    %select_n3A_188 = arith.select %gt3A_186, %add3A_185, %select_n3A_116 : vector<8x128xi1>, vector<8x128xi32>
    %get3A_189 = arith.constant 0 : index
    %get3A_190 = arith.constant 2304 : index
    %get3A_191 = vector.load %arg1[%get3A_189, %get3A_190] : memref<8x32768xf32, #tpu.memory_space<vmem>>, vector<8x128xf32>
    %add3A_192 = arith.constant 2304 : i32
    %add3A_193 = vector.broadcast %add3A_192 : i32 to vector<8x128xi32>
    %add3A_194 = arith.addi %iota3A, %add3A_193 : vector<8x128xi32>
    %gt3A_195 = arith.cmpf ogt, %get3A_191, %select_n3A_124 : vector<8x128xf32>
    %select_n3A_196 = arith.select %gt3A_195, %get3A_191, %select_n3A_124 : vector<8x128xi1>, vector<8x128xf32>
    %select_n3A_197 = arith.select %gt3A_195, %add3A_194, %select_n3A_125 : vector<8x128xi1>, vector<8x128xi32>
    %get3A_198 = arith.constant 0 : index
    %get3A_199 = arith.constant 2432 : index
    %get3A_200 = vector.load %arg1[%get3A_198, %get3A_199] : memref<8x32768xf32, #tpu.memory_space<vmem>>, vector<8x128xf32>
    %add3A_201 = arith.constant 2432 : i32
    %add3A_202 = vector.broadcast %add3A_201 : i32 to vector<8x128xi32>
    %add3A_203 = arith.addi %iota3A, %add3A_202 : vector<8x128xi32>
    %gt3A_204 = arith.cmpf ogt, %get3A_200, %select_n3A_133 : vector<8x128xf32>
    %select_n3A_205 = arith.select %gt3A_204, %get3A_200, %select_n3A_133 : vector<8x128xi1>, vector<8x128xf32>
    %select_n3A_206 = arith.select %gt3A_204, %add3A_203, %select_n3A_134 : vector<8x128xi1>, vector<8x128xi32>
    %get3A_207 = arith.constant 0 : index
    %get3A_208 = arith.constant 2560 : index
    %get3A_209 = vector.load %arg1[%get3A_207, %get3A_208] : memref<8x32768xf32, #tpu.memory_space<vmem>>, vector<8x128xf32>
    %add3A_210 = arith.constant 2560 : i32
    %add3A_211 = vector.broadcast %add3A_210 : i32 to vector<8x128xi32>
    %add3A_212 = arith.addi %iota3A, %add3A_211 : vector<8x128xi32>
    %gt3A_213 = arith.cmpf ogt, %get3A_209, %select_n3A_142 : vector<8x128xf32>
    %select_n3A_214 = arith.select %gt3A_213, %get3A_209, %select_n3A_142 : vector<8x128xi1>, vector<8x128xf32>
    %select_n3A_215 = arith.select %gt3A_213, %add3A_212, %select_n3A_143 : vector<8x128xi1>, vector<8x128xi32>
    %get3A_216 = arith.constant 0 : index
    %get3A_217 = arith.constant 2688 : index
    %get3A_218 = vector.load %arg1[%get3A_216, %get3A_217] : memref<8x32768xf32, #tpu.memory_space<vmem>>, vector<8x128xf32>
    %add3A_219 = arith.constant 2688 : i32
    %add3A_220 = vector.broadcast %add3A_219 : i32 to vector<8x128xi32>
    %add3A_221 = arith.addi %iota3A, %add3A_220 : vector<8x128xi32>
    %gt3A_222 = arith.cmpf ogt, %get3A_218, %select_n3A_151 : vector<8x128xf32>
    %select_n3A_223 = arith.select %gt3A_222, %get3A_218, %select_n3A_151 : vector<8x128xi1>, vector<8x128xf32>
    %select_n3A_224 = arith.select %gt3A_222, %add3A_221, %select_n3A_152 : vector<8x128xi1>, vector<8x128xi32>
    %get3A_225 = arith.constant 0 : index
    %get3A_226 = arith.constant 2816 : index
    %get3A_227 = vector.load %arg1[%get3A_225, %get3A_226] : memref<8x32768xf32, #tpu.memory_space<vmem>>, vector<8x128xf32>
    %add3A_228 = arith.constant 2816 : i32
    %add3A_229 = vector.broadcast %add3A_228 : i32 to vector<8x128xi32>
    %add3A_230 = arith.addi %iota3A, %add3A_229 : vector<8x128xi32>
    %gt3A_231 = arith.cmpf ogt, %get3A_227, %select_n3A_160 : vector<8x128xf32>
    %select_n3A_232 = arith.select %gt3A_231, %get3A_227, %select_n3A_160 : vector<8x128xi1>, vector<8x128xf32>
    %select_n3A_233 = arith.select %gt3A_231, %add3A_230, %select_n3A_161 : vector<8x128xi1>, vector<8x128xi32>
    %get3A_234 = arith.constant 0 : index
    %get3A_235 = arith.constant 2944 : index
    %get3A_236 = vector.load %arg1[%get3A_234, %get3A_235] : memref<8x32768xf32, #tpu.memory_space<vmem>>, vector<8x128xf32>
    %add3A_237 = arith.constant 2944 : i32
    %add3A_238 = vector.broadcast %add3A_237 : i32 to vector<8x128xi32>
    %add3A_239 = arith.addi %iota3A, %add3A_238 : vector<8x128xi32>
    %gt3A_240 = arith.cmpf ogt, %get3A_236, %select_n3A_169 : vector<8x128xf32>
    %select_n3A_241 = arith.select %gt3A_240, %get3A_236, %select_n3A_169 : vector<8x128xi1>, vector<8x128xf32>
    %select_n3A_242 = arith.select %gt3A_240, %add3A_239, %select_n3A_170 : vector<8x128xi1>, vector<8x128xi32>
    %get3A_243 = arith.constant 0 : index
    %get3A_244 = arith.constant 3072 : index
    %get3A_245 = vector.load %arg1[%get3A_243, %get3A_244] : memref<8x32768xf32, #tpu.memory_space<vmem>>, vector<8x128xf32>
    %add3A_246 = arith.constant 3072 : i32
    %add3A_247 = vector.broadcast %add3A_246 : i32 to vector<8x128xi32>
    %add3A_248 = arith.addi %iota3A, %add3A_247 : vector<8x128xi32>
    %gt3A_249 = arith.cmpf ogt, %get3A_245, %select_n3A_178 : vector<8x128xf32>
    %select_n3A_250 = arith.select %gt3A_249, %get3A_245, %select_n3A_178 : vector<8x128xi1>, vector<8x128xf32>
    %select_n3A_251 = arith.select %gt3A_249, %add3A_248, %select_n3A_179 : vector<8x128xi1>, vector<8x128xi32>
    %get3A_252 = arith.constant 0 : index
    %get3A_253 = arith.constant 3200 : index
    %get3A_254 = vector.load %arg1[%get3A_252, %get3A_253] : memref<8x32768xf32, #tpu.memory_space<vmem>>, vector<8x128xf32>
    %add3A_255 = arith.constant 3200 : i32
    %add3A_256 = vector.broadcast %add3A_255 : i32 to vector<8x128xi32>
    %add3A_257 = arith.addi %iota3A, %add3A_256 : vector<8x128xi32>
    %gt3A_258 = arith.cmpf ogt, %get3A_254, %select_n3A_187 : vector<8x128xf32>
    %select_n3A_259 = arith.select %gt3A_258, %get3A_254, %select_n3A_187 : vector<8x128xi1>, vector<8x128xf32>
    %select_n3A_260 = arith.select %gt3A_258, %add3A_257, %select_n3A_188 : vector<8x128xi1>, vector<8x128xi32>
    %get3A_261 = arith.constant 0 : index
    %get3A_262 = arith.constant 3328 : index
    %get3A_263 = vector.load %arg1[%get3A_261, %get3A_262] : memref<8x32768xf32, #tpu.memory_space<vmem>>, vector<8x128xf32>
    %add3A_264 = arith.constant 3328 : i32
    %add3A_265 = vector.broadcast %add3A_264 : i32 to vector<8x128xi32>
    %add3A_266 = arith.addi %iota3A, %add3A_265 : vector<8x128xi32>
    %gt3A_267 = arith.cmpf ogt, %get3A_263, %select_n3A_196 : vector<8x128xf32>
    %select_n3A_268 = arith.select %gt3A_267, %get3A_263, %select_n3A_196 : vector<8x128xi1>, vector<8x128xf32>
    %select_n3A_269 = arith.select %gt3A_267, %add3A_266, %select_n3A_197 : vector<8x128xi1>, vector<8x128xi32>
    %get3A_270 = arith.constant 0 : index
    %get3A_271 = arith.constant 3456 : index
    %get3A_272 = vector.load %arg1[%get3A_270, %get3A_271] : memref<8x32768xf32, #tpu.memory_space<vmem>>, vector<8x128xf32>
    %add3A_273 = arith.constant 3456 : i32
    %add3A_274 = vector.broadcast %add3A_273 : i32 to vector<8x128xi32>
    %add3A_275 = arith.addi %iota3A, %add3A_274 : vector<8x128xi32>
    %gt3A_276 = arith.cmpf ogt, %get3A_272, %select_n3A_205 : vector<8x128xf32>
    %select_n3A_277 = arith.select %gt3A_276, %get3A_272, %select_n3A_205 : vector<8x128xi1>, vector<8x128xf32>
    %select_n3A_278 = arith.select %gt3A_276, %add3A_275, %select_n3A_206 : vector<8x128xi1>, vector<8x128xi32>
    %get3A_279 = arith.constant 0 : index
    %get3A_280 = arith.constant 3584 : index
    %get3A_281 = vector.load %arg1[%get3A_279, %get3A_280] : memref<8x32768xf32, #tpu.memory_space<vmem>>, vector<8x128xf32>
    %add3A_282 = arith.constant 3584 : i32
    %add3A_283 = vector.broadcast %add3A_282 : i32 to vector<8x128xi32>
    %add3A_284 = arith.addi %iota3A, %add3A_283 : vector<8x128xi32>
    %gt3A_285 = arith.cmpf ogt, %get3A_281, %select_n3A_214 : vector<8x128xf32>
    %select_n3A_286 = arith.select %gt3A_285, %get3A_281, %select_n3A_214 : vector<8x128xi1>, vector<8x128xf32>
    %select_n3A_287 = arith.select %gt3A_285, %add3A_284, %select_n3A_215 : vector<8x128xi1>, vector<8x128xi32>
    %get3A_288 = arith.constant 0 : index
    %get3A_289 = arith.constant 3712 : index
    %get3A_290 = vector.load %arg1[%get3A_288, %get3A_289] : memref<8x32768xf32, #tpu.memory_space<vmem>>, vector<8x128xf32>
    %add3A_291 = arith.constant 3712 : i32
    %add3A_292 = vector.broadcast %add3A_291 : i32 to vector<8x128xi32>
    %add3A_293 = arith.addi %iota3A, %add3A_292 : vector<8x128xi32>
    %gt3A_294 = arith.cmpf ogt, %get3A_290, %select_n3A_223 : vector<8x128xf32>
    %select_n3A_295 = arith.select %gt3A_294, %get3A_290, %select_n3A_223 : vector<8x128xi1>, vector<8x128xf32>
    %select_n3A_296 = arith.select %gt3A_294, %add3A_293, %select_n3A_224 : vector<8x128xi1>, vector<8x128xi32>
    %get3A_297 = arith.constant 0 : index
    %get3A_298 = arith.constant 3840 : index
    %get3A_299 = vector.load %arg1[%get3A_297, %get3A_298] : memref<8x32768xf32, #tpu.memory_space<vmem>>, vector<8x128xf32>
    %add3A_300 = arith.constant 3840 : i32
    %add3A_301 = vector.broadcast %add3A_300 : i32 to vector<8x128xi32>
    %add3A_302 = arith.addi %iota3A, %add3A_301 : vector<8x128xi32>
    %gt3A_303 = arith.cmpf ogt, %get3A_299, %select_n3A_232 : vector<8x128xf32>
    %select_n3A_304 = arith.select %gt3A_303, %get3A_299, %select_n3A_232 : vector<8x128xi1>, vector<8x128xf32>
    %select_n3A_305 = arith.select %gt3A_303, %add3A_302, %select_n3A_233 : vector<8x128xi1>, vector<8x128xi32>
    %get3A_306 = arith.constant 0 : index
    %get3A_307 = arith.constant 3968 : index
    %get3A_308 = vector.load %arg1[%get3A_306, %get3A_307] : memref<8x32768xf32, #tpu.memory_space<vmem>>, vector<8x128xf32>
    %add3A_309 = arith.constant 3968 : i32
    %add3A_310 = vector.broadcast %add3A_309 : i32 to vector<8x128xi32>
    %add3A_311 = arith.addi %iota3A, %add3A_310 : vector<8x128xi32>
    %gt3A_312 = arith.cmpf ogt, %get3A_308, %select_n3A_241 : vector<8x128xf32>
    %select_n3A_313 = arith.select %gt3A_312, %get3A_308, %select_n3A_241 : vector<8x128xi1>, vector<8x128xf32>
    %select_n3A_314 = arith.select %gt3A_312, %add3A_311, %select_n3A_242 : vector<8x128xi1>, vector<8x128xi32>
    %get3A_315 = arith.constant 0 : index
    %get3A_316 = arith.constant 4096 : index
    %get3A_317 = vector.load %arg1[%get3A_315, %get3A_316] : memref<8x32768xf32, #tpu.memory_space<vmem>>, vector<8x128xf32>
    %add3A_318 = arith.constant 4096 : i32
    %add3A_319 = vector.broadcast %add3A_318 : i32 to vector<8x128xi32>
    %add3A_320 = arith.addi %iota3A, %add3A_319 : vector<8x128xi32>
    %gt3A_321 = arith.cmpf ogt, %get3A_317, %select_n3A_250 : vector<8x128xf32>
    %select_n3A_322 = arith.select %gt3A_321, %get3A_317, %select_n3A_250 : vector<8x128xi1>, vector<8x128xf32>
    %select_n3A_323 = arith.select %gt3A_321, %add3A_320, %select_n3A_251 : vector<8x128xi1>, vector<8x128xi32>
    %get3A_324 = arith.constant 0 : index
    %get3A_325 = arith.constant 4224 : index
    %get3A_326 = vector.load %arg1[%get3A_324, %get3A_325] : memref<8x32768xf32, #tpu.memory_space<vmem>>, vector<8x128xf32>
    %add3A_327 = arith.constant 4224 : i32
    %add3A_328 = vector.broadcast %add3A_327 : i32 to vector<8x128xi32>
    %add3A_329 = arith.addi %iota3A, %add3A_328 : vector<8x128xi32>
    %gt3A_330 = arith.cmpf ogt, %get3A_326, %select_n3A_259 : vector<8x128xf32>
    %select_n3A_331 = arith.select %gt3A_330, %get3A_326, %select_n3A_259 : vector<8x128xi1>, vector<8x128xf32>
    %select_n3A_332 = arith.select %gt3A_330, %add3A_329, %select_n3A_260 : vector<8x128xi1>, vector<8x128xi32>
    %get3A_333 = arith.constant 0 : index
    %get3A_334 = arith.constant 4352 : index
    %get3A_335 = vector.load %arg1[%get3A_333, %get3A_334] : memref<8x32768xf32, #tpu.memory_space<vmem>>, vector<8x128xf32>
    %add3A_336 = arith.constant 4352 : i32
    %add3A_337 = vector.broadcast %add3A_336 : i32 to vector<8x128xi32>
    %add3A_338 = arith.addi %iota3A, %add3A_337 : vector<8x128xi32>
    %gt3A_339 = arith.cmpf ogt, %get3A_335, %select_n3A_268 : vector<8x128xf32>
    %select_n3A_340 = arith.select %gt3A_339, %get3A_335, %select_n3A_268 : vector<8x128xi1>, vector<8x128xf32>
    %select_n3A_341 = arith.select %gt3A_339, %add3A_338, %select_n3A_269 : vector<8x128xi1>, vector<8x128xi32>
    %get3A_342 = arith.constant 0 : index
    %get3A_343 = arith.constant 4480 : index
    %get3A_344 = vector.load %arg1[%get3A_342, %get3A_343] : memref<8x32768xf32, #tpu.memory_space<vmem>>, vector<8x128xf32>
    %add3A_345 = arith.constant 4480 : i32
    %add3A_346 = vector.broadcast %add3A_345 : i32 to vector<8x128xi32>
    %add3A_347 = arith.addi %iota3A, %add3A_346 : vector<8x128xi32>
    %gt3A_348 = arith.cmpf ogt, %get3A_344, %select_n3A_277 : vector<8x128xf32>
    %select_n3A_349 = arith.select %gt3A_348, %get3A_344, %select_n3A_277 : vector<8x128xi1>, vector<8x128xf32>
    %select_n3A_350 = arith.select %gt3A_348, %add3A_347, %select_n3A_278 : vector<8x128xi1>, vector<8x128xi32>
    %get3A_351 = arith.constant 0 : index
    %get3A_352 = arith.constant 4608 : index
    %get3A_353 = vector.load %arg1[%get3A_351, %get3A_352] : memref<8x32768xf32, #tpu.memory_space<vmem>>, vector<8x128xf32>
    %add3A_354 = arith.constant 4608 : i32
    %add3A_355 = vector.broadcast %add3A_354 : i32 to vector<8x128xi32>
    %add3A_356 = arith.addi %iota3A, %add3A_355 : vector<8x128xi32>
    %gt3A_357 = arith.cmpf ogt, %get3A_353, %select_n3A_286 : vector<8x128xf32>
    %select_n3A_358 = arith.select %gt3A_357, %get3A_353, %select_n3A_286 : vector<8x128xi1>, vector<8x128xf32>
    %select_n3A_359 = arith.select %gt3A_357, %add3A_356, %select_n3A_287 : vector<8x128xi1>, vector<8x128xi32>
    %get3A_360 = arith.constant 0 : index
    %get3A_361 = arith.constant 4736 : index
    %get3A_362 = vector.load %arg1[%get3A_360, %get3A_361] : memref<8x32768xf32, #tpu.memory_space<vmem>>, vector<8x128xf32>
    %add3A_363 = arith.constant 4736 : i32
    %add3A_364 = vector.broadcast %add3A_363 : i32 to vector<8x128xi32>
    %add3A_365 = arith.addi %iota3A, %add3A_364 : vector<8x128xi32>
    %gt3A_366 = arith.cmpf ogt, %get3A_362, %select_n3A_295 : vector<8x128xf32>
    %select_n3A_367 = arith.select %gt3A_366, %get3A_362, %select_n3A_295 : vector<8x128xi1>, vector<8x128xf32>
    %select_n3A_368 = arith.select %gt3A_366, %add3A_365, %select_n3A_296 : vector<8x128xi1>, vector<8x128xi32>
    %get3A_369 = arith.constant 0 : index
    %get3A_370 = arith.constant 4864 : index
    %get3A_371 = vector.load %arg1[%get3A_369, %get3A_370] : memref<8x32768xf32, #tpu.memory_space<vmem>>, vector<8x128xf32>
    %add3A_372 = arith.constant 4864 : i32
    %add3A_373 = vector.broadcast %add3A_372 : i32 to vector<8x128xi32>
    %add3A_374 = arith.addi %iota3A, %add3A_373 : vector<8x128xi32>
    %gt3A_375 = arith.cmpf ogt, %get3A_371, %select_n3A_304 : vector<8x128xf32>
    %select_n3A_376 = arith.select %gt3A_375, %get3A_371, %select_n3A_304 : vector<8x128xi1>, vector<8x128xf32>
    %select_n3A_377 = arith.select %gt3A_375, %add3A_374, %select_n3A_305 : vector<8x128xi1>, vector<8x128xi32>
    %get3A_378 = arith.constant 0 : index
    %get3A_379 = arith.constant 4992 : index
    %get3A_380 = vector.load %arg1[%get3A_378, %get3A_379] : memref<8x32768xf32, #tpu.memory_space<vmem>>, vector<8x128xf32>
    %add3A_381 = arith.constant 4992 : i32
    %add3A_382 = vector.broadcast %add3A_381 : i32 to vector<8x128xi32>
    %add3A_383 = arith.addi %iota3A, %add3A_382 : vector<8x128xi32>
    %gt3A_384 = arith.cmpf ogt, %get3A_380, %select_n3A_313 : vector<8x128xf32>
    %select_n3A_385 = arith.select %gt3A_384, %get3A_380, %select_n3A_313 : vector<8x128xi1>, vector<8x128xf32>
    %select_n3A_386 = arith.select %gt3A_384, %add3A_383, %select_n3A_314 : vector<8x128xi1>, vector<8x128xi32>
    %get3A_387 = arith.constant 0 : index
    %get3A_388 = arith.constant 5120 : index
    %get3A_389 = vector.load %arg1[%get3A_387, %get3A_388] : memref<8x32768xf32, #tpu.memory_space<vmem>>, vector<8x128xf32>
    %add3A_390 = arith.constant 5120 : i32
    %add3A_391 = vector.broadcast %add3A_390 : i32 to vector<8x128xi32>
    %add3A_392 = arith.addi %iota3A, %add3A_391 : vector<8x128xi32>
    %gt3A_393 = arith.cmpf ogt, %get3A_389, %select_n3A_322 : vector<8x128xf32>
    %select_n3A_394 = arith.select %gt3A_393, %get3A_389, %select_n3A_322 : vector<8x128xi1>, vector<8x128xf32>
    %select_n3A_395 = arith.select %gt3A_393, %add3A_392, %select_n3A_323 : vector<8x128xi1>, vector<8x128xi32>
    %get3A_396 = arith.constant 0 : index
    %get3A_397 = arith.constant 5248 : index
    %get3A_398 = vector.load %arg1[%get3A_396, %get3A_397] : memref<8x32768xf32, #tpu.memory_space<vmem>>, vector<8x128xf32>
    %add3A_399 = arith.constant 5248 : i32
    %add3A_400 = vector.broadcast %add3A_399 : i32 to vector<8x128xi32>
    %add3A_401 = arith.addi %iota3A, %add3A_400 : vector<8x128xi32>
    %gt3A_402 = arith.cmpf ogt, %get3A_398, %select_n3A_331 : vector<8x128xf32>
    %select_n3A_403 = arith.select %gt3A_402, %get3A_398, %select_n3A_331 : vector<8x128xi1>, vector<8x128xf32>
    %select_n3A_404 = arith.select %gt3A_402, %add3A_401, %select_n3A_332 : vector<8x128xi1>, vector<8x128xi32>
    %get3A_405 = arith.constant 0 : index
    %get3A_406 = arith.constant 5376 : index
    %get3A_407 = vector.load %arg1[%get3A_405, %get3A_406] : memref<8x32768xf32, #tpu.memory_space<vmem>>, vector<8x128xf32>
    %add3A_408 = arith.constant 5376 : i32
    %add3A_409 = vector.broadcast %add3A_408 : i32 to vector<8x128xi32>
    %add3A_410 = arith.addi %iota3A, %add3A_409 : vector<8x128xi32>
    %gt3A_411 = arith.cmpf ogt, %get3A_407, %select_n3A_340 : vector<8x128xf32>
    %select_n3A_412 = arith.select %gt3A_411, %get3A_407, %select_n3A_340 : vector<8x128xi1>, vector<8x128xf32>
    %select_n3A_413 = arith.select %gt3A_411, %add3A_410, %select_n3A_341 : vector<8x128xi1>, vector<8x128xi32>
    %get3A_414 = arith.constant 0 : index
    %get3A_415 = arith.constant 5504 : index
    %get3A_416 = vector.load %arg1[%get3A_414, %get3A_415] : memref<8x32768xf32, #tpu.memory_space<vmem>>, vector<8x128xf32>
    %add3A_417 = arith.constant 5504 : i32
    %add3A_418 = vector.broadcast %add3A_417 : i32 to vector<8x128xi32>
    %add3A_419 = arith.addi %iota3A, %add3A_418 : vector<8x128xi32>
    %gt3A_420 = arith.cmpf ogt, %get3A_416, %select_n3A_349 : vector<8x128xf32>
    %select_n3A_421 = arith.select %gt3A_420, %get3A_416, %select_n3A_349 : vector<8x128xi1>, vector<8x128xf32>
    %select_n3A_422 = arith.select %gt3A_420, %add3A_419, %select_n3A_350 : vector<8x128xi1>, vector<8x128xi32>
    %get3A_423 = arith.constant 0 : index
    %get3A_424 = arith.constant 5632 : index
    %get3A_425 = vector.load %arg1[%get3A_423, %get3A_424] : memref<8x32768xf32, #tpu.memory_space<vmem>>, vector<8x128xf32>
    %add3A_426 = arith.constant 5632 : i32
    %add3A_427 = vector.broadcast %add3A_426 : i32 to vector<8x128xi32>
    %add3A_428 = arith.addi %iota3A, %add3A_427 : vector<8x128xi32>
    %gt3A_429 = arith.cmpf ogt, %get3A_425, %select_n3A_358 : vector<8x128xf32>
    %select_n3A_430 = arith.select %gt3A_429, %get3A_425, %select_n3A_358 : vector<8x128xi1>, vector<8x128xf32>
    %select_n3A_431 = arith.select %gt3A_429, %add3A_428, %select_n3A_359 : vector<8x128xi1>, vector<8x128xi32>
    %get3A_432 = arith.constant 0 : index
    %get3A_433 = arith.constant 5760 : index
    %get3A_434 = vector.load %arg1[%get3A_432, %get3A_433] : memref<8x32768xf32, #tpu.memory_space<vmem>>, vector<8x128xf32>
    %add3A_435 = arith.constant 5760 : i32
    %add3A_436 = vector.broadcast %add3A_435 : i32 to vector<8x128xi32>
    %add3A_437 = arith.addi %iota3A, %add3A_436 : vector<8x128xi32>
    %gt3A_438 = arith.cmpf ogt, %get3A_434, %select_n3A_367 : vector<8x128xf32>
    %select_n3A_439 = arith.select %gt3A_438, %get3A_434, %select_n3A_367 : vector<8x128xi1>, vector<8x128xf32>
    %select_n3A_440 = arith.select %gt3A_438, %add3A_437, %select_n3A_368 : vector<8x128xi1>, vector<8x128xi32>
    %get3A_441 = arith.constant 0 : index
    %get3A_442 = arith.constant 5888 : index
    %get3A_443 = vector.load %arg1[%get3A_441, %get3A_442] : memref<8x32768xf32, #tpu.memory_space<vmem>>, vector<8x128xf32>
    %add3A_444 = arith.constant 5888 : i32
    %add3A_445 = vector.broadcast %add3A_444 : i32 to vector<8x128xi32>
    %add3A_446 = arith.addi %iota3A, %add3A_445 : vector<8x128xi32>
    %gt3A_447 = arith.cmpf ogt, %get3A_443, %select_n3A_376 : vector<8x128xf32>
    %select_n3A_448 = arith.select %gt3A_447, %get3A_443, %select_n3A_376 : vector<8x128xi1>, vector<8x128xf32>
    %select_n3A_449 = arith.select %gt3A_447, %add3A_446, %select_n3A_377 : vector<8x128xi1>, vector<8x128xi32>
    %get3A_450 = arith.constant 0 : index
    %get3A_451 = arith.constant 6016 : index
    %get3A_452 = vector.load %arg1[%get3A_450, %get3A_451] : memref<8x32768xf32, #tpu.memory_space<vmem>>, vector<8x128xf32>
    %add3A_453 = arith.constant 6016 : i32
    %add3A_454 = vector.broadcast %add3A_453 : i32 to vector<8x128xi32>
    %add3A_455 = arith.addi %iota3A, %add3A_454 : vector<8x128xi32>
    %gt3A_456 = arith.cmpf ogt, %get3A_452, %select_n3A_385 : vector<8x128xf32>
    %select_n3A_457 = arith.select %gt3A_456, %get3A_452, %select_n3A_385 : vector<8x128xi1>, vector<8x128xf32>
    %select_n3A_458 = arith.select %gt3A_456, %add3A_455, %select_n3A_386 : vector<8x128xi1>, vector<8x128xi32>
    %get3A_459 = arith.constant 0 : index
    %get3A_460 = arith.constant 6144 : index
    %get3A_461 = vector.load %arg1[%get3A_459, %get3A_460] : memref<8x32768xf32, #tpu.memory_space<vmem>>, vector<8x128xf32>
    %add3A_462 = arith.constant 6144 : i32
    %add3A_463 = vector.broadcast %add3A_462 : i32 to vector<8x128xi32>
    %add3A_464 = arith.addi %iota3A, %add3A_463 : vector<8x128xi32>
    %gt3A_465 = arith.cmpf ogt, %get3A_461, %select_n3A_394 : vector<8x128xf32>
    %select_n3A_466 = arith.select %gt3A_465, %get3A_461, %select_n3A_394 : vector<8x128xi1>, vector<8x128xf32>
    %select_n3A_467 = arith.select %gt3A_465, %add3A_464, %select_n3A_395 : vector<8x128xi1>, vector<8x128xi32>
    %get3A_468 = arith.constant 0 : index
    %get3A_469 = arith.constant 6272 : index
    %get3A_470 = vector.load %arg1[%get3A_468, %get3A_469] : memref<8x32768xf32, #tpu.memory_space<vmem>>, vector<8x128xf32>
    %add3A_471 = arith.constant 6272 : i32
    %add3A_472 = vector.broadcast %add3A_471 : i32 to vector<8x128xi32>
    %add3A_473 = arith.addi %iota3A, %add3A_472 : vector<8x128xi32>
    %gt3A_474 = arith.cmpf ogt, %get3A_470, %select_n3A_403 : vector<8x128xf32>
    %select_n3A_475 = arith.select %gt3A_474, %get3A_470, %select_n3A_403 : vector<8x128xi1>, vector<8x128xf32>
    %select_n3A_476 = arith.select %gt3A_474, %add3A_473, %select_n3A_404 : vector<8x128xi1>, vector<8x128xi32>
    %get3A_477 = arith.constant 0 : index
    %get3A_478 = arith.constant 6400 : index
    %get3A_479 = vector.load %arg1[%get3A_477, %get3A_478] : memref<8x32768xf32, #tpu.memory_space<vmem>>, vector<8x128xf32>
    %add3A_480 = arith.constant 6400 : i32
    %add3A_481 = vector.broadcast %add3A_480 : i32 to vector<8x128xi32>
    %add3A_482 = arith.addi %iota3A, %add3A_481 : vector<8x128xi32>
    %gt3A_483 = arith.cmpf ogt, %get3A_479, %select_n3A_412 : vector<8x128xf32>
    %select_n3A_484 = arith.select %gt3A_483, %get3A_479, %select_n3A_412 : vector<8x128xi1>, vector<8x128xf32>
    %select_n3A_485 = arith.select %gt3A_483, %add3A_482, %select_n3A_413 : vector<8x128xi1>, vector<8x128xi32>
    %get3A_486 = arith.constant 0 : index
    %get3A_487 = arith.constant 6528 : index
    %get3A_488 = vector.load %arg1[%get3A_486, %get3A_487] : memref<8x32768xf32, #tpu.memory_space<vmem>>, vector<8x128xf32>
    %add3A_489 = arith.constant 6528 : i32
    %add3A_490 = vector.broadcast %add3A_489 : i32 to vector<8x128xi32>
    %add3A_491 = arith.addi %iota3A, %add3A_490 : vector<8x128xi32>
    %gt3A_492 = arith.cmpf ogt, %get3A_488, %select_n3A_421 : vector<8x128xf32>
    %select_n3A_493 = arith.select %gt3A_492, %get3A_488, %select_n3A_421 : vector<8x128xi1>, vector<8x128xf32>
    %select_n3A_494 = arith.select %gt3A_492, %add3A_491, %select_n3A_422 : vector<8x128xi1>, vector<8x128xi32>
    %get3A_495 = arith.constant 0 : index
    %get3A_496 = arith.constant 6656 : index
    %get3A_497 = vector.load %arg1[%get3A_495, %get3A_496] : memref<8x32768xf32, #tpu.memory_space<vmem>>, vector<8x128xf32>
    %add3A_498 = arith.constant 6656 : i32
    %add3A_499 = vector.broadcast %add3A_498 : i32 to vector<8x128xi32>
    %add3A_500 = arith.addi %iota3A, %add3A_499 : vector<8x128xi32>
    %gt3A_501 = arith.cmpf ogt, %get3A_497, %select_n3A_430 : vector<8x128xf32>
    %select_n3A_502 = arith.select %gt3A_501, %get3A_497, %select_n3A_430 : vector<8x128xi1>, vector<8x128xf32>
    %select_n3A_503 = arith.select %gt3A_501, %add3A_500, %select_n3A_431 : vector<8x128xi1>, vector<8x128xi32>
    %get3A_504 = arith.constant 0 : index
    %get3A_505 = arith.constant 6784 : index
    %get3A_506 = vector.load %arg1[%get3A_504, %get3A_505] : memref<8x32768xf32, #tpu.memory_space<vmem>>, vector<8x128xf32>
    %add3A_507 = arith.constant 6784 : i32
    %add3A_508 = vector.broadcast %add3A_507 : i32 to vector<8x128xi32>
    %add3A_509 = arith.addi %iota3A, %add3A_508 : vector<8x128xi32>
    %gt3A_510 = arith.cmpf ogt, %get3A_506, %select_n3A_439 : vector<8x128xf32>
    %select_n3A_511 = arith.select %gt3A_510, %get3A_506, %select_n3A_439 : vector<8x128xi1>, vector<8x128xf32>
    %select_n3A_512 = arith.select %gt3A_510, %add3A_509, %select_n3A_440 : vector<8x128xi1>, vector<8x128xi32>
    %get3A_513 = arith.constant 0 : index
    %get3A_514 = arith.constant 6912 : index
    %get3A_515 = vector.load %arg1[%get3A_513, %get3A_514] : memref<8x32768xf32, #tpu.memory_space<vmem>>, vector<8x128xf32>
    %add3A_516 = arith.constant 6912 : i32
    %add3A_517 = vector.broadcast %add3A_516 : i32 to vector<8x128xi32>
    %add3A_518 = arith.addi %iota3A, %add3A_517 : vector<8x128xi32>
    %gt3A_519 = arith.cmpf ogt, %get3A_515, %select_n3A_448 : vector<8x128xf32>
    %select_n3A_520 = arith.select %gt3A_519, %get3A_515, %select_n3A_448 : vector<8x128xi1>, vector<8x128xf32>
    %select_n3A_521 = arith.select %gt3A_519, %add3A_518, %select_n3A_449 : vector<8x128xi1>, vector<8x128xi32>
    %get3A_522 = arith.constant 0 : index
    %get3A_523 = arith.constant 7040 : index
    %get3A_524 = vector.load %arg1[%get3A_522, %get3A_523] : memref<8x32768xf32, #tpu.memory_space<vmem>>, vector<8x128xf32>
    %add3A_525 = arith.constant 7040 : i32
    %add3A_526 = vector.broadcast %add3A_525 : i32 to vector<8x128xi32>
    %add3A_527 = arith.addi %iota3A, %add3A_526 : vector<8x128xi32>
    %gt3A_528 = arith.cmpf ogt, %get3A_524, %select_n3A_457 : vector<8x128xf32>
    %select_n3A_529 = arith.select %gt3A_528, %get3A_524, %select_n3A_457 : vector<8x128xi1>, vector<8x128xf32>
    %select_n3A_530 = arith.select %gt3A_528, %add3A_527, %select_n3A_458 : vector<8x128xi1>, vector<8x128xi32>
    %get3A_531 = arith.constant 0 : index
    %get3A_532 = arith.constant 7168 : index
    %get3A_533 = vector.load %arg1[%get3A_531, %get3A_532] : memref<8x32768xf32, #tpu.memory_space<vmem>>, vector<8x128xf32>
    %add3A_534 = arith.constant 7168 : i32
    %add3A_535 = vector.broadcast %add3A_534 : i32 to vector<8x128xi32>
    %add3A_536 = arith.addi %iota3A, %add3A_535 : vector<8x128xi32>
    %gt3A_537 = arith.cmpf ogt, %get3A_533, %select_n3A_466 : vector<8x128xf32>
    %select_n3A_538 = arith.select %gt3A_537, %get3A_533, %select_n3A_466 : vector<8x128xi1>, vector<8x128xf32>
    %select_n3A_539 = arith.select %gt3A_537, %add3A_536, %select_n3A_467 : vector<8x128xi1>, vector<8x128xi32>
    %get3A_540 = arith.constant 0 : index
    %get3A_541 = arith.constant 7296 : index
    %get3A_542 = vector.load %arg1[%get3A_540, %get3A_541] : memref<8x32768xf32, #tpu.memory_space<vmem>>, vector<8x128xf32>
    %add3A_543 = arith.constant 7296 : i32
    %add3A_544 = vector.broadcast %add3A_543 : i32 to vector<8x128xi32>
    %add3A_545 = arith.addi %iota3A, %add3A_544 : vector<8x128xi32>
    %gt3A_546 = arith.cmpf ogt, %get3A_542, %select_n3A_475 : vector<8x128xf32>
    %select_n3A_547 = arith.select %gt3A_546, %get3A_542, %select_n3A_475 : vector<8x128xi1>, vector<8x128xf32>
    %select_n3A_548 = arith.select %gt3A_546, %add3A_545, %select_n3A_476 : vector<8x128xi1>, vector<8x128xi32>
    %get3A_549 = arith.constant 0 : index
    %get3A_550 = arith.constant 7424 : index
    %get3A_551 = vector.load %arg1[%get3A_549, %get3A_550] : memref<8x32768xf32, #tpu.memory_space<vmem>>, vector<8x128xf32>
    %add3A_552 = arith.constant 7424 : i32
    %add3A_553 = vector.broadcast %add3A_552 : i32 to vector<8x128xi32>
    %add3A_554 = arith.addi %iota3A, %add3A_553 : vector<8x128xi32>
    %gt3A_555 = arith.cmpf ogt, %get3A_551, %select_n3A_484 : vector<8x128xf32>
    %select_n3A_556 = arith.select %gt3A_555, %get3A_551, %select_n3A_484 : vector<8x128xi1>, vector<8x128xf32>
    %select_n3A_557 = arith.select %gt3A_555, %add3A_554, %select_n3A_485 : vector<8x128xi1>, vector<8x128xi32>
    %get3A_558 = arith.constant 0 : index
    %get3A_559 = arith.constant 7552 : index
    %get3A_560 = vector.load %arg1[%get3A_558, %get3A_559] : memref<8x32768xf32, #tpu.memory_space<vmem>>, vector<8x128xf32>
    %add3A_561 = arith.constant 7552 : i32
    %add3A_562 = vector.broadcast %add3A_561 : i32 to vector<8x128xi32>
    %add3A_563 = arith.addi %iota3A, %add3A_562 : vector<8x128xi32>
    %gt3A_564 = arith.cmpf ogt, %get3A_560, %select_n3A_493 : vector<8x128xf32>
    %select_n3A_565 = arith.select %gt3A_564, %get3A_560, %select_n3A_493 : vector<8x128xi1>, vector<8x128xf32>
    %select_n3A_566 = arith.select %gt3A_564, %add3A_563, %select_n3A_494 : vector<8x128xi1>, vector<8x128xi32>
    %get3A_567 = arith.constant 0 : index
    %get3A_568 = arith.constant 7680 : index
    %get3A_569 = vector.load %arg1[%get3A_567, %get3A_568] : memref<8x32768xf32, #tpu.memory_space<vmem>>, vector<8x128xf32>
    %add3A_570 = arith.constant 7680 : i32
    %add3A_571 = vector.broadcast %add3A_570 : i32 to vector<8x128xi32>
    %add3A_572 = arith.addi %iota3A, %add3A_571 : vector<8x128xi32>
    %gt3A_573 = arith.cmpf ogt, %get3A_569, %select_n3A_502 : vector<8x128xf32>
    %select_n3A_574 = arith.select %gt3A_573, %get3A_569, %select_n3A_502 : vector<8x128xi1>, vector<8x128xf32>
    %select_n3A_575 = arith.select %gt3A_573, %add3A_572, %select_n3A_503 : vector<8x128xi1>, vector<8x128xi32>
    %get3A_576 = arith.constant 0 : index
    %get3A_577 = arith.constant 7808 : index
    %get3A_578 = vector.load %arg1[%get3A_576, %get3A_577] : memref<8x32768xf32, #tpu.memory_space<vmem>>, vector<8x128xf32>
    %add3A_579 = arith.constant 7808 : i32
    %add3A_580 = vector.broadcast %add3A_579 : i32 to vector<8x128xi32>
    %add3A_581 = arith.addi %iota3A, %add3A_580 : vector<8x128xi32>
    %gt3A_582 = arith.cmpf ogt, %get3A_578, %select_n3A_511 : vector<8x128xf32>
    %select_n3A_583 = arith.select %gt3A_582, %get3A_578, %select_n3A_511 : vector<8x128xi1>, vector<8x128xf32>
    %select_n3A_584 = arith.select %gt3A_582, %add3A_581, %select_n3A_512 : vector<8x128xi1>, vector<8x128xi32>
    %get3A_585 = arith.constant 0 : index
    %get3A_586 = arith.constant 7936 : index
    %get3A_587 = vector.load %arg1[%get3A_585, %get3A_586] : memref<8x32768xf32, #tpu.memory_space<vmem>>, vector<8x128xf32>
    %add3A_588 = arith.constant 7936 : i32
    %add3A_589 = vector.broadcast %add3A_588 : i32 to vector<8x128xi32>
    %add3A_590 = arith.addi %iota3A, %add3A_589 : vector<8x128xi32>
    %gt3A_591 = arith.cmpf ogt, %get3A_587, %select_n3A_520 : vector<8x128xf32>
    %select_n3A_592 = arith.select %gt3A_591, %get3A_587, %select_n3A_520 : vector<8x128xi1>, vector<8x128xf32>
    %select_n3A_593 = arith.select %gt3A_591, %add3A_590, %select_n3A_521 : vector<8x128xi1>, vector<8x128xi32>
    %get3A_594 = arith.constant 0 : index
    %get3A_595 = arith.constant 8064 : index
    %get3A_596 = vector.load %arg1[%get3A_594, %get3A_595] : memref<8x32768xf32, #tpu.memory_space<vmem>>, vector<8x128xf32>
    %add3A_597 = arith.constant 8064 : i32
    %add3A_598 = vector.broadcast %add3A_597 : i32 to vector<8x128xi32>
    %add3A_599 = arith.addi %iota3A, %add3A_598 : vector<8x128xi32>
    %gt3A_600 = arith.cmpf ogt, %get3A_596, %select_n3A_529 : vector<8x128xf32>
    %select_n3A_601 = arith.select %gt3A_600, %get3A_596, %select_n3A_529 : vector<8x128xi1>, vector<8x128xf32>
    %select_n3A_602 = arith.select %gt3A_600, %add3A_599, %select_n3A_530 : vector<8x128xi1>, vector<8x128xi32>
    %get3A_603 = arith.constant 0 : index
    %get3A_604 = arith.constant 8192 : index
    %get3A_605 = vector.load %arg1[%get3A_603, %get3A_604] : memref<8x32768xf32, #tpu.memory_space<vmem>>, vector<8x128xf32>
    %add3A_606 = arith.constant 8192 : i32
    %add3A_607 = vector.broadcast %add3A_606 : i32 to vector<8x128xi32>
    %add3A_608 = arith.addi %iota3A, %add3A_607 : vector<8x128xi32>
    %gt3A_609 = arith.cmpf ogt, %get3A_605, %select_n3A_538 : vector<8x128xf32>
    %select_n3A_610 = arith.select %gt3A_609, %get3A_605, %select_n3A_538 : vector<8x128xi1>, vector<8x128xf32>
    %select_n3A_611 = arith.select %gt3A_609, %add3A_608, %select_n3A_539 : vector<8x128xi1>, vector<8x128xi32>
    %get3A_612 = arith.constant 0 : index
    %get3A_613 = arith.constant 8320 : index
    %get3A_614 = vector.load %arg1[%get3A_612, %get3A_613] : memref<8x32768xf32, #tpu.memory_space<vmem>>, vector<8x128xf32>
    %add3A_615 = arith.constant 8320 : i32
    %add3A_616 = vector.broadcast %add3A_615 : i32 to vector<8x128xi32>
    %add3A_617 = arith.addi %iota3A, %add3A_616 : vector<8x128xi32>
    %gt3A_618 = arith.cmpf ogt, %get3A_614, %select_n3A_547 : vector<8x128xf32>
    %select_n3A_619 = arith.select %gt3A_618, %get3A_614, %select_n3A_547 : vector<8x128xi1>, vector<8x128xf32>
    %select_n3A_620 = arith.select %gt3A_618, %add3A_617, %select_n3A_548 : vector<8x128xi1>, vector<8x128xi32>
    %get3A_621 = arith.constant 0 : index
    %get3A_622 = arith.constant 8448 : index
    %get3A_623 = vector.load %arg1[%get3A_621, %get3A_622] : memref<8x32768xf32, #tpu.memory_space<vmem>>, vector<8x128xf32>
    %add3A_624 = arith.constant 8448 : i32
    %add3A_625 = vector.broadcast %add3A_624 : i32 to vector<8x128xi32>
    %add3A_626 = arith.addi %iota3A, %add3A_625 : vector<8x128xi32>
    %gt3A_627 = arith.cmpf ogt, %get3A_623, %select_n3A_556 : vector<8x128xf32>
    %select_n3A_628 = arith.select %gt3A_627, %get3A_623, %select_n3A_556 : vector<8x128xi1>, vector<8x128xf32>
    %select_n3A_629 = arith.select %gt3A_627, %add3A_626, %select_n3A_557 : vector<8x128xi1>, vector<8x128xi32>
    %get3A_630 = arith.constant 0 : index
    %get3A_631 = arith.constant 8576 : index
    %get3A_632 = vector.load %arg1[%get3A_630, %get3A_631] : memref<8x32768xf32, #tpu.memory_space<vmem>>, vector<8x128xf32>
    %add3A_633 = arith.constant 8576 : i32
    %add3A_634 = vector.broadcast %add3A_633 : i32 to vector<8x128xi32>
    %add3A_635 = arith.addi %iota3A, %add3A_634 : vector<8x128xi32>
    %gt3A_636 = arith.cmpf ogt, %get3A_632, %select_n3A_565 : vector<8x128xf32>
    %select_n3A_637 = arith.select %gt3A_636, %get3A_632, %select_n3A_565 : vector<8x128xi1>, vector<8x128xf32>
    %select_n3A_638 = arith.select %gt3A_636, %add3A_635, %select_n3A_566 : vector<8x128xi1>, vector<8x128xi32>
    %get3A_639 = arith.constant 0 : index
    %get3A_640 = arith.constant 8704 : index
    %get3A_641 = vector.load %arg1[%get3A_639, %get3A_640] : memref<8x32768xf32, #tpu.memory_space<vmem>>, vector<8x128xf32>
    %add3A_642 = arith.constant 8704 : i32
    %add3A_643 = vector.broadcast %add3A_642 : i32 to vector<8x128xi32>
    %add3A_644 = arith.addi %iota3A, %add3A_643 : vector<8x128xi32>
    %gt3A_645 = arith.cmpf ogt, %get3A_641, %select_n3A_574 : vector<8x128xf32>
    %select_n3A_646 = arith.select %gt3A_645, %get3A_641, %select_n3A_574 : vector<8x128xi1>, vector<8x128xf32>
    %select_n3A_647 = arith.select %gt3A_645, %add3A_644, %select_n3A_575 : vector<8x128xi1>, vector<8x128xi32>
    %get3A_648 = arith.constant 0 : index
    %get3A_649 = arith.constant 8832 : index
    %get3A_650 = vector.load %arg1[%get3A_648, %get3A_649] : memref<8x32768xf32, #tpu.memory_space<vmem>>, vector<8x128xf32>
    %add3A_651 = arith.constant 8832 : i32
    %add3A_652 = vector.broadcast %add3A_651 : i32 to vector<8x128xi32>
    %add3A_653 = arith.addi %iota3A, %add3A_652 : vector<8x128xi32>
    %gt3A_654 = arith.cmpf ogt, %get3A_650, %select_n3A_583 : vector<8x128xf32>
    %select_n3A_655 = arith.select %gt3A_654, %get3A_650, %select_n3A_583 : vector<8x128xi1>, vector<8x128xf32>
    %select_n3A_656 = arith.select %gt3A_654, %add3A_653, %select_n3A_584 : vector<8x128xi1>, vector<8x128xi32>
    %get3A_657 = arith.constant 0 : index
    %get3A_658 = arith.constant 8960 : index
    %get3A_659 = vector.load %arg1[%get3A_657, %get3A_658] : memref<8x32768xf32, #tpu.memory_space<vmem>>, vector<8x128xf32>
    %add3A_660 = arith.constant 8960 : i32
    %add3A_661 = vector.broadcast %add3A_660 : i32 to vector<8x128xi32>
    %add3A_662 = arith.addi %iota3A, %add3A_661 : vector<8x128xi32>
    %gt3A_663 = arith.cmpf ogt, %get3A_659, %select_n3A_592 : vector<8x128xf32>
    %select_n3A_664 = arith.select %gt3A_663, %get3A_659, %select_n3A_592 : vector<8x128xi1>, vector<8x128xf32>
    %select_n3A_665 = arith.select %gt3A_663, %add3A_662, %select_n3A_593 : vector<8x128xi1>, vector<8x128xi32>
    %get3A_666 = arith.constant 0 : index
    %get3A_667 = arith.constant 9088 : index
    %get3A_668 = vector.load %arg1[%get3A_666, %get3A_667] : memref<8x32768xf32, #tpu.memory_space<vmem>>, vector<8x128xf32>
    %add3A_669 = arith.constant 9088 : i32
    %add3A_670 = vector.broadcast %add3A_669 : i32 to vector<8x128xi32>
    %add3A_671 = arith.addi %iota3A, %add3A_670 : vector<8x128xi32>
    %gt3A_672 = arith.cmpf ogt, %get3A_668, %select_n3A_601 : vector<8x128xf32>
    %select_n3A_673 = arith.select %gt3A_672, %get3A_668, %select_n3A_601 : vector<8x128xi1>, vector<8x128xf32>
    %select_n3A_674 = arith.select %gt3A_672, %add3A_671, %select_n3A_602 : vector<8x128xi1>, vector<8x128xi32>
    %get3A_675 = arith.constant 0 : index
    %get3A_676 = arith.constant 9216 : index
    %get3A_677 = vector.load %arg1[%get3A_675, %get3A_676] : memref<8x32768xf32, #tpu.memory_space<vmem>>, vector<8x128xf32>
    %add3A_678 = arith.constant 9216 : i32
    %add3A_679 = vector.broadcast %add3A_678 : i32 to vector<8x128xi32>
    %add3A_680 = arith.addi %iota3A, %add3A_679 : vector<8x128xi32>
    %gt3A_681 = arith.cmpf ogt, %get3A_677, %select_n3A_610 : vector<8x128xf32>
    %select_n3A_682 = arith.select %gt3A_681, %get3A_677, %select_n3A_610 : vector<8x128xi1>, vector<8x128xf32>
    %select_n3A_683 = arith.select %gt3A_681, %add3A_680, %select_n3A_611 : vector<8x128xi1>, vector<8x128xi32>
    %get3A_684 = arith.constant 0 : index
    %get3A_685 = arith.constant 9344 : index
    %get3A_686 = vector.load %arg1[%get3A_684, %get3A_685] : memref<8x32768xf32, #tpu.memory_space<vmem>>, vector<8x128xf32>
    %add3A_687 = arith.constant 9344 : i32
    %add3A_688 = vector.broadcast %add3A_687 : i32 to vector<8x128xi32>
    %add3A_689 = arith.addi %iota3A, %add3A_688 : vector<8x128xi32>
    %gt3A_690 = arith.cmpf ogt, %get3A_686, %select_n3A_619 : vector<8x128xf32>
    %select_n3A_691 = arith.select %gt3A_690, %get3A_686, %select_n3A_619 : vector<8x128xi1>, vector<8x128xf32>
    %select_n3A_692 = arith.select %gt3A_690, %add3A_689, %select_n3A_620 : vector<8x128xi1>, vector<8x128xi32>
    %get3A_693 = arith.constant 0 : index
    %get3A_694 = arith.constant 9472 : index
    %get3A_695 = vector.load %arg1[%get3A_693, %get3A_694] : memref<8x32768xf32, #tpu.memory_space<vmem>>, vector<8x128xf32>
    %add3A_696 = arith.constant 9472 : i32
    %add3A_697 = vector.broadcast %add3A_696 : i32 to vector<8x128xi32>
    %add3A_698 = arith.addi %iota3A, %add3A_697 : vector<8x128xi32>
    %gt3A_699 = arith.cmpf ogt, %get3A_695, %select_n3A_628 : vector<8x128xf32>
    %select_n3A_700 = arith.select %gt3A_699, %get3A_695, %select_n3A_628 : vector<8x128xi1>, vector<8x128xf32>
    %select_n3A_701 = arith.select %gt3A_699, %add3A_698, %select_n3A_629 : vector<8x128xi1>, vector<8x128xi32>
    %get3A_702 = arith.constant 0 : index
    %get3A_703 = arith.constant 9600 : index
    %get3A_704 = vector.load %arg1[%get3A_702, %get3A_703] : memref<8x32768xf32, #tpu.memory_space<vmem>>, vector<8x128xf32>
    %add3A_705 = arith.constant 9600 : i32
    %add3A_706 = vector.broadcast %add3A_705 : i32 to vector<8x128xi32>
    %add3A_707 = arith.addi %iota3A, %add3A_706 : vector<8x128xi32>
    %gt3A_708 = arith.cmpf ogt, %get3A_704, %select_n3A_637 : vector<8x128xf32>
    %select_n3A_709 = arith.select %gt3A_708, %get3A_704, %select_n3A_637 : vector<8x128xi1>, vector<8x128xf32>
    %select_n3A_710 = arith.select %gt3A_708, %add3A_707, %select_n3A_638 : vector<8x128xi1>, vector<8x128xi32>
    %get3A_711 = arith.constant 0 : index
    %get3A_712 = arith.constant 9728 : index
    %get3A_713 = vector.load %arg1[%get3A_711, %get3A_712] : memref<8x32768xf32, #tpu.memory_space<vmem>>, vector<8x128xf32>
    %add3A_714 = arith.constant 9728 : i32
    %add3A_715 = vector.broadcast %add3A_714 : i32 to vector<8x128xi32>
    %add3A_716 = arith.addi %iota3A, %add3A_715 : vector<8x128xi32>
    %gt3A_717 = arith.cmpf ogt, %get3A_713, %select_n3A_646 : vector<8x128xf32>
    %select_n3A_718 = arith.select %gt3A_717, %get3A_713, %select_n3A_646 : vector<8x128xi1>, vector<8x128xf32>
    %select_n3A_719 = arith.select %gt3A_717, %add3A_716, %select_n3A_647 : vector<8x128xi1>, vector<8x128xi32>
    %get3A_720 = arith.constant 0 : index
    %get3A_721 = arith.constant 9856 : index
    %get3A_722 = vector.load %arg1[%get3A_720, %get3A_721] : memref<8x32768xf32, #tpu.memory_space<vmem>>, vector<8x128xf32>
    %add3A_723 = arith.constant 9856 : i32
    %add3A_724 = vector.broadcast %add3A_723 : i32 to vector<8x128xi32>
    %add3A_725 = arith.addi %iota3A, %add3A_724 : vector<8x128xi32>
    %gt3A_726 = arith.cmpf ogt, %get3A_722, %select_n3A_655 : vector<8x128xf32>
    %select_n3A_727 = arith.select %gt3A_726, %get3A_722, %select_n3A_655 : vector<8x128xi1>, vector<8x128xf32>
    %select_n3A_728 = arith.select %gt3A_726, %add3A_725, %select_n3A_656 : vector<8x128xi1>, vector<8x128xi32>
    %get3A_729 = arith.constant 0 : index
    %get3A_730 = arith.constant 9984 : index
    %get3A_731 = vector.load %arg1[%get3A_729, %get3A_730] : memref<8x32768xf32, #tpu.memory_space<vmem>>, vector<8x128xf32>
    %add3A_732 = arith.constant 9984 : i32
    %add3A_733 = vector.broadcast %add3A_732 : i32 to vector<8x128xi32>
    %add3A_734 = arith.addi %iota3A, %add3A_733 : vector<8x128xi32>
    %gt3A_735 = arith.cmpf ogt, %get3A_731, %select_n3A_664 : vector<8x128xf32>
    %select_n3A_736 = arith.select %gt3A_735, %get3A_731, %select_n3A_664 : vector<8x128xi1>, vector<8x128xf32>
    %select_n3A_737 = arith.select %gt3A_735, %add3A_734, %select_n3A_665 : vector<8x128xi1>, vector<8x128xi32>
    %get3A_738 = arith.constant 0 : index
    %get3A_739 = arith.constant 10112 : index
    %get3A_740 = vector.load %arg1[%get3A_738, %get3A_739] : memref<8x32768xf32, #tpu.memory_space<vmem>>, vector<8x128xf32>
    %add3A_741 = arith.constant 10112 : i32
    %add3A_742 = vector.broadcast %add3A_741 : i32 to vector<8x128xi32>
    %add3A_743 = arith.addi %iota3A, %add3A_742 : vector<8x128xi32>
    %gt3A_744 = arith.cmpf ogt, %get3A_740, %select_n3A_673 : vector<8x128xf32>
    %select_n3A_745 = arith.select %gt3A_744, %get3A_740, %select_n3A_673 : vector<8x128xi1>, vector<8x128xf32>
    %select_n3A_746 = arith.select %gt3A_744, %add3A_743, %select_n3A_674 : vector<8x128xi1>, vector<8x128xi32>
    %get3A_747 = arith.constant 0 : index
    %get3A_748 = arith.constant 10240 : index
    %get3A_749 = vector.load %arg1[%get3A_747, %get3A_748] : memref<8x32768xf32, #tpu.memory_space<vmem>>, vector<8x128xf32>
    %add3A_750 = arith.constant 10240 : i32
    %add3A_751 = vector.broadcast %add3A_750 : i32 to vector<8x128xi32>
    %add3A_752 = arith.addi %iota3A, %add3A_751 : vector<8x128xi32>
    %gt3A_753 = arith.cmpf ogt, %get3A_749, %select_n3A_682 : vector<8x128xf32>
    %select_n3A_754 = arith.select %gt3A_753, %get3A_749, %select_n3A_682 : vector<8x128xi1>, vector<8x128xf32>
    %select_n3A_755 = arith.select %gt3A_753, %add3A_752, %select_n3A_683 : vector<8x128xi1>, vector<8x128xi32>
    %get3A_756 = arith.constant 0 : index
    %get3A_757 = arith.constant 10368 : index
    %get3A_758 = vector.load %arg1[%get3A_756, %get3A_757] : memref<8x32768xf32, #tpu.memory_space<vmem>>, vector<8x128xf32>
    %add3A_759 = arith.constant 10368 : i32
    %add3A_760 = vector.broadcast %add3A_759 : i32 to vector<8x128xi32>
    %add3A_761 = arith.addi %iota3A, %add3A_760 : vector<8x128xi32>
    %gt3A_762 = arith.cmpf ogt, %get3A_758, %select_n3A_691 : vector<8x128xf32>
    %select_n3A_763 = arith.select %gt3A_762, %get3A_758, %select_n3A_691 : vector<8x128xi1>, vector<8x128xf32>
    %select_n3A_764 = arith.select %gt3A_762, %add3A_761, %select_n3A_692 : vector<8x128xi1>, vector<8x128xi32>
    %get3A_765 = arith.constant 0 : index
    %get3A_766 = arith.constant 10496 : index
    %get3A_767 = vector.load %arg1[%get3A_765, %get3A_766] : memref<8x32768xf32, #tpu.memory_space<vmem>>, vector<8x128xf32>
    %add3A_768 = arith.constant 10496 : i32
    %add3A_769 = vector.broadcast %add3A_768 : i32 to vector<8x128xi32>
    %add3A_770 = arith.addi %iota3A, %add3A_769 : vector<8x128xi32>
    %gt3A_771 = arith.cmpf ogt, %get3A_767, %select_n3A_700 : vector<8x128xf32>
    %select_n3A_772 = arith.select %gt3A_771, %get3A_767, %select_n3A_700 : vector<8x128xi1>, vector<8x128xf32>
    %select_n3A_773 = arith.select %gt3A_771, %add3A_770, %select_n3A_701 : vector<8x128xi1>, vector<8x128xi32>
    %get3A_774 = arith.constant 0 : index
    %get3A_775 = arith.constant 10624 : index
    %get3A_776 = vector.load %arg1[%get3A_774, %get3A_775] : memref<8x32768xf32, #tpu.memory_space<vmem>>, vector<8x128xf32>
    %add3A_777 = arith.constant 10624 : i32
    %add3A_778 = vector.broadcast %add3A_777 : i32 to vector<8x128xi32>
    %add3A_779 = arith.addi %iota3A, %add3A_778 : vector<8x128xi32>
    %gt3A_780 = arith.cmpf ogt, %get3A_776, %select_n3A_709 : vector<8x128xf32>
    %select_n3A_781 = arith.select %gt3A_780, %get3A_776, %select_n3A_709 : vector<8x128xi1>, vector<8x128xf32>
    %select_n3A_782 = arith.select %gt3A_780, %add3A_779, %select_n3A_710 : vector<8x128xi1>, vector<8x128xi32>
    %get3A_783 = arith.constant 0 : index
    %get3A_784 = arith.constant 10752 : index
    %get3A_785 = vector.load %arg1[%get3A_783, %get3A_784] : memref<8x32768xf32, #tpu.memory_space<vmem>>, vector<8x128xf32>
    %add3A_786 = arith.constant 10752 : i32
    %add3A_787 = vector.broadcast %add3A_786 : i32 to vector<8x128xi32>
    %add3A_788 = arith.addi %iota3A, %add3A_787 : vector<8x128xi32>
    %gt3A_789 = arith.cmpf ogt, %get3A_785, %select_n3A_718 : vector<8x128xf32>
    %select_n3A_790 = arith.select %gt3A_789, %get3A_785, %select_n3A_718 : vector<8x128xi1>, vector<8x128xf32>
    %select_n3A_791 = arith.select %gt3A_789, %add3A_788, %select_n3A_719 : vector<8x128xi1>, vector<8x128xi32>
    %get3A_792 = arith.constant 0 : index
    %get3A_793 = arith.constant 10880 : index
    %get3A_794 = vector.load %arg1[%get3A_792, %get3A_793] : memref<8x32768xf32, #tpu.memory_space<vmem>>, vector<8x128xf32>
    %add3A_795 = arith.constant 10880 : i32
    %add3A_796 = vector.broadcast %add3A_795 : i32 to vector<8x128xi32>
    %add3A_797 = arith.addi %iota3A, %add3A_796 : vector<8x128xi32>
    %gt3A_798 = arith.cmpf ogt, %get3A_794, %select_n3A_727 : vector<8x128xf32>
    %select_n3A_799 = arith.select %gt3A_798, %get3A_794, %select_n3A_727 : vector<8x128xi1>, vector<8x128xf32>
    %select_n3A_800 = arith.select %gt3A_798, %add3A_797, %select_n3A_728 : vector<8x128xi1>, vector<8x128xi32>
    %get3A_801 = arith.constant 0 : index
    %get3A_802 = arith.constant 11008 : index
    %get3A_803 = vector.load %arg1[%get3A_801, %get3A_802] : memref<8x32768xf32, #tpu.memory_space<vmem>>, vector<8x128xf32>
    %add3A_804 = arith.constant 11008 : i32
    %add3A_805 = vector.broadcast %add3A_804 : i32 to vector<8x128xi32>
    %add3A_806 = arith.addi %iota3A, %add3A_805 : vector<8x128xi32>
    %gt3A_807 = arith.cmpf ogt, %get3A_803, %select_n3A_736 : vector<8x128xf32>
    %select_n3A_808 = arith.select %gt3A_807, %get3A_803, %select_n3A_736 : vector<8x128xi1>, vector<8x128xf32>
    %select_n3A_809 = arith.select %gt3A_807, %add3A_806, %select_n3A_737 : vector<8x128xi1>, vector<8x128xi32>
    %get3A_810 = arith.constant 0 : index
    %get3A_811 = arith.constant 11136 : index
    %get3A_812 = vector.load %arg1[%get3A_810, %get3A_811] : memref<8x32768xf32, #tpu.memory_space<vmem>>, vector<8x128xf32>
    %add3A_813 = arith.constant 11136 : i32
    %add3A_814 = vector.broadcast %add3A_813 : i32 to vector<8x128xi32>
    %add3A_815 = arith.addi %iota3A, %add3A_814 : vector<8x128xi32>
    %gt3A_816 = arith.cmpf ogt, %get3A_812, %select_n3A_745 : vector<8x128xf32>
    %select_n3A_817 = arith.select %gt3A_816, %get3A_812, %select_n3A_745 : vector<8x128xi1>, vector<8x128xf32>
    %select_n3A_818 = arith.select %gt3A_816, %add3A_815, %select_n3A_746 : vector<8x128xi1>, vector<8x128xi32>
    %get3A_819 = arith.constant 0 : index
    %get3A_820 = arith.constant 11264 : index
    %get3A_821 = vector.load %arg1[%get3A_819, %get3A_820] : memref<8x32768xf32, #tpu.memory_space<vmem>>, vector<8x128xf32>
    %add3A_822 = arith.constant 11264 : i32
    %add3A_823 = vector.broadcast %add3A_822 : i32 to vector<8x128xi32>
    %add3A_824 = arith.addi %iota3A, %add3A_823 : vector<8x128xi32>
    %gt3A_825 = arith.cmpf ogt, %get3A_821, %select_n3A_754 : vector<8x128xf32>
    %select_n3A_826 = arith.select %gt3A_825, %get3A_821, %select_n3A_754 : vector<8x128xi1>, vector<8x128xf32>
    %select_n3A_827 = arith.select %gt3A_825, %add3A_824, %select_n3A_755 : vector<8x128xi1>, vector<8x128xi32>
    %get3A_828 = arith.constant 0 : index
    %get3A_829 = arith.constant 11392 : index
    %get3A_830 = vector.load %arg1[%get3A_828, %get3A_829] : memref<8x32768xf32, #tpu.memory_space<vmem>>, vector<8x128xf32>
    %add3A_831 = arith.constant 11392 : i32
    %add3A_832 = vector.broadcast %add3A_831 : i32 to vector<8x128xi32>
    %add3A_833 = arith.addi %iota3A, %add3A_832 : vector<8x128xi32>
    %gt3A_834 = arith.cmpf ogt, %get3A_830, %select_n3A_763 : vector<8x128xf32>
    %select_n3A_835 = arith.select %gt3A_834, %get3A_830, %select_n3A_763 : vector<8x128xi1>, vector<8x128xf32>
    %select_n3A_836 = arith.select %gt3A_834, %add3A_833, %select_n3A_764 : vector<8x128xi1>, vector<8x128xi32>
    %get3A_837 = arith.constant 0 : index
    %get3A_838 = arith.constant 11520 : index
    %get3A_839 = vector.load %arg1[%get3A_837, %get3A_838] : memref<8x32768xf32, #tpu.memory_space<vmem>>, vector<8x128xf32>
    %add3A_840 = arith.constant 11520 : i32
    %add3A_841 = vector.broadcast %add3A_840 : i32 to vector<8x128xi32>
    %add3A_842 = arith.addi %iota3A, %add3A_841 : vector<8x128xi32>
    %gt3A_843 = arith.cmpf ogt, %get3A_839, %select_n3A_772 : vector<8x128xf32>
    %select_n3A_844 = arith.select %gt3A_843, %get3A_839, %select_n3A_772 : vector<8x128xi1>, vector<8x128xf32>
    %select_n3A_845 = arith.select %gt3A_843, %add3A_842, %select_n3A_773 : vector<8x128xi1>, vector<8x128xi32>
    %get3A_846 = arith.constant 0 : index
    %get3A_847 = arith.constant 11648 : index
    %get3A_848 = vector.load %arg1[%get3A_846, %get3A_847] : memref<8x32768xf32, #tpu.memory_space<vmem>>, vector<8x128xf32>
    %add3A_849 = arith.constant 11648 : i32
    %add3A_850 = vector.broadcast %add3A_849 : i32 to vector<8x128xi32>
    %add3A_851 = arith.addi %iota3A, %add3A_850 : vector<8x128xi32>
    %gt3A_852 = arith.cmpf ogt, %get3A_848, %select_n3A_781 : vector<8x128xf32>
    %select_n3A_853 = arith.select %gt3A_852, %get3A_848, %select_n3A_781 : vector<8x128xi1>, vector<8x128xf32>
    %select_n3A_854 = arith.select %gt3A_852, %add3A_851, %select_n3A_782 : vector<8x128xi1>, vector<8x128xi32>
    %get3A_855 = arith.constant 0 : index
    %get3A_856 = arith.constant 11776 : index
    %get3A_857 = vector.load %arg1[%get3A_855, %get3A_856] : memref<8x32768xf32, #tpu.memory_space<vmem>>, vector<8x128xf32>
    %add3A_858 = arith.constant 11776 : i32
    %add3A_859 = vector.broadcast %add3A_858 : i32 to vector<8x128xi32>
    %add3A_860 = arith.addi %iota3A, %add3A_859 : vector<8x128xi32>
    %gt3A_861 = arith.cmpf ogt, %get3A_857, %select_n3A_790 : vector<8x128xf32>
    %select_n3A_862 = arith.select %gt3A_861, %get3A_857, %select_n3A_790 : vector<8x128xi1>, vector<8x128xf32>
    %select_n3A_863 = arith.select %gt3A_861, %add3A_860, %select_n3A_791 : vector<8x128xi1>, vector<8x128xi32>
    %get3A_864 = arith.constant 0 : index
    %get3A_865 = arith.constant 11904 : index
    %get3A_866 = vector.load %arg1[%get3A_864, %get3A_865] : memref<8x32768xf32, #tpu.memory_space<vmem>>, vector<8x128xf32>
    %add3A_867 = arith.constant 11904 : i32
    %add3A_868 = vector.broadcast %add3A_867 : i32 to vector<8x128xi32>
    %add3A_869 = arith.addi %iota3A, %add3A_868 : vector<8x128xi32>
    %gt3A_870 = arith.cmpf ogt, %get3A_866, %select_n3A_799 : vector<8x128xf32>
    %select_n3A_871 = arith.select %gt3A_870, %get3A_866, %select_n3A_799 : vector<8x128xi1>, vector<8x128xf32>
    %select_n3A_872 = arith.select %gt3A_870, %add3A_869, %select_n3A_800 : vector<8x128xi1>, vector<8x128xi32>
    %get3A_873 = arith.constant 0 : index
    %get3A_874 = arith.constant 12032 : index
    %get3A_875 = vector.load %arg1[%get3A_873, %get3A_874] : memref<8x32768xf32, #tpu.memory_space<vmem>>, vector<8x128xf32>
    %add3A_876 = arith.constant 12032 : i32
    %add3A_877 = vector.broadcast %add3A_876 : i32 to vector<8x128xi32>
    %add3A_878 = arith.addi %iota3A, %add3A_877 : vector<8x128xi32>
    %gt3A_879 = arith.cmpf ogt, %get3A_875, %select_n3A_808 : vector<8x128xf32>
    %select_n3A_880 = arith.select %gt3A_879, %get3A_875, %select_n3A_808 : vector<8x128xi1>, vector<8x128xf32>
    %select_n3A_881 = arith.select %gt3A_879, %add3A_878, %select_n3A_809 : vector<8x128xi1>, vector<8x128xi32>
    %get3A_882 = arith.constant 0 : index
    %get3A_883 = arith.constant 12160 : index
    %get3A_884 = vector.load %arg1[%get3A_882, %get3A_883] : memref<8x32768xf32, #tpu.memory_space<vmem>>, vector<8x128xf32>
    %add3A_885 = arith.constant 12160 : i32
    %add3A_886 = vector.broadcast %add3A_885 : i32 to vector<8x128xi32>
    %add3A_887 = arith.addi %iota3A, %add3A_886 : vector<8x128xi32>
    %gt3A_888 = arith.cmpf ogt, %get3A_884, %select_n3A_817 : vector<8x128xf32>
    %select_n3A_889 = arith.select %gt3A_888, %get3A_884, %select_n3A_817 : vector<8x128xi1>, vector<8x128xf32>
    %select_n3A_890 = arith.select %gt3A_888, %add3A_887, %select_n3A_818 : vector<8x128xi1>, vector<8x128xi32>
    %get3A_891 = arith.constant 0 : index
    %get3A_892 = arith.constant 12288 : index
    %get3A_893 = vector.load %arg1[%get3A_891, %get3A_892] : memref<8x32768xf32, #tpu.memory_space<vmem>>, vector<8x128xf32>
    %add3A_894 = arith.constant 12288 : i32
    %add3A_895 = vector.broadcast %add3A_894 : i32 to vector<8x128xi32>
    %add3A_896 = arith.addi %iota3A, %add3A_895 : vector<8x128xi32>
    %gt3A_897 = arith.cmpf ogt, %get3A_893, %select_n3A_826 : vector<8x128xf32>
    %select_n3A_898 = arith.select %gt3A_897, %get3A_893, %select_n3A_826 : vector<8x128xi1>, vector<8x128xf32>
    %select_n3A_899 = arith.select %gt3A_897, %add3A_896, %select_n3A_827 : vector<8x128xi1>, vector<8x128xi32>
    %get3A_900 = arith.constant 0 : index
    %get3A_901 = arith.constant 12416 : index
    %get3A_902 = vector.load %arg1[%get3A_900, %get3A_901] : memref<8x32768xf32, #tpu.memory_space<vmem>>, vector<8x128xf32>
    %add3A_903 = arith.constant 12416 : i32
    %add3A_904 = vector.broadcast %add3A_903 : i32 to vector<8x128xi32>
    %add3A_905 = arith.addi %iota3A, %add3A_904 : vector<8x128xi32>
    %gt3A_906 = arith.cmpf ogt, %get3A_902, %select_n3A_835 : vector<8x128xf32>
    %select_n3A_907 = arith.select %gt3A_906, %get3A_902, %select_n3A_835 : vector<8x128xi1>, vector<8x128xf32>
    %select_n3A_908 = arith.select %gt3A_906, %add3A_905, %select_n3A_836 : vector<8x128xi1>, vector<8x128xi32>
    %get3A_909 = arith.constant 0 : index
    %get3A_910 = arith.constant 12544 : index
    %get3A_911 = vector.load %arg1[%get3A_909, %get3A_910] : memref<8x32768xf32, #tpu.memory_space<vmem>>, vector<8x128xf32>
    %add3A_912 = arith.constant 12544 : i32
    %add3A_913 = vector.broadcast %add3A_912 : i32 to vector<8x128xi32>
    %add3A_914 = arith.addi %iota3A, %add3A_913 : vector<8x128xi32>
    %gt3A_915 = arith.cmpf ogt, %get3A_911, %select_n3A_844 : vector<8x128xf32>
    %select_n3A_916 = arith.select %gt3A_915, %get3A_911, %select_n3A_844 : vector<8x128xi1>, vector<8x128xf32>
    %select_n3A_917 = arith.select %gt3A_915, %add3A_914, %select_n3A_845 : vector<8x128xi1>, vector<8x128xi32>
    %get3A_918 = arith.constant 0 : index
    %get3A_919 = arith.constant 12672 : index
    %get3A_920 = vector.load %arg1[%get3A_918, %get3A_919] : memref<8x32768xf32, #tpu.memory_space<vmem>>, vector<8x128xf32>
    %add3A_921 = arith.constant 12672 : i32
    %add3A_922 = vector.broadcast %add3A_921 : i32 to vector<8x128xi32>
    %add3A_923 = arith.addi %iota3A, %add3A_922 : vector<8x128xi32>
    %gt3A_924 = arith.cmpf ogt, %get3A_920, %select_n3A_853 : vector<8x128xf32>
    %select_n3A_925 = arith.select %gt3A_924, %get3A_920, %select_n3A_853 : vector<8x128xi1>, vector<8x128xf32>
    %select_n3A_926 = arith.select %gt3A_924, %add3A_923, %select_n3A_854 : vector<8x128xi1>, vector<8x128xi32>
    %get3A_927 = arith.constant 0 : index
    %get3A_928 = arith.constant 12800 : index
    %get3A_929 = vector.load %arg1[%get3A_927, %get3A_928] : memref<8x32768xf32, #tpu.memory_space<vmem>>, vector<8x128xf32>
    %add3A_930 = arith.constant 12800 : i32
    %add3A_931 = vector.broadcast %add3A_930 : i32 to vector<8x128xi32>
    %add3A_932 = arith.addi %iota3A, %add3A_931 : vector<8x128xi32>
    %gt3A_933 = arith.cmpf ogt, %get3A_929, %select_n3A_862 : vector<8x128xf32>
    %select_n3A_934 = arith.select %gt3A_933, %get3A_929, %select_n3A_862 : vector<8x128xi1>, vector<8x128xf32>
    %select_n3A_935 = arith.select %gt3A_933, %add3A_932, %select_n3A_863 : vector<8x128xi1>, vector<8x128xi32>
    %get3A_936 = arith.constant 0 : index
    %get3A_937 = arith.constant 12928 : index
    %get3A_938 = vector.load %arg1[%get3A_936, %get3A_937] : memref<8x32768xf32, #tpu.memory_space<vmem>>, vector<8x128xf32>
    %add3A_939 = arith.constant 12928 : i32
    %add3A_940 = vector.broadcast %add3A_939 : i32 to vector<8x128xi32>
    %add3A_941 = arith.addi %iota3A, %add3A_940 : vector<8x128xi32>
    %gt3A_942 = arith.cmpf ogt, %get3A_938, %select_n3A_871 : vector<8x128xf32>
    %select_n3A_943 = arith.select %gt3A_942, %get3A_938, %select_n3A_871 : vector<8x128xi1>, vector<8x128xf32>
    %select_n3A_944 = arith.select %gt3A_942, %add3A_941, %select_n3A_872 : vector<8x128xi1>, vector<8x128xi32>
    %get3A_945 = arith.constant 0 : index
    %get3A_946 = arith.constant 13056 : index
    %get3A_947 = vector.load %arg1[%get3A_945, %get3A_946] : memref<8x32768xf32, #tpu.memory_space<vmem>>, vector<8x128xf32>
    %add3A_948 = arith.constant 13056 : i32
    %add3A_949 = vector.broadcast %add3A_948 : i32 to vector<8x128xi32>
    %add3A_950 = arith.addi %iota3A, %add3A_949 : vector<8x128xi32>
    %gt3A_951 = arith.cmpf ogt, %get3A_947, %select_n3A_880 : vector<8x128xf32>
    %select_n3A_952 = arith.select %gt3A_951, %get3A_947, %select_n3A_880 : vector<8x128xi1>, vector<8x128xf32>
    %select_n3A_953 = arith.select %gt3A_951, %add3A_950, %select_n3A_881 : vector<8x128xi1>, vector<8x128xi32>
    %get3A_954 = arith.constant 0 : index
    %get3A_955 = arith.constant 13184 : index
    %get3A_956 = vector.load %arg1[%get3A_954, %get3A_955] : memref<8x32768xf32, #tpu.memory_space<vmem>>, vector<8x128xf32>
    %add3A_957 = arith.constant 13184 : i32
    %add3A_958 = vector.broadcast %add3A_957 : i32 to vector<8x128xi32>
    %add3A_959 = arith.addi %iota3A, %add3A_958 : vector<8x128xi32>
    %gt3A_960 = arith.cmpf ogt, %get3A_956, %select_n3A_889 : vector<8x128xf32>
    %select_n3A_961 = arith.select %gt3A_960, %get3A_956, %select_n3A_889 : vector<8x128xi1>, vector<8x128xf32>
    %select_n3A_962 = arith.select %gt3A_960, %add3A_959, %select_n3A_890 : vector<8x128xi1>, vector<8x128xi32>
    %get3A_963 = arith.constant 0 : index
    %get3A_964 = arith.constant 13312 : index
    %get3A_965 = vector.load %arg1[%get3A_963, %get3A_964] : memref<8x32768xf32, #tpu.memory_space<vmem>>, vector<8x128xf32>
    %add3A_966 = arith.constant 13312 : i32
    %add3A_967 = vector.broadcast %add3A_966 : i32 to vector<8x128xi32>
    %add3A_968 = arith.addi %iota3A, %add3A_967 : vector<8x128xi32>
    %gt3A_969 = arith.cmpf ogt, %get3A_965, %select_n3A_898 : vector<8x128xf32>
    %select_n3A_970 = arith.select %gt3A_969, %get3A_965, %select_n3A_898 : vector<8x128xi1>, vector<8x128xf32>
    %select_n3A_971 = arith.select %gt3A_969, %add3A_968, %select_n3A_899 : vector<8x128xi1>, vector<8x128xi32>
    %get3A_972 = arith.constant 0 : index
    %get3A_973 = arith.constant 13440 : index
    %get3A_974 = vector.load %arg1[%get3A_972, %get3A_973] : memref<8x32768xf32, #tpu.memory_space<vmem>>, vector<8x128xf32>
    %add3A_975 = arith.constant 13440 : i32
    %add3A_976 = vector.broadcast %add3A_975 : i32 to vector<8x128xi32>
    %add3A_977 = arith.addi %iota3A, %add3A_976 : vector<8x128xi32>
    %gt3A_978 = arith.cmpf ogt, %get3A_974, %select_n3A_907 : vector<8x128xf32>
    %select_n3A_979 = arith.select %gt3A_978, %get3A_974, %select_n3A_907 : vector<8x128xi1>, vector<8x128xf32>
    %select_n3A_980 = arith.select %gt3A_978, %add3A_977, %select_n3A_908 : vector<8x128xi1>, vector<8x128xi32>
    %get3A_981 = arith.constant 0 : index
    %get3A_982 = arith.constant 13568 : index
    %get3A_983 = vector.load %arg1[%get3A_981, %get3A_982] : memref<8x32768xf32, #tpu.memory_space<vmem>>, vector<8x128xf32>
    %add3A_984 = arith.constant 13568 : i32
    %add3A_985 = vector.broadcast %add3A_984 : i32 to vector<8x128xi32>
    %add3A_986 = arith.addi %iota3A, %add3A_985 : vector<8x128xi32>
    %gt3A_987 = arith.cmpf ogt, %get3A_983, %select_n3A_916 : vector<8x128xf32>
    %select_n3A_988 = arith.select %gt3A_987, %get3A_983, %select_n3A_916 : vector<8x128xi1>, vector<8x128xf32>
    %select_n3A_989 = arith.select %gt3A_987, %add3A_986, %select_n3A_917 : vector<8x128xi1>, vector<8x128xi32>
    %get3A_990 = arith.constant 0 : index
    %get3A_991 = arith.constant 13696 : index
    %get3A_992 = vector.load %arg1[%get3A_990, %get3A_991] : memref<8x32768xf32, #tpu.memory_space<vmem>>, vector<8x128xf32>
    %add3A_993 = arith.constant 13696 : i32
    %add3A_994 = vector.broadcast %add3A_993 : i32 to vector<8x128xi32>
    %add3A_995 = arith.addi %iota3A, %add3A_994 : vector<8x128xi32>
    %gt3A_996 = arith.cmpf ogt, %get3A_992, %select_n3A_925 : vector<8x128xf32>
    %select_n3A_997 = arith.select %gt3A_996, %get3A_992, %select_n3A_925 : vector<8x128xi1>, vector<8x128xf32>
    %select_n3A_998 = arith.select %gt3A_996, %add3A_995, %select_n3A_926 : vector<8x128xi1>, vector<8x128xi32>
    %get3A_999 = arith.constant 0 : index
    %get3A_1000 = arith.constant 13824 : index
    %get3A_1001 = vector.load %arg1[%get3A_999, %get3A_1000] : memref<8x32768xf32, #tpu.memory_space<vmem>>, vector<8x128xf32>
    %add3A_1002 = arith.constant 13824 : i32
    %add3A_1003 = vector.broadcast %add3A_1002 : i32 to vector<8x128xi32>
    %add3A_1004 = arith.addi %iota3A, %add3A_1003 : vector<8x128xi32>
    %gt3A_1005 = arith.cmpf ogt, %get3A_1001, %select_n3A_934 : vector<8x128xf32>
    %select_n3A_1006 = arith.select %gt3A_1005, %get3A_1001, %select_n3A_934 : vector<8x128xi1>, vector<8x128xf32>
    %select_n3A_1007 = arith.select %gt3A_1005, %add3A_1004, %select_n3A_935 : vector<8x128xi1>, vector<8x128xi32>
    %get3A_1008 = arith.constant 0 : index
    %get3A_1009 = arith.constant 13952 : index
    %get3A_1010 = vector.load %arg1[%get3A_1008, %get3A_1009] : memref<8x32768xf32, #tpu.memory_space<vmem>>, vector<8x128xf32>
    %add3A_1011 = arith.constant 13952 : i32
    %add3A_1012 = vector.broadcast %add3A_1011 : i32 to vector<8x128xi32>
    %add3A_1013 = arith.addi %iota3A, %add3A_1012 : vector<8x128xi32>
    %gt3A_1014 = arith.cmpf ogt, %get3A_1010, %select_n3A_943 : vector<8x128xf32>
    %select_n3A_1015 = arith.select %gt3A_1014, %get3A_1010, %select_n3A_943 : vector<8x128xi1>, vector<8x128xf32>
    %select_n3A_1016 = arith.select %gt3A_1014, %add3A_1013, %select_n3A_944 : vector<8x128xi1>, vector<8x128xi32>
    %get3A_1017 = arith.constant 0 : index
    %get3A_1018 = arith.constant 14080 : index
    %get3A_1019 = vector.load %arg1[%get3A_1017, %get3A_1018] : memref<8x32768xf32, #tpu.memory_space<vmem>>, vector<8x128xf32>
    %add3A_1020 = arith.constant 14080 : i32
    %add3A_1021 = vector.broadcast %add3A_1020 : i32 to vector<8x128xi32>
    %add3A_1022 = arith.addi %iota3A, %add3A_1021 : vector<8x128xi32>
    %gt3A_1023 = arith.cmpf ogt, %get3A_1019, %select_n3A_952 : vector<8x128xf32>
    %select_n3A_1024 = arith.select %gt3A_1023, %get3A_1019, %select_n3A_952 : vector<8x128xi1>, vector<8x128xf32>
    %select_n3A_1025 = arith.select %gt3A_1023, %add3A_1022, %select_n3A_953 : vector<8x128xi1>, vector<8x128xi32>
    %get3A_1026 = arith.constant 0 : index
    %get3A_1027 = arith.constant 14208 : index
    %get3A_1028 = vector.load %arg1[%get3A_1026, %get3A_1027] : memref<8x32768xf32, #tpu.memory_space<vmem>>, vector<8x128xf32>
    %add3A_1029 = arith.constant 14208 : i32
    %add3A_1030 = vector.broadcast %add3A_1029 : i32 to vector<8x128xi32>
    %add3A_1031 = arith.addi %iota3A, %add3A_1030 : vector<8x128xi32>
    %gt3A_1032 = arith.cmpf ogt, %get3A_1028, %select_n3A_961 : vector<8x128xf32>
    %select_n3A_1033 = arith.select %gt3A_1032, %get3A_1028, %select_n3A_961 : vector<8x128xi1>, vector<8x128xf32>
    %select_n3A_1034 = arith.select %gt3A_1032, %add3A_1031, %select_n3A_962 : vector<8x128xi1>, vector<8x128xi32>
    %get3A_1035 = arith.constant 0 : index
    %get3A_1036 = arith.constant 14336 : index
    %get3A_1037 = vector.load %arg1[%get3A_1035, %get3A_1036] : memref<8x32768xf32, #tpu.memory_space<vmem>>, vector<8x128xf32>
    %add3A_1038 = arith.constant 14336 : i32
    %add3A_1039 = vector.broadcast %add3A_1038 : i32 to vector<8x128xi32>
    %add3A_1040 = arith.addi %iota3A, %add3A_1039 : vector<8x128xi32>
    %gt3A_1041 = arith.cmpf ogt, %get3A_1037, %select_n3A_970 : vector<8x128xf32>
    %select_n3A_1042 = arith.select %gt3A_1041, %get3A_1037, %select_n3A_970 : vector<8x128xi1>, vector<8x128xf32>
    %select_n3A_1043 = arith.select %gt3A_1041, %add3A_1040, %select_n3A_971 : vector<8x128xi1>, vector<8x128xi32>
    %get3A_1044 = arith.constant 0 : index
    %get3A_1045 = arith.constant 14464 : index
    %get3A_1046 = vector.load %arg1[%get3A_1044, %get3A_1045] : memref<8x32768xf32, #tpu.memory_space<vmem>>, vector<8x128xf32>
    %add3A_1047 = arith.constant 14464 : i32
    %add3A_1048 = vector.broadcast %add3A_1047 : i32 to vector<8x128xi32>
    %add3A_1049 = arith.addi %iota3A, %add3A_1048 : vector<8x128xi32>
    %gt3A_1050 = arith.cmpf ogt, %get3A_1046, %select_n3A_979 : vector<8x128xf32>
    %select_n3A_1051 = arith.select %gt3A_1050, %get3A_1046, %select_n3A_979 : vector<8x128xi1>, vector<8x128xf32>
    %select_n3A_1052 = arith.select %gt3A_1050, %add3A_1049, %select_n3A_980 : vector<8x128xi1>, vector<8x128xi32>
    %get3A_1053 = arith.constant 0 : index
    %get3A_1054 = arith.constant 14592 : index
    %get3A_1055 = vector.load %arg1[%get3A_1053, %get3A_1054] : memref<8x32768xf32, #tpu.memory_space<vmem>>, vector<8x128xf32>
    %add3A_1056 = arith.constant 14592 : i32
    %add3A_1057 = vector.broadcast %add3A_1056 : i32 to vector<8x128xi32>
    %add3A_1058 = arith.addi %iota3A, %add3A_1057 : vector<8x128xi32>
    %gt3A_1059 = arith.cmpf ogt, %get3A_1055, %select_n3A_988 : vector<8x128xf32>
    %select_n3A_1060 = arith.select %gt3A_1059, %get3A_1055, %select_n3A_988 : vector<8x128xi1>, vector<8x128xf32>
    %select_n3A_1061 = arith.select %gt3A_1059, %add3A_1058, %select_n3A_989 : vector<8x128xi1>, vector<8x128xi32>
    %get3A_1062 = arith.constant 0 : index
    %get3A_1063 = arith.constant 14720 : index
    %get3A_1064 = vector.load %arg1[%get3A_1062, %get3A_1063] : memref<8x32768xf32, #tpu.memory_space<vmem>>, vector<8x128xf32>
    %add3A_1065 = arith.constant 14720 : i32
    %add3A_1066 = vector.broadcast %add3A_1065 : i32 to vector<8x128xi32>
    %add3A_1067 = arith.addi %iota3A, %add3A_1066 : vector<8x128xi32>
    %gt3A_1068 = arith.cmpf ogt, %get3A_1064, %select_n3A_997 : vector<8x128xf32>
    %select_n3A_1069 = arith.select %gt3A_1068, %get3A_1064, %select_n3A_997 : vector<8x128xi1>, vector<8x128xf32>
    %select_n3A_1070 = arith.select %gt3A_1068, %add3A_1067, %select_n3A_998 : vector<8x128xi1>, vector<8x128xi32>
    %get3A_1071 = arith.constant 0 : index
    %get3A_1072 = arith.constant 14848 : index
    %get3A_1073 = vector.load %arg1[%get3A_1071, %get3A_1072] : memref<8x32768xf32, #tpu.memory_space<vmem>>, vector<8x128xf32>
    %add3A_1074 = arith.constant 14848 : i32
    %add3A_1075 = vector.broadcast %add3A_1074 : i32 to vector<8x128xi32>
    %add3A_1076 = arith.addi %iota3A, %add3A_1075 : vector<8x128xi32>
    %gt3A_1077 = arith.cmpf ogt, %get3A_1073, %select_n3A_1006 : vector<8x128xf32>
    %select_n3A_1078 = arith.select %gt3A_1077, %get3A_1073, %select_n3A_1006 : vector<8x128xi1>, vector<8x128xf32>
    %select_n3A_1079 = arith.select %gt3A_1077, %add3A_1076, %select_n3A_1007 : vector<8x128xi1>, vector<8x128xi32>
    %get3A_1080 = arith.constant 0 : index
    %get3A_1081 = arith.constant 14976 : index
    %get3A_1082 = vector.load %arg1[%get3A_1080, %get3A_1081] : memref<8x32768xf32, #tpu.memory_space<vmem>>, vector<8x128xf32>
    %add3A_1083 = arith.constant 14976 : i32
    %add3A_1084 = vector.broadcast %add3A_1083 : i32 to vector<8x128xi32>
    %add3A_1085 = arith.addi %iota3A, %add3A_1084 : vector<8x128xi32>
    %gt3A_1086 = arith.cmpf ogt, %get3A_1082, %select_n3A_1015 : vector<8x128xf32>
    %select_n3A_1087 = arith.select %gt3A_1086, %get3A_1082, %select_n3A_1015 : vector<8x128xi1>, vector<8x128xf32>
    %select_n3A_1088 = arith.select %gt3A_1086, %add3A_1085, %select_n3A_1016 : vector<8x128xi1>, vector<8x128xi32>
    %get3A_1089 = arith.constant 0 : index
    %get3A_1090 = arith.constant 15104 : index
    %get3A_1091 = vector.load %arg1[%get3A_1089, %get3A_1090] : memref<8x32768xf32, #tpu.memory_space<vmem>>, vector<8x128xf32>
    %add3A_1092 = arith.constant 15104 : i32
    %add3A_1093 = vector.broadcast %add3A_1092 : i32 to vector<8x128xi32>
    %add3A_1094 = arith.addi %iota3A, %add3A_1093 : vector<8x128xi32>
    %gt3A_1095 = arith.cmpf ogt, %get3A_1091, %select_n3A_1024 : vector<8x128xf32>
    %select_n3A_1096 = arith.select %gt3A_1095, %get3A_1091, %select_n3A_1024 : vector<8x128xi1>, vector<8x128xf32>
    %select_n3A_1097 = arith.select %gt3A_1095, %add3A_1094, %select_n3A_1025 : vector<8x128xi1>, vector<8x128xi32>
    %get3A_1098 = arith.constant 0 : index
    %get3A_1099 = arith.constant 15232 : index
    %get3A_1100 = vector.load %arg1[%get3A_1098, %get3A_1099] : memref<8x32768xf32, #tpu.memory_space<vmem>>, vector<8x128xf32>
    %add3A_1101 = arith.constant 15232 : i32
    %add3A_1102 = vector.broadcast %add3A_1101 : i32 to vector<8x128xi32>
    %add3A_1103 = arith.addi %iota3A, %add3A_1102 : vector<8x128xi32>
    %gt3A_1104 = arith.cmpf ogt, %get3A_1100, %select_n3A_1033 : vector<8x128xf32>
    %select_n3A_1105 = arith.select %gt3A_1104, %get3A_1100, %select_n3A_1033 : vector<8x128xi1>, vector<8x128xf32>
    %select_n3A_1106 = arith.select %gt3A_1104, %add3A_1103, %select_n3A_1034 : vector<8x128xi1>, vector<8x128xi32>
    %get3A_1107 = arith.constant 0 : index
    %get3A_1108 = arith.constant 15360 : index
    %get3A_1109 = vector.load %arg1[%get3A_1107, %get3A_1108] : memref<8x32768xf32, #tpu.memory_space<vmem>>, vector<8x128xf32>
    %add3A_1110 = arith.constant 15360 : i32
    %add3A_1111 = vector.broadcast %add3A_1110 : i32 to vector<8x128xi32>
    %add3A_1112 = arith.addi %iota3A, %add3A_1111 : vector<8x128xi32>
    %gt3A_1113 = arith.cmpf ogt, %get3A_1109, %select_n3A_1042 : vector<8x128xf32>
    %select_n3A_1114 = arith.select %gt3A_1113, %get3A_1109, %select_n3A_1042 : vector<8x128xi1>, vector<8x128xf32>
    %select_n3A_1115 = arith.select %gt3A_1113, %add3A_1112, %select_n3A_1043 : vector<8x128xi1>, vector<8x128xi32>
    %get3A_1116 = arith.constant 0 : index
    %get3A_1117 = arith.constant 15488 : index
    %get3A_1118 = vector.load %arg1[%get3A_1116, %get3A_1117] : memref<8x32768xf32, #tpu.memory_space<vmem>>, vector<8x128xf32>
    %add3A_1119 = arith.constant 15488 : i32
    %add3A_1120 = vector.broadcast %add3A_1119 : i32 to vector<8x128xi32>
    %add3A_1121 = arith.addi %iota3A, %add3A_1120 : vector<8x128xi32>
    %gt3A_1122 = arith.cmpf ogt, %get3A_1118, %select_n3A_1051 : vector<8x128xf32>
    %select_n3A_1123 = arith.select %gt3A_1122, %get3A_1118, %select_n3A_1051 : vector<8x128xi1>, vector<8x128xf32>
    %select_n3A_1124 = arith.select %gt3A_1122, %add3A_1121, %select_n3A_1052 : vector<8x128xi1>, vector<8x128xi32>
    %get3A_1125 = arith.constant 0 : index
    %get3A_1126 = arith.constant 15616 : index
    %get3A_1127 = vector.load %arg1[%get3A_1125, %get3A_1126] : memref<8x32768xf32, #tpu.memory_space<vmem>>, vector<8x128xf32>
    %add3A_1128 = arith.constant 15616 : i32
    %add3A_1129 = vector.broadcast %add3A_1128 : i32 to vector<8x128xi32>
    %add3A_1130 = arith.addi %iota3A, %add3A_1129 : vector<8x128xi32>
    %gt3A_1131 = arith.cmpf ogt, %get3A_1127, %select_n3A_1060 : vector<8x128xf32>
    %select_n3A_1132 = arith.select %gt3A_1131, %get3A_1127, %select_n3A_1060 : vector<8x128xi1>, vector<8x128xf32>
    %select_n3A_1133 = arith.select %gt3A_1131, %add3A_1130, %select_n3A_1061 : vector<8x128xi1>, vector<8x128xi32>
    %get3A_1134 = arith.constant 0 : index
    %get3A_1135 = arith.constant 15744 : index
    %get3A_1136 = vector.load %arg1[%get3A_1134, %get3A_1135] : memref<8x32768xf32, #tpu.memory_space<vmem>>, vector<8x128xf32>
    %add3A_1137 = arith.constant 15744 : i32
    %add3A_1138 = vector.broadcast %add3A_1137 : i32 to vector<8x128xi32>
    %add3A_1139 = arith.addi %iota3A, %add3A_1138 : vector<8x128xi32>
    %gt3A_1140 = arith.cmpf ogt, %get3A_1136, %select_n3A_1069 : vector<8x128xf32>
    %select_n3A_1141 = arith.select %gt3A_1140, %get3A_1136, %select_n3A_1069 : vector<8x128xi1>, vector<8x128xf32>
    %select_n3A_1142 = arith.select %gt3A_1140, %add3A_1139, %select_n3A_1070 : vector<8x128xi1>, vector<8x128xi32>
    %get3A_1143 = arith.constant 0 : index
    %get3A_1144 = arith.constant 15872 : index
    %get3A_1145 = vector.load %arg1[%get3A_1143, %get3A_1144] : memref<8x32768xf32, #tpu.memory_space<vmem>>, vector<8x128xf32>
    %add3A_1146 = arith.constant 15872 : i32
    %add3A_1147 = vector.broadcast %add3A_1146 : i32 to vector<8x128xi32>
    %add3A_1148 = arith.addi %iota3A, %add3A_1147 : vector<8x128xi32>
    %gt3A_1149 = arith.cmpf ogt, %get3A_1145, %select_n3A_1078 : vector<8x128xf32>
    %select_n3A_1150 = arith.select %gt3A_1149, %get3A_1145, %select_n3A_1078 : vector<8x128xi1>, vector<8x128xf32>
    %select_n3A_1151 = arith.select %gt3A_1149, %add3A_1148, %select_n3A_1079 : vector<8x128xi1>, vector<8x128xi32>
    %get3A_1152 = arith.constant 0 : index
    %get3A_1153 = arith.constant 16000 : index
    %get3A_1154 = vector.load %arg1[%get3A_1152, %get3A_1153] : memref<8x32768xf32, #tpu.memory_space<vmem>>, vector<8x128xf32>
    %add3A_1155 = arith.constant 16000 : i32
    %add3A_1156 = vector.broadcast %add3A_1155 : i32 to vector<8x128xi32>
    %add3A_1157 = arith.addi %iota3A, %add3A_1156 : vector<8x128xi32>
    %gt3A_1158 = arith.cmpf ogt, %get3A_1154, %select_n3A_1087 : vector<8x128xf32>
    %select_n3A_1159 = arith.select %gt3A_1158, %get3A_1154, %select_n3A_1087 : vector<8x128xi1>, vector<8x128xf32>
    %select_n3A_1160 = arith.select %gt3A_1158, %add3A_1157, %select_n3A_1088 : vector<8x128xi1>, vector<8x128xi32>
    %get3A_1161 = arith.constant 0 : index
    %get3A_1162 = arith.constant 16128 : index
    %get3A_1163 = vector.load %arg1[%get3A_1161, %get3A_1162] : memref<8x32768xf32, #tpu.memory_space<vmem>>, vector<8x128xf32>
    %add3A_1164 = arith.constant 16128 : i32
    %add3A_1165 = vector.broadcast %add3A_1164 : i32 to vector<8x128xi32>
    %add3A_1166 = arith.addi %iota3A, %add3A_1165 : vector<8x128xi32>
    %gt3A_1167 = arith.cmpf ogt, %get3A_1163, %select_n3A_1096 : vector<8x128xf32>
    %select_n3A_1168 = arith.select %gt3A_1167, %get3A_1163, %select_n3A_1096 : vector<8x128xi1>, vector<8x128xf32>
    %select_n3A_1169 = arith.select %gt3A_1167, %add3A_1166, %select_n3A_1097 : vector<8x128xi1>, vector<8x128xi32>
    %get3A_1170 = arith.constant 0 : index
    %get3A_1171 = arith.constant 16256 : index
    %get3A_1172 = vector.load %arg1[%get3A_1170, %get3A_1171] : memref<8x32768xf32, #tpu.memory_space<vmem>>, vector<8x128xf32>
    %add3A_1173 = arith.constant 16256 : i32
    %add3A_1174 = vector.broadcast %add3A_1173 : i32 to vector<8x128xi32>
    %add3A_1175 = arith.addi %iota3A, %add3A_1174 : vector<8x128xi32>
    %gt3A_1176 = arith.cmpf ogt, %get3A_1172, %select_n3A_1105 : vector<8x128xf32>
    %select_n3A_1177 = arith.select %gt3A_1176, %get3A_1172, %select_n3A_1105 : vector<8x128xi1>, vector<8x128xf32>
    %select_n3A_1178 = arith.select %gt3A_1176, %add3A_1175, %select_n3A_1106 : vector<8x128xi1>, vector<8x128xi32>
    %get3A_1179 = arith.constant 0 : index
    %get3A_1180 = arith.constant 16384 : index
    %get3A_1181 = vector.load %arg1[%get3A_1179, %get3A_1180] : memref<8x32768xf32, #tpu.memory_space<vmem>>, vector<8x128xf32>
    %add3A_1182 = arith.constant 16384 : i32
    %add3A_1183 = vector.broadcast %add3A_1182 : i32 to vector<8x128xi32>
    %add3A_1184 = arith.addi %iota3A, %add3A_1183 : vector<8x128xi32>
    %gt3A_1185 = arith.cmpf ogt, %get3A_1181, %select_n3A_1114 : vector<8x128xf32>
    %select_n3A_1186 = arith.select %gt3A_1185, %get3A_1181, %select_n3A_1114 : vector<8x128xi1>, vector<8x128xf32>
    %select_n3A_1187 = arith.select %gt3A_1185, %add3A_1184, %select_n3A_1115 : vector<8x128xi1>, vector<8x128xi32>
    %get3A_1188 = arith.constant 0 : index
    %get3A_1189 = arith.constant 16512 : index
    %get3A_1190 = vector.load %arg1[%get3A_1188, %get3A_1189] : memref<8x32768xf32, #tpu.memory_space<vmem>>, vector<8x128xf32>
    %add3A_1191 = arith.constant 16512 : i32
    %add3A_1192 = vector.broadcast %add3A_1191 : i32 to vector<8x128xi32>
    %add3A_1193 = arith.addi %iota3A, %add3A_1192 : vector<8x128xi32>
    %gt3A_1194 = arith.cmpf ogt, %get3A_1190, %select_n3A_1123 : vector<8x128xf32>
    %select_n3A_1195 = arith.select %gt3A_1194, %get3A_1190, %select_n3A_1123 : vector<8x128xi1>, vector<8x128xf32>
    %select_n3A_1196 = arith.select %gt3A_1194, %add3A_1193, %select_n3A_1124 : vector<8x128xi1>, vector<8x128xi32>
    %get3A_1197 = arith.constant 0 : index
    %get3A_1198 = arith.constant 16640 : index
    %get3A_1199 = vector.load %arg1[%get3A_1197, %get3A_1198] : memref<8x32768xf32, #tpu.memory_space<vmem>>, vector<8x128xf32>
    %add3A_1200 = arith.constant 16640 : i32
    %add3A_1201 = vector.broadcast %add3A_1200 : i32 to vector<8x128xi32>
    %add3A_1202 = arith.addi %iota3A, %add3A_1201 : vector<8x128xi32>
    %gt3A_1203 = arith.cmpf ogt, %get3A_1199, %select_n3A_1132 : vector<8x128xf32>
    %select_n3A_1204 = arith.select %gt3A_1203, %get3A_1199, %select_n3A_1132 : vector<8x128xi1>, vector<8x128xf32>
    %select_n3A_1205 = arith.select %gt3A_1203, %add3A_1202, %select_n3A_1133 : vector<8x128xi1>, vector<8x128xi32>
    %get3A_1206 = arith.constant 0 : index
    %get3A_1207 = arith.constant 16768 : index
    %get3A_1208 = vector.load %arg1[%get3A_1206, %get3A_1207] : memref<8x32768xf32, #tpu.memory_space<vmem>>, vector<8x128xf32>
    %add3A_1209 = arith.constant 16768 : i32
    %add3A_1210 = vector.broadcast %add3A_1209 : i32 to vector<8x128xi32>
    %add3A_1211 = arith.addi %iota3A, %add3A_1210 : vector<8x128xi32>
    %gt3A_1212 = arith.cmpf ogt, %get3A_1208, %select_n3A_1141 : vector<8x128xf32>
    %select_n3A_1213 = arith.select %gt3A_1212, %get3A_1208, %select_n3A_1141 : vector<8x128xi1>, vector<8x128xf32>
    %select_n3A_1214 = arith.select %gt3A_1212, %add3A_1211, %select_n3A_1142 : vector<8x128xi1>, vector<8x128xi32>
    %get3A_1215 = arith.constant 0 : index
    %get3A_1216 = arith.constant 16896 : index
    %get3A_1217 = vector.load %arg1[%get3A_1215, %get3A_1216] : memref<8x32768xf32, #tpu.memory_space<vmem>>, vector<8x128xf32>
    %add3A_1218 = arith.constant 16896 : i32
    %add3A_1219 = vector.broadcast %add3A_1218 : i32 to vector<8x128xi32>
    %add3A_1220 = arith.addi %iota3A, %add3A_1219 : vector<8x128xi32>
    %gt3A_1221 = arith.cmpf ogt, %get3A_1217, %select_n3A_1150 : vector<8x128xf32>
    %select_n3A_1222 = arith.select %gt3A_1221, %get3A_1217, %select_n3A_1150 : vector<8x128xi1>, vector<8x128xf32>
    %select_n3A_1223 = arith.select %gt3A_1221, %add3A_1220, %select_n3A_1151 : vector<8x128xi1>, vector<8x128xi32>
    %get3A_1224 = arith.constant 0 : index
    %get3A_1225 = arith.constant 17024 : index
    %get3A_1226 = vector.load %arg1[%get3A_1224, %get3A_1225] : memref<8x32768xf32, #tpu.memory_space<vmem>>, vector<8x128xf32>
    %add3A_1227 = arith.constant 17024 : i32
    %add3A_1228 = vector.broadcast %add3A_1227 : i32 to vector<8x128xi32>
    %add3A_1229 = arith.addi %iota3A, %add3A_1228 : vector<8x128xi32>
    %gt3A_1230 = arith.cmpf ogt, %get3A_1226, %select_n3A_1159 : vector<8x128xf32>
    %select_n3A_1231 = arith.select %gt3A_1230, %get3A_1226, %select_n3A_1159 : vector<8x128xi1>, vector<8x128xf32>
    %select_n3A_1232 = arith.select %gt3A_1230, %add3A_1229, %select_n3A_1160 : vector<8x128xi1>, vector<8x128xi32>
    %get3A_1233 = arith.constant 0 : index
    %get3A_1234 = arith.constant 17152 : index
    %get3A_1235 = vector.load %arg1[%get3A_1233, %get3A_1234] : memref<8x32768xf32, #tpu.memory_space<vmem>>, vector<8x128xf32>
    %add3A_1236 = arith.constant 17152 : i32
    %add3A_1237 = vector.broadcast %add3A_1236 : i32 to vector<8x128xi32>
    %add3A_1238 = arith.addi %iota3A, %add3A_1237 : vector<8x128xi32>
    %gt3A_1239 = arith.cmpf ogt, %get3A_1235, %select_n3A_1168 : vector<8x128xf32>
    %select_n3A_1240 = arith.select %gt3A_1239, %get3A_1235, %select_n3A_1168 : vector<8x128xi1>, vector<8x128xf32>
    %select_n3A_1241 = arith.select %gt3A_1239, %add3A_1238, %select_n3A_1169 : vector<8x128xi1>, vector<8x128xi32>
    %get3A_1242 = arith.constant 0 : index
    %get3A_1243 = arith.constant 17280 : index
    %get3A_1244 = vector.load %arg1[%get3A_1242, %get3A_1243] : memref<8x32768xf32, #tpu.memory_space<vmem>>, vector<8x128xf32>
    %add3A_1245 = arith.constant 17280 : i32
    %add3A_1246 = vector.broadcast %add3A_1245 : i32 to vector<8x128xi32>
    %add3A_1247 = arith.addi %iota3A, %add3A_1246 : vector<8x128xi32>
    %gt3A_1248 = arith.cmpf ogt, %get3A_1244, %select_n3A_1177 : vector<8x128xf32>
    %select_n3A_1249 = arith.select %gt3A_1248, %get3A_1244, %select_n3A_1177 : vector<8x128xi1>, vector<8x128xf32>
    %select_n3A_1250 = arith.select %gt3A_1248, %add3A_1247, %select_n3A_1178 : vector<8x128xi1>, vector<8x128xi32>
    %get3A_1251 = arith.constant 0 : index
    %get3A_1252 = arith.constant 17408 : index
    %get3A_1253 = vector.load %arg1[%get3A_1251, %get3A_1252] : memref<8x32768xf32, #tpu.memory_space<vmem>>, vector<8x128xf32>
    %add3A_1254 = arith.constant 17408 : i32
    %add3A_1255 = vector.broadcast %add3A_1254 : i32 to vector<8x128xi32>
    %add3A_1256 = arith.addi %iota3A, %add3A_1255 : vector<8x128xi32>
    %gt3A_1257 = arith.cmpf ogt, %get3A_1253, %select_n3A_1186 : vector<8x128xf32>
    %select_n3A_1258 = arith.select %gt3A_1257, %get3A_1253, %select_n3A_1186 : vector<8x128xi1>, vector<8x128xf32>
    %select_n3A_1259 = arith.select %gt3A_1257, %add3A_1256, %select_n3A_1187 : vector<8x128xi1>, vector<8x128xi32>
    %get3A_1260 = arith.constant 0 : index
    %get3A_1261 = arith.constant 17536 : index
    %get3A_1262 = vector.load %arg1[%get3A_1260, %get3A_1261] : memref<8x32768xf32, #tpu.memory_space<vmem>>, vector<8x128xf32>
    %add3A_1263 = arith.constant 17536 : i32
    %add3A_1264 = vector.broadcast %add3A_1263 : i32 to vector<8x128xi32>
    %add3A_1265 = arith.addi %iota3A, %add3A_1264 : vector<8x128xi32>
    %gt3A_1266 = arith.cmpf ogt, %get3A_1262, %select_n3A_1195 : vector<8x128xf32>
    %select_n3A_1267 = arith.select %gt3A_1266, %get3A_1262, %select_n3A_1195 : vector<8x128xi1>, vector<8x128xf32>
    %select_n3A_1268 = arith.select %gt3A_1266, %add3A_1265, %select_n3A_1196 : vector<8x128xi1>, vector<8x128xi32>
    %get3A_1269 = arith.constant 0 : index
    %get3A_1270 = arith.constant 17664 : index
    %get3A_1271 = vector.load %arg1[%get3A_1269, %get3A_1270] : memref<8x32768xf32, #tpu.memory_space<vmem>>, vector<8x128xf32>
    %add3A_1272 = arith.constant 17664 : i32
    %add3A_1273 = vector.broadcast %add3A_1272 : i32 to vector<8x128xi32>
    %add3A_1274 = arith.addi %iota3A, %add3A_1273 : vector<8x128xi32>
    %gt3A_1275 = arith.cmpf ogt, %get3A_1271, %select_n3A_1204 : vector<8x128xf32>
    %select_n3A_1276 = arith.select %gt3A_1275, %get3A_1271, %select_n3A_1204 : vector<8x128xi1>, vector<8x128xf32>
    %select_n3A_1277 = arith.select %gt3A_1275, %add3A_1274, %select_n3A_1205 : vector<8x128xi1>, vector<8x128xi32>
    %get3A_1278 = arith.constant 0 : index
    %get3A_1279 = arith.constant 17792 : index
    %get3A_1280 = vector.load %arg1[%get3A_1278, %get3A_1279] : memref<8x32768xf32, #tpu.memory_space<vmem>>, vector<8x128xf32>
    %add3A_1281 = arith.constant 17792 : i32
    %add3A_1282 = vector.broadcast %add3A_1281 : i32 to vector<8x128xi32>
    %add3A_1283 = arith.addi %iota3A, %add3A_1282 : vector<8x128xi32>
    %gt3A_1284 = arith.cmpf ogt, %get3A_1280, %select_n3A_1213 : vector<8x128xf32>
    %select_n3A_1285 = arith.select %gt3A_1284, %get3A_1280, %select_n3A_1213 : vector<8x128xi1>, vector<8x128xf32>
    %select_n3A_1286 = arith.select %gt3A_1284, %add3A_1283, %select_n3A_1214 : vector<8x128xi1>, vector<8x128xi32>
    %get3A_1287 = arith.constant 0 : index
    %get3A_1288 = arith.constant 17920 : index
    %get3A_1289 = vector.load %arg1[%get3A_1287, %get3A_1288] : memref<8x32768xf32, #tpu.memory_space<vmem>>, vector<8x128xf32>
    %add3A_1290 = arith.constant 17920 : i32
    %add3A_1291 = vector.broadcast %add3A_1290 : i32 to vector<8x128xi32>
    %add3A_1292 = arith.addi %iota3A, %add3A_1291 : vector<8x128xi32>
    %gt3A_1293 = arith.cmpf ogt, %get3A_1289, %select_n3A_1222 : vector<8x128xf32>
    %select_n3A_1294 = arith.select %gt3A_1293, %get3A_1289, %select_n3A_1222 : vector<8x128xi1>, vector<8x128xf32>
    %select_n3A_1295 = arith.select %gt3A_1293, %add3A_1292, %select_n3A_1223 : vector<8x128xi1>, vector<8x128xi32>
    %get3A_1296 = arith.constant 0 : index
    %get3A_1297 = arith.constant 18048 : index
    %get3A_1298 = vector.load %arg1[%get3A_1296, %get3A_1297] : memref<8x32768xf32, #tpu.memory_space<vmem>>, vector<8x128xf32>
    %add3A_1299 = arith.constant 18048 : i32
    %add3A_1300 = vector.broadcast %add3A_1299 : i32 to vector<8x128xi32>
    %add3A_1301 = arith.addi %iota3A, %add3A_1300 : vector<8x128xi32>
    %gt3A_1302 = arith.cmpf ogt, %get3A_1298, %select_n3A_1231 : vector<8x128xf32>
    %select_n3A_1303 = arith.select %gt3A_1302, %get3A_1298, %select_n3A_1231 : vector<8x128xi1>, vector<8x128xf32>
    %select_n3A_1304 = arith.select %gt3A_1302, %add3A_1301, %select_n3A_1232 : vector<8x128xi1>, vector<8x128xi32>
    %get3A_1305 = arith.constant 0 : index
    %get3A_1306 = arith.constant 18176 : index
    %get3A_1307 = vector.load %arg1[%get3A_1305, %get3A_1306] : memref<8x32768xf32, #tpu.memory_space<vmem>>, vector<8x128xf32>
    %add3A_1308 = arith.constant 18176 : i32
    %add3A_1309 = vector.broadcast %add3A_1308 : i32 to vector<8x128xi32>
    %add3A_1310 = arith.addi %iota3A, %add3A_1309 : vector<8x128xi32>
    %gt3A_1311 = arith.cmpf ogt, %get3A_1307, %select_n3A_1240 : vector<8x128xf32>
    %select_n3A_1312 = arith.select %gt3A_1311, %get3A_1307, %select_n3A_1240 : vector<8x128xi1>, vector<8x128xf32>
    %select_n3A_1313 = arith.select %gt3A_1311, %add3A_1310, %select_n3A_1241 : vector<8x128xi1>, vector<8x128xi32>
    %get3A_1314 = arith.constant 0 : index
    %get3A_1315 = arith.constant 18304 : index
    %get3A_1316 = vector.load %arg1[%get3A_1314, %get3A_1315] : memref<8x32768xf32, #tpu.memory_space<vmem>>, vector<8x128xf32>
    %add3A_1317 = arith.constant 18304 : i32
    %add3A_1318 = vector.broadcast %add3A_1317 : i32 to vector<8x128xi32>
    %add3A_1319 = arith.addi %iota3A, %add3A_1318 : vector<8x128xi32>
    %gt3A_1320 = arith.cmpf ogt, %get3A_1316, %select_n3A_1249 : vector<8x128xf32>
    %select_n3A_1321 = arith.select %gt3A_1320, %get3A_1316, %select_n3A_1249 : vector<8x128xi1>, vector<8x128xf32>
    %select_n3A_1322 = arith.select %gt3A_1320, %add3A_1319, %select_n3A_1250 : vector<8x128xi1>, vector<8x128xi32>
    %get3A_1323 = arith.constant 0 : index
    %get3A_1324 = arith.constant 18432 : index
    %get3A_1325 = vector.load %arg1[%get3A_1323, %get3A_1324] : memref<8x32768xf32, #tpu.memory_space<vmem>>, vector<8x128xf32>
    %add3A_1326 = arith.constant 18432 : i32
    %add3A_1327 = vector.broadcast %add3A_1326 : i32 to vector<8x128xi32>
    %add3A_1328 = arith.addi %iota3A, %add3A_1327 : vector<8x128xi32>
    %gt3A_1329 = arith.cmpf ogt, %get3A_1325, %select_n3A_1258 : vector<8x128xf32>
    %select_n3A_1330 = arith.select %gt3A_1329, %get3A_1325, %select_n3A_1258 : vector<8x128xi1>, vector<8x128xf32>
    %select_n3A_1331 = arith.select %gt3A_1329, %add3A_1328, %select_n3A_1259 : vector<8x128xi1>, vector<8x128xi32>
    %get3A_1332 = arith.constant 0 : index
    %get3A_1333 = arith.constant 18560 : index
    %get3A_1334 = vector.load %arg1[%get3A_1332, %get3A_1333] : memref<8x32768xf32, #tpu.memory_space<vmem>>, vector<8x128xf32>
    %add3A_1335 = arith.constant 18560 : i32
    %add3A_1336 = vector.broadcast %add3A_1335 : i32 to vector<8x128xi32>
    %add3A_1337 = arith.addi %iota3A, %add3A_1336 : vector<8x128xi32>
    %gt3A_1338 = arith.cmpf ogt, %get3A_1334, %select_n3A_1267 : vector<8x128xf32>
    %select_n3A_1339 = arith.select %gt3A_1338, %get3A_1334, %select_n3A_1267 : vector<8x128xi1>, vector<8x128xf32>
    %select_n3A_1340 = arith.select %gt3A_1338, %add3A_1337, %select_n3A_1268 : vector<8x128xi1>, vector<8x128xi32>
    %get3A_1341 = arith.constant 0 : index
    %get3A_1342 = arith.constant 18688 : index
    %get3A_1343 = vector.load %arg1[%get3A_1341, %get3A_1342] : memref<8x32768xf32, #tpu.memory_space<vmem>>, vector<8x128xf32>
    %add3A_1344 = arith.constant 18688 : i32
    %add3A_1345 = vector.broadcast %add3A_1344 : i32 to vector<8x128xi32>
    %add3A_1346 = arith.addi %iota3A, %add3A_1345 : vector<8x128xi32>
    %gt3A_1347 = arith.cmpf ogt, %get3A_1343, %select_n3A_1276 : vector<8x128xf32>
    %select_n3A_1348 = arith.select %gt3A_1347, %get3A_1343, %select_n3A_1276 : vector<8x128xi1>, vector<8x128xf32>
    %select_n3A_1349 = arith.select %gt3A_1347, %add3A_1346, %select_n3A_1277 : vector<8x128xi1>, vector<8x128xi32>
    %get3A_1350 = arith.constant 0 : index
    %get3A_1351 = arith.constant 18816 : index
    %get3A_1352 = vector.load %arg1[%get3A_1350, %get3A_1351] : memref<8x32768xf32, #tpu.memory_space<vmem>>, vector<8x128xf32>
    %add3A_1353 = arith.constant 18816 : i32
    %add3A_1354 = vector.broadcast %add3A_1353 : i32 to vector<8x128xi32>
    %add3A_1355 = arith.addi %iota3A, %add3A_1354 : vector<8x128xi32>
    %gt3A_1356 = arith.cmpf ogt, %get3A_1352, %select_n3A_1285 : vector<8x128xf32>
    %select_n3A_1357 = arith.select %gt3A_1356, %get3A_1352, %select_n3A_1285 : vector<8x128xi1>, vector<8x128xf32>
    %select_n3A_1358 = arith.select %gt3A_1356, %add3A_1355, %select_n3A_1286 : vector<8x128xi1>, vector<8x128xi32>
    %get3A_1359 = arith.constant 0 : index
    %get3A_1360 = arith.constant 18944 : index
    %get3A_1361 = vector.load %arg1[%get3A_1359, %get3A_1360] : memref<8x32768xf32, #tpu.memory_space<vmem>>, vector<8x128xf32>
    %add3A_1362 = arith.constant 18944 : i32
    %add3A_1363 = vector.broadcast %add3A_1362 : i32 to vector<8x128xi32>
    %add3A_1364 = arith.addi %iota3A, %add3A_1363 : vector<8x128xi32>
    %gt3A_1365 = arith.cmpf ogt, %get3A_1361, %select_n3A_1294 : vector<8x128xf32>
    %select_n3A_1366 = arith.select %gt3A_1365, %get3A_1361, %select_n3A_1294 : vector<8x128xi1>, vector<8x128xf32>
    %select_n3A_1367 = arith.select %gt3A_1365, %add3A_1364, %select_n3A_1295 : vector<8x128xi1>, vector<8x128xi32>
    %get3A_1368 = arith.constant 0 : index
    %get3A_1369 = arith.constant 19072 : index
    %get3A_1370 = vector.load %arg1[%get3A_1368, %get3A_1369] : memref<8x32768xf32, #tpu.memory_space<vmem>>, vector<8x128xf32>
    %add3A_1371 = arith.constant 19072 : i32
    %add3A_1372 = vector.broadcast %add3A_1371 : i32 to vector<8x128xi32>
    %add3A_1373 = arith.addi %iota3A, %add3A_1372 : vector<8x128xi32>
    %gt3A_1374 = arith.cmpf ogt, %get3A_1370, %select_n3A_1303 : vector<8x128xf32>
    %select_n3A_1375 = arith.select %gt3A_1374, %get3A_1370, %select_n3A_1303 : vector<8x128xi1>, vector<8x128xf32>
    %select_n3A_1376 = arith.select %gt3A_1374, %add3A_1373, %select_n3A_1304 : vector<8x128xi1>, vector<8x128xi32>
    %get3A_1377 = arith.constant 0 : index
    %get3A_1378 = arith.constant 19200 : index
    %get3A_1379 = vector.load %arg1[%get3A_1377, %get3A_1378] : memref<8x32768xf32, #tpu.memory_space<vmem>>, vector<8x128xf32>
    %add3A_1380 = arith.constant 19200 : i32
    %add3A_1381 = vector.broadcast %add3A_1380 : i32 to vector<8x128xi32>
    %add3A_1382 = arith.addi %iota3A, %add3A_1381 : vector<8x128xi32>
    %gt3A_1383 = arith.cmpf ogt, %get3A_1379, %select_n3A_1312 : vector<8x128xf32>
    %select_n3A_1384 = arith.select %gt3A_1383, %get3A_1379, %select_n3A_1312 : vector<8x128xi1>, vector<8x128xf32>
    %select_n3A_1385 = arith.select %gt3A_1383, %add3A_1382, %select_n3A_1313 : vector<8x128xi1>, vector<8x128xi32>
    %get3A_1386 = arith.constant 0 : index
    %get3A_1387 = arith.constant 19328 : index
    %get3A_1388 = vector.load %arg1[%get3A_1386, %get3A_1387] : memref<8x32768xf32, #tpu.memory_space<vmem>>, vector<8x128xf32>
    %add3A_1389 = arith.constant 19328 : i32
    %add3A_1390 = vector.broadcast %add3A_1389 : i32 to vector<8x128xi32>
    %add3A_1391 = arith.addi %iota3A, %add3A_1390 : vector<8x128xi32>
    %gt3A_1392 = arith.cmpf ogt, %get3A_1388, %select_n3A_1321 : vector<8x128xf32>
    %select_n3A_1393 = arith.select %gt3A_1392, %get3A_1388, %select_n3A_1321 : vector<8x128xi1>, vector<8x128xf32>
    %select_n3A_1394 = arith.select %gt3A_1392, %add3A_1391, %select_n3A_1322 : vector<8x128xi1>, vector<8x128xi32>
    %get3A_1395 = arith.constant 0 : index
    %get3A_1396 = arith.constant 19456 : index
    %get3A_1397 = vector.load %arg1[%get3A_1395, %get3A_1396] : memref<8x32768xf32, #tpu.memory_space<vmem>>, vector<8x128xf32>
    %add3A_1398 = arith.constant 19456 : i32
    %add3A_1399 = vector.broadcast %add3A_1398 : i32 to vector<8x128xi32>
    %add3A_1400 = arith.addi %iota3A, %add3A_1399 : vector<8x128xi32>
    %gt3A_1401 = arith.cmpf ogt, %get3A_1397, %select_n3A_1330 : vector<8x128xf32>
    %select_n3A_1402 = arith.select %gt3A_1401, %get3A_1397, %select_n3A_1330 : vector<8x128xi1>, vector<8x128xf32>
    %select_n3A_1403 = arith.select %gt3A_1401, %add3A_1400, %select_n3A_1331 : vector<8x128xi1>, vector<8x128xi32>
    %get3A_1404 = arith.constant 0 : index
    %get3A_1405 = arith.constant 19584 : index
    %get3A_1406 = vector.load %arg1[%get3A_1404, %get3A_1405] : memref<8x32768xf32, #tpu.memory_space<vmem>>, vector<8x128xf32>
    %add3A_1407 = arith.constant 19584 : i32
    %add3A_1408 = vector.broadcast %add3A_1407 : i32 to vector<8x128xi32>
    %add3A_1409 = arith.addi %iota3A, %add3A_1408 : vector<8x128xi32>
    %gt3A_1410 = arith.cmpf ogt, %get3A_1406, %select_n3A_1339 : vector<8x128xf32>
    %select_n3A_1411 = arith.select %gt3A_1410, %get3A_1406, %select_n3A_1339 : vector<8x128xi1>, vector<8x128xf32>
    %select_n3A_1412 = arith.select %gt3A_1410, %add3A_1409, %select_n3A_1340 : vector<8x128xi1>, vector<8x128xi32>
    %get3A_1413 = arith.constant 0 : index
    %get3A_1414 = arith.constant 19712 : index
    %get3A_1415 = vector.load %arg1[%get3A_1413, %get3A_1414] : memref<8x32768xf32, #tpu.memory_space<vmem>>, vector<8x128xf32>
    %add3A_1416 = arith.constant 19712 : i32
    %add3A_1417 = vector.broadcast %add3A_1416 : i32 to vector<8x128xi32>
    %add3A_1418 = arith.addi %iota3A, %add3A_1417 : vector<8x128xi32>
    %gt3A_1419 = arith.cmpf ogt, %get3A_1415, %select_n3A_1348 : vector<8x128xf32>
    %select_n3A_1420 = arith.select %gt3A_1419, %get3A_1415, %select_n3A_1348 : vector<8x128xi1>, vector<8x128xf32>
    %select_n3A_1421 = arith.select %gt3A_1419, %add3A_1418, %select_n3A_1349 : vector<8x128xi1>, vector<8x128xi32>
    %get3A_1422 = arith.constant 0 : index
    %get3A_1423 = arith.constant 19840 : index
    %get3A_1424 = vector.load %arg1[%get3A_1422, %get3A_1423] : memref<8x32768xf32, #tpu.memory_space<vmem>>, vector<8x128xf32>
    %add3A_1425 = arith.constant 19840 : i32
    %add3A_1426 = vector.broadcast %add3A_1425 : i32 to vector<8x128xi32>
    %add3A_1427 = arith.addi %iota3A, %add3A_1426 : vector<8x128xi32>
    %gt3A_1428 = arith.cmpf ogt, %get3A_1424, %select_n3A_1357 : vector<8x128xf32>
    %select_n3A_1429 = arith.select %gt3A_1428, %get3A_1424, %select_n3A_1357 : vector<8x128xi1>, vector<8x128xf32>
    %select_n3A_1430 = arith.select %gt3A_1428, %add3A_1427, %select_n3A_1358 : vector<8x128xi1>, vector<8x128xi32>
    %get3A_1431 = arith.constant 0 : index
    %get3A_1432 = arith.constant 19968 : index
    %get3A_1433 = vector.load %arg1[%get3A_1431, %get3A_1432] : memref<8x32768xf32, #tpu.memory_space<vmem>>, vector<8x128xf32>
    %add3A_1434 = arith.constant 19968 : i32
    %add3A_1435 = vector.broadcast %add3A_1434 : i32 to vector<8x128xi32>
    %add3A_1436 = arith.addi %iota3A, %add3A_1435 : vector<8x128xi32>
    %gt3A_1437 = arith.cmpf ogt, %get3A_1433, %select_n3A_1366 : vector<8x128xf32>
    %select_n3A_1438 = arith.select %gt3A_1437, %get3A_1433, %select_n3A_1366 : vector<8x128xi1>, vector<8x128xf32>
    %select_n3A_1439 = arith.select %gt3A_1437, %add3A_1436, %select_n3A_1367 : vector<8x128xi1>, vector<8x128xi32>
    %get3A_1440 = arith.constant 0 : index
    %get3A_1441 = arith.constant 20096 : index
    %get3A_1442 = vector.load %arg1[%get3A_1440, %get3A_1441] : memref<8x32768xf32, #tpu.memory_space<vmem>>, vector<8x128xf32>
    %add3A_1443 = arith.constant 20096 : i32
    %add3A_1444 = vector.broadcast %add3A_1443 : i32 to vector<8x128xi32>
    %add3A_1445 = arith.addi %iota3A, %add3A_1444 : vector<8x128xi32>
    %gt3A_1446 = arith.cmpf ogt, %get3A_1442, %select_n3A_1375 : vector<8x128xf32>
    %select_n3A_1447 = arith.select %gt3A_1446, %get3A_1442, %select_n3A_1375 : vector<8x128xi1>, vector<8x128xf32>
    %select_n3A_1448 = arith.select %gt3A_1446, %add3A_1445, %select_n3A_1376 : vector<8x128xi1>, vector<8x128xi32>
    %get3A_1449 = arith.constant 0 : index
    %get3A_1450 = arith.constant 20224 : index
    %get3A_1451 = vector.load %arg1[%get3A_1449, %get3A_1450] : memref<8x32768xf32, #tpu.memory_space<vmem>>, vector<8x128xf32>
    %add3A_1452 = arith.constant 20224 : i32
    %add3A_1453 = vector.broadcast %add3A_1452 : i32 to vector<8x128xi32>
    %add3A_1454 = arith.addi %iota3A, %add3A_1453 : vector<8x128xi32>
    %gt3A_1455 = arith.cmpf ogt, %get3A_1451, %select_n3A_1384 : vector<8x128xf32>
    %select_n3A_1456 = arith.select %gt3A_1455, %get3A_1451, %select_n3A_1384 : vector<8x128xi1>, vector<8x128xf32>
    %select_n3A_1457 = arith.select %gt3A_1455, %add3A_1454, %select_n3A_1385 : vector<8x128xi1>, vector<8x128xi32>
    %get3A_1458 = arith.constant 0 : index
    %get3A_1459 = arith.constant 20352 : index
    %get3A_1460 = vector.load %arg1[%get3A_1458, %get3A_1459] : memref<8x32768xf32, #tpu.memory_space<vmem>>, vector<8x128xf32>
    %add3A_1461 = arith.constant 20352 : i32
    %add3A_1462 = vector.broadcast %add3A_1461 : i32 to vector<8x128xi32>
    %add3A_1463 = arith.addi %iota3A, %add3A_1462 : vector<8x128xi32>
    %gt3A_1464 = arith.cmpf ogt, %get3A_1460, %select_n3A_1393 : vector<8x128xf32>
    %select_n3A_1465 = arith.select %gt3A_1464, %get3A_1460, %select_n3A_1393 : vector<8x128xi1>, vector<8x128xf32>
    %select_n3A_1466 = arith.select %gt3A_1464, %add3A_1463, %select_n3A_1394 : vector<8x128xi1>, vector<8x128xi32>
    %get3A_1467 = arith.constant 0 : index
    %get3A_1468 = arith.constant 20480 : index
    %get3A_1469 = vector.load %arg1[%get3A_1467, %get3A_1468] : memref<8x32768xf32, #tpu.memory_space<vmem>>, vector<8x128xf32>
    %add3A_1470 = arith.constant 20480 : i32
    %add3A_1471 = vector.broadcast %add3A_1470 : i32 to vector<8x128xi32>
    %add3A_1472 = arith.addi %iota3A, %add3A_1471 : vector<8x128xi32>
    %gt3A_1473 = arith.cmpf ogt, %get3A_1469, %select_n3A_1402 : vector<8x128xf32>
    %select_n3A_1474 = arith.select %gt3A_1473, %get3A_1469, %select_n3A_1402 : vector<8x128xi1>, vector<8x128xf32>
    %select_n3A_1475 = arith.select %gt3A_1473, %add3A_1472, %select_n3A_1403 : vector<8x128xi1>, vector<8x128xi32>
    %get3A_1476 = arith.constant 0 : index
    %get3A_1477 = arith.constant 20608 : index
    %get3A_1478 = vector.load %arg1[%get3A_1476, %get3A_1477] : memref<8x32768xf32, #tpu.memory_space<vmem>>, vector<8x128xf32>
    %add3A_1479 = arith.constant 20608 : i32
    %add3A_1480 = vector.broadcast %add3A_1479 : i32 to vector<8x128xi32>
    %add3A_1481 = arith.addi %iota3A, %add3A_1480 : vector<8x128xi32>
    %gt3A_1482 = arith.cmpf ogt, %get3A_1478, %select_n3A_1411 : vector<8x128xf32>
    %select_n3A_1483 = arith.select %gt3A_1482, %get3A_1478, %select_n3A_1411 : vector<8x128xi1>, vector<8x128xf32>
    %select_n3A_1484 = arith.select %gt3A_1482, %add3A_1481, %select_n3A_1412 : vector<8x128xi1>, vector<8x128xi32>
    %get3A_1485 = arith.constant 0 : index
    %get3A_1486 = arith.constant 20736 : index
    %get3A_1487 = vector.load %arg1[%get3A_1485, %get3A_1486] : memref<8x32768xf32, #tpu.memory_space<vmem>>, vector<8x128xf32>
    %add3A_1488 = arith.constant 20736 : i32
    %add3A_1489 = vector.broadcast %add3A_1488 : i32 to vector<8x128xi32>
    %add3A_1490 = arith.addi %iota3A, %add3A_1489 : vector<8x128xi32>
    %gt3A_1491 = arith.cmpf ogt, %get3A_1487, %select_n3A_1420 : vector<8x128xf32>
    %select_n3A_1492 = arith.select %gt3A_1491, %get3A_1487, %select_n3A_1420 : vector<8x128xi1>, vector<8x128xf32>
    %select_n3A_1493 = arith.select %gt3A_1491, %add3A_1490, %select_n3A_1421 : vector<8x128xi1>, vector<8x128xi32>
    %get3A_1494 = arith.constant 0 : index
    %get3A_1495 = arith.constant 20864 : index
    %get3A_1496 = vector.load %arg1[%get3A_1494, %get3A_1495] : memref<8x32768xf32, #tpu.memory_space<vmem>>, vector<8x128xf32>
    %add3A_1497 = arith.constant 20864 : i32
    %add3A_1498 = vector.broadcast %add3A_1497 : i32 to vector<8x128xi32>
    %add3A_1499 = arith.addi %iota3A, %add3A_1498 : vector<8x128xi32>
    %gt3A_1500 = arith.cmpf ogt, %get3A_1496, %select_n3A_1429 : vector<8x128xf32>
    %select_n3A_1501 = arith.select %gt3A_1500, %get3A_1496, %select_n3A_1429 : vector<8x128xi1>, vector<8x128xf32>
    %select_n3A_1502 = arith.select %gt3A_1500, %add3A_1499, %select_n3A_1430 : vector<8x128xi1>, vector<8x128xi32>
    %get3A_1503 = arith.constant 0 : index
    %get3A_1504 = arith.constant 20992 : index
    %get3A_1505 = vector.load %arg1[%get3A_1503, %get3A_1504] : memref<8x32768xf32, #tpu.memory_space<vmem>>, vector<8x128xf32>
    %add3A_1506 = arith.constant 20992 : i32
    %add3A_1507 = vector.broadcast %add3A_1506 : i32 to vector<8x128xi32>
    %add3A_1508 = arith.addi %iota3A, %add3A_1507 : vector<8x128xi32>
    %gt3A_1509 = arith.cmpf ogt, %get3A_1505, %select_n3A_1438 : vector<8x128xf32>
    %select_n3A_1510 = arith.select %gt3A_1509, %get3A_1505, %select_n3A_1438 : vector<8x128xi1>, vector<8x128xf32>
    %select_n3A_1511 = arith.select %gt3A_1509, %add3A_1508, %select_n3A_1439 : vector<8x128xi1>, vector<8x128xi32>
    %get3A_1512 = arith.constant 0 : index
    %get3A_1513 = arith.constant 21120 : index
    %get3A_1514 = vector.load %arg1[%get3A_1512, %get3A_1513] : memref<8x32768xf32, #tpu.memory_space<vmem>>, vector<8x128xf32>
    %add3A_1515 = arith.constant 21120 : i32
    %add3A_1516 = vector.broadcast %add3A_1515 : i32 to vector<8x128xi32>
    %add3A_1517 = arith.addi %iota3A, %add3A_1516 : vector<8x128xi32>
    %gt3A_1518 = arith.cmpf ogt, %get3A_1514, %select_n3A_1447 : vector<8x128xf32>
    %select_n3A_1519 = arith.select %gt3A_1518, %get3A_1514, %select_n3A_1447 : vector<8x128xi1>, vector<8x128xf32>
    %select_n3A_1520 = arith.select %gt3A_1518, %add3A_1517, %select_n3A_1448 : vector<8x128xi1>, vector<8x128xi32>
    %get3A_1521 = arith.constant 0 : index
    %get3A_1522 = arith.constant 21248 : index
    %get3A_1523 = vector.load %arg1[%get3A_1521, %get3A_1522] : memref<8x32768xf32, #tpu.memory_space<vmem>>, vector<8x128xf32>
    %add3A_1524 = arith.constant 21248 : i32
    %add3A_1525 = vector.broadcast %add3A_1524 : i32 to vector<8x128xi32>
    %add3A_1526 = arith.addi %iota3A, %add3A_1525 : vector<8x128xi32>
    %gt3A_1527 = arith.cmpf ogt, %get3A_1523, %select_n3A_1456 : vector<8x128xf32>
    %select_n3A_1528 = arith.select %gt3A_1527, %get3A_1523, %select_n3A_1456 : vector<8x128xi1>, vector<8x128xf32>
    %select_n3A_1529 = arith.select %gt3A_1527, %add3A_1526, %select_n3A_1457 : vector<8x128xi1>, vector<8x128xi32>
    %get3A_1530 = arith.constant 0 : index
    %get3A_1531 = arith.constant 21376 : index
    %get3A_1532 = vector.load %arg1[%get3A_1530, %get3A_1531] : memref<8x32768xf32, #tpu.memory_space<vmem>>, vector<8x128xf32>
    %add3A_1533 = arith.constant 21376 : i32
    %add3A_1534 = vector.broadcast %add3A_1533 : i32 to vector<8x128xi32>
    %add3A_1535 = arith.addi %iota3A, %add3A_1534 : vector<8x128xi32>
    %gt3A_1536 = arith.cmpf ogt, %get3A_1532, %select_n3A_1465 : vector<8x128xf32>
    %select_n3A_1537 = arith.select %gt3A_1536, %get3A_1532, %select_n3A_1465 : vector<8x128xi1>, vector<8x128xf32>
    %select_n3A_1538 = arith.select %gt3A_1536, %add3A_1535, %select_n3A_1466 : vector<8x128xi1>, vector<8x128xi32>
    %get3A_1539 = arith.constant 0 : index
    %get3A_1540 = arith.constant 21504 : index
    %get3A_1541 = vector.load %arg1[%get3A_1539, %get3A_1540] : memref<8x32768xf32, #tpu.memory_space<vmem>>, vector<8x128xf32>
    %add3A_1542 = arith.constant 21504 : i32
    %add3A_1543 = vector.broadcast %add3A_1542 : i32 to vector<8x128xi32>
    %add3A_1544 = arith.addi %iota3A, %add3A_1543 : vector<8x128xi32>
    %gt3A_1545 = arith.cmpf ogt, %get3A_1541, %select_n3A_1474 : vector<8x128xf32>
    %select_n3A_1546 = arith.select %gt3A_1545, %get3A_1541, %select_n3A_1474 : vector<8x128xi1>, vector<8x128xf32>
    %select_n3A_1547 = arith.select %gt3A_1545, %add3A_1544, %select_n3A_1475 : vector<8x128xi1>, vector<8x128xi32>
    %get3A_1548 = arith.constant 0 : index
    %get3A_1549 = arith.constant 21632 : index
    %get3A_1550 = vector.load %arg1[%get3A_1548, %get3A_1549] : memref<8x32768xf32, #tpu.memory_space<vmem>>, vector<8x128xf32>
    %add3A_1551 = arith.constant 21632 : i32
    %add3A_1552 = vector.broadcast %add3A_1551 : i32 to vector<8x128xi32>
    %add3A_1553 = arith.addi %iota3A, %add3A_1552 : vector<8x128xi32>
    %gt3A_1554 = arith.cmpf ogt, %get3A_1550, %select_n3A_1483 : vector<8x128xf32>
    %select_n3A_1555 = arith.select %gt3A_1554, %get3A_1550, %select_n3A_1483 : vector<8x128xi1>, vector<8x128xf32>
    %select_n3A_1556 = arith.select %gt3A_1554, %add3A_1553, %select_n3A_1484 : vector<8x128xi1>, vector<8x128xi32>
    %get3A_1557 = arith.constant 0 : index
    %get3A_1558 = arith.constant 21760 : index
    %get3A_1559 = vector.load %arg1[%get3A_1557, %get3A_1558] : memref<8x32768xf32, #tpu.memory_space<vmem>>, vector<8x128xf32>
    %add3A_1560 = arith.constant 21760 : i32
    %add3A_1561 = vector.broadcast %add3A_1560 : i32 to vector<8x128xi32>
    %add3A_1562 = arith.addi %iota3A, %add3A_1561 : vector<8x128xi32>
    %gt3A_1563 = arith.cmpf ogt, %get3A_1559, %select_n3A_1492 : vector<8x128xf32>
    %select_n3A_1564 = arith.select %gt3A_1563, %get3A_1559, %select_n3A_1492 : vector<8x128xi1>, vector<8x128xf32>
    %select_n3A_1565 = arith.select %gt3A_1563, %add3A_1562, %select_n3A_1493 : vector<8x128xi1>, vector<8x128xi32>
    %get3A_1566 = arith.constant 0 : index
    %get3A_1567 = arith.constant 21888 : index
    %get3A_1568 = vector.load %arg1[%get3A_1566, %get3A_1567] : memref<8x32768xf32, #tpu.memory_space<vmem>>, vector<8x128xf32>
    %add3A_1569 = arith.constant 21888 : i32
    %add3A_1570 = vector.broadcast %add3A_1569 : i32 to vector<8x128xi32>
    %add3A_1571 = arith.addi %iota3A, %add3A_1570 : vector<8x128xi32>
    %gt3A_1572 = arith.cmpf ogt, %get3A_1568, %select_n3A_1501 : vector<8x128xf32>
    %select_n3A_1573 = arith.select %gt3A_1572, %get3A_1568, %select_n3A_1501 : vector<8x128xi1>, vector<8x128xf32>
    %select_n3A_1574 = arith.select %gt3A_1572, %add3A_1571, %select_n3A_1502 : vector<8x128xi1>, vector<8x128xi32>
    %get3A_1575 = arith.constant 0 : index
    %get3A_1576 = arith.constant 22016 : index
    %get3A_1577 = vector.load %arg1[%get3A_1575, %get3A_1576] : memref<8x32768xf32, #tpu.memory_space<vmem>>, vector<8x128xf32>
    %add3A_1578 = arith.constant 22016 : i32
    %add3A_1579 = vector.broadcast %add3A_1578 : i32 to vector<8x128xi32>
    %add3A_1580 = arith.addi %iota3A, %add3A_1579 : vector<8x128xi32>
    %gt3A_1581 = arith.cmpf ogt, %get3A_1577, %select_n3A_1510 : vector<8x128xf32>
    %select_n3A_1582 = arith.select %gt3A_1581, %get3A_1577, %select_n3A_1510 : vector<8x128xi1>, vector<8x128xf32>
    %select_n3A_1583 = arith.select %gt3A_1581, %add3A_1580, %select_n3A_1511 : vector<8x128xi1>, vector<8x128xi32>
    %get3A_1584 = arith.constant 0 : index
    %get3A_1585 = arith.constant 22144 : index
    %get3A_1586 = vector.load %arg1[%get3A_1584, %get3A_1585] : memref<8x32768xf32, #tpu.memory_space<vmem>>, vector<8x128xf32>
    %add3A_1587 = arith.constant 22144 : i32
    %add3A_1588 = vector.broadcast %add3A_1587 : i32 to vector<8x128xi32>
    %add3A_1589 = arith.addi %iota3A, %add3A_1588 : vector<8x128xi32>
    %gt3A_1590 = arith.cmpf ogt, %get3A_1586, %select_n3A_1519 : vector<8x128xf32>
    %select_n3A_1591 = arith.select %gt3A_1590, %get3A_1586, %select_n3A_1519 : vector<8x128xi1>, vector<8x128xf32>
    %select_n3A_1592 = arith.select %gt3A_1590, %add3A_1589, %select_n3A_1520 : vector<8x128xi1>, vector<8x128xi32>
    %get3A_1593 = arith.constant 0 : index
    %get3A_1594 = arith.constant 22272 : index
    %get3A_1595 = vector.load %arg1[%get3A_1593, %get3A_1594] : memref<8x32768xf32, #tpu.memory_space<vmem>>, vector<8x128xf32>
    %add3A_1596 = arith.constant 22272 : i32
    %add3A_1597 = vector.broadcast %add3A_1596 : i32 to vector<8x128xi32>
    %add3A_1598 = arith.addi %iota3A, %add3A_1597 : vector<8x128xi32>
    %gt3A_1599 = arith.cmpf ogt, %get3A_1595, %select_n3A_1528 : vector<8x128xf32>
    %select_n3A_1600 = arith.select %gt3A_1599, %get3A_1595, %select_n3A_1528 : vector<8x128xi1>, vector<8x128xf32>
    %select_n3A_1601 = arith.select %gt3A_1599, %add3A_1598, %select_n3A_1529 : vector<8x128xi1>, vector<8x128xi32>
    %get3A_1602 = arith.constant 0 : index
    %get3A_1603 = arith.constant 22400 : index
    %get3A_1604 = vector.load %arg1[%get3A_1602, %get3A_1603] : memref<8x32768xf32, #tpu.memory_space<vmem>>, vector<8x128xf32>
    %add3A_1605 = arith.constant 22400 : i32
    %add3A_1606 = vector.broadcast %add3A_1605 : i32 to vector<8x128xi32>
    %add3A_1607 = arith.addi %iota3A, %add3A_1606 : vector<8x128xi32>
    %gt3A_1608 = arith.cmpf ogt, %get3A_1604, %select_n3A_1537 : vector<8x128xf32>
    %select_n3A_1609 = arith.select %gt3A_1608, %get3A_1604, %select_n3A_1537 : vector<8x128xi1>, vector<8x128xf32>
    %select_n3A_1610 = arith.select %gt3A_1608, %add3A_1607, %select_n3A_1538 : vector<8x128xi1>, vector<8x128xi32>
    %get3A_1611 = arith.constant 0 : index
    %get3A_1612 = arith.constant 22528 : index
    %get3A_1613 = vector.load %arg1[%get3A_1611, %get3A_1612] : memref<8x32768xf32, #tpu.memory_space<vmem>>, vector<8x128xf32>
    %add3A_1614 = arith.constant 22528 : i32
    %add3A_1615 = vector.broadcast %add3A_1614 : i32 to vector<8x128xi32>
    %add3A_1616 = arith.addi %iota3A, %add3A_1615 : vector<8x128xi32>
    %gt3A_1617 = arith.cmpf ogt, %get3A_1613, %select_n3A_1546 : vector<8x128xf32>
    %select_n3A_1618 = arith.select %gt3A_1617, %get3A_1613, %select_n3A_1546 : vector<8x128xi1>, vector<8x128xf32>
    %select_n3A_1619 = arith.select %gt3A_1617, %add3A_1616, %select_n3A_1547 : vector<8x128xi1>, vector<8x128xi32>
    %get3A_1620 = arith.constant 0 : index
    %get3A_1621 = arith.constant 22656 : index
    %get3A_1622 = vector.load %arg1[%get3A_1620, %get3A_1621] : memref<8x32768xf32, #tpu.memory_space<vmem>>, vector<8x128xf32>
    %add3A_1623 = arith.constant 22656 : i32
    %add3A_1624 = vector.broadcast %add3A_1623 : i32 to vector<8x128xi32>
    %add3A_1625 = arith.addi %iota3A, %add3A_1624 : vector<8x128xi32>
    %gt3A_1626 = arith.cmpf ogt, %get3A_1622, %select_n3A_1555 : vector<8x128xf32>
    %select_n3A_1627 = arith.select %gt3A_1626, %get3A_1622, %select_n3A_1555 : vector<8x128xi1>, vector<8x128xf32>
    %select_n3A_1628 = arith.select %gt3A_1626, %add3A_1625, %select_n3A_1556 : vector<8x128xi1>, vector<8x128xi32>
    %get3A_1629 = arith.constant 0 : index
    %get3A_1630 = arith.constant 22784 : index
    %get3A_1631 = vector.load %arg1[%get3A_1629, %get3A_1630] : memref<8x32768xf32, #tpu.memory_space<vmem>>, vector<8x128xf32>
    %add3A_1632 = arith.constant 22784 : i32
    %add3A_1633 = vector.broadcast %add3A_1632 : i32 to vector<8x128xi32>
    %add3A_1634 = arith.addi %iota3A, %add3A_1633 : vector<8x128xi32>
    %gt3A_1635 = arith.cmpf ogt, %get3A_1631, %select_n3A_1564 : vector<8x128xf32>
    %select_n3A_1636 = arith.select %gt3A_1635, %get3A_1631, %select_n3A_1564 : vector<8x128xi1>, vector<8x128xf32>
    %select_n3A_1637 = arith.select %gt3A_1635, %add3A_1634, %select_n3A_1565 : vector<8x128xi1>, vector<8x128xi32>
    %get3A_1638 = arith.constant 0 : index
    %get3A_1639 = arith.constant 22912 : index
    %get3A_1640 = vector.load %arg1[%get3A_1638, %get3A_1639] : memref<8x32768xf32, #tpu.memory_space<vmem>>, vector<8x128xf32>
    %add3A_1641 = arith.constant 22912 : i32
    %add3A_1642 = vector.broadcast %add3A_1641 : i32 to vector<8x128xi32>
    %add3A_1643 = arith.addi %iota3A, %add3A_1642 : vector<8x128xi32>
    %gt3A_1644 = arith.cmpf ogt, %get3A_1640, %select_n3A_1573 : vector<8x128xf32>
    %select_n3A_1645 = arith.select %gt3A_1644, %get3A_1640, %select_n3A_1573 : vector<8x128xi1>, vector<8x128xf32>
    %select_n3A_1646 = arith.select %gt3A_1644, %add3A_1643, %select_n3A_1574 : vector<8x128xi1>, vector<8x128xi32>
    %get3A_1647 = arith.constant 0 : index
    %get3A_1648 = arith.constant 23040 : index
    %get3A_1649 = vector.load %arg1[%get3A_1647, %get3A_1648] : memref<8x32768xf32, #tpu.memory_space<vmem>>, vector<8x128xf32>
    %add3A_1650 = arith.constant 23040 : i32
    %add3A_1651 = vector.broadcast %add3A_1650 : i32 to vector<8x128xi32>
    %add3A_1652 = arith.addi %iota3A, %add3A_1651 : vector<8x128xi32>
    %gt3A_1653 = arith.cmpf ogt, %get3A_1649, %select_n3A_1582 : vector<8x128xf32>
    %select_n3A_1654 = arith.select %gt3A_1653, %get3A_1649, %select_n3A_1582 : vector<8x128xi1>, vector<8x128xf32>
    %select_n3A_1655 = arith.select %gt3A_1653, %add3A_1652, %select_n3A_1583 : vector<8x128xi1>, vector<8x128xi32>
    %get3A_1656 = arith.constant 0 : index
    %get3A_1657 = arith.constant 23168 : index
    %get3A_1658 = vector.load %arg1[%get3A_1656, %get3A_1657] : memref<8x32768xf32, #tpu.memory_space<vmem>>, vector<8x128xf32>
    %add3A_1659 = arith.constant 23168 : i32
    %add3A_1660 = vector.broadcast %add3A_1659 : i32 to vector<8x128xi32>
    %add3A_1661 = arith.addi %iota3A, %add3A_1660 : vector<8x128xi32>
    %gt3A_1662 = arith.cmpf ogt, %get3A_1658, %select_n3A_1591 : vector<8x128xf32>
    %select_n3A_1663 = arith.select %gt3A_1662, %get3A_1658, %select_n3A_1591 : vector<8x128xi1>, vector<8x128xf32>
    %select_n3A_1664 = arith.select %gt3A_1662, %add3A_1661, %select_n3A_1592 : vector<8x128xi1>, vector<8x128xi32>
    %get3A_1665 = arith.constant 0 : index
    %get3A_1666 = arith.constant 23296 : index
    %get3A_1667 = vector.load %arg1[%get3A_1665, %get3A_1666] : memref<8x32768xf32, #tpu.memory_space<vmem>>, vector<8x128xf32>
    %add3A_1668 = arith.constant 23296 : i32
    %add3A_1669 = vector.broadcast %add3A_1668 : i32 to vector<8x128xi32>
    %add3A_1670 = arith.addi %iota3A, %add3A_1669 : vector<8x128xi32>
    %gt3A_1671 = arith.cmpf ogt, %get3A_1667, %select_n3A_1600 : vector<8x128xf32>
    %select_n3A_1672 = arith.select %gt3A_1671, %get3A_1667, %select_n3A_1600 : vector<8x128xi1>, vector<8x128xf32>
    %select_n3A_1673 = arith.select %gt3A_1671, %add3A_1670, %select_n3A_1601 : vector<8x128xi1>, vector<8x128xi32>
    %get3A_1674 = arith.constant 0 : index
    %get3A_1675 = arith.constant 23424 : index
    %get3A_1676 = vector.load %arg1[%get3A_1674, %get3A_1675] : memref<8x32768xf32, #tpu.memory_space<vmem>>, vector<8x128xf32>
    %add3A_1677 = arith.constant 23424 : i32
    %add3A_1678 = vector.broadcast %add3A_1677 : i32 to vector<8x128xi32>
    %add3A_1679 = arith.addi %iota3A, %add3A_1678 : vector<8x128xi32>
    %gt3A_1680 = arith.cmpf ogt, %get3A_1676, %select_n3A_1609 : vector<8x128xf32>
    %select_n3A_1681 = arith.select %gt3A_1680, %get3A_1676, %select_n3A_1609 : vector<8x128xi1>, vector<8x128xf32>
    %select_n3A_1682 = arith.select %gt3A_1680, %add3A_1679, %select_n3A_1610 : vector<8x128xi1>, vector<8x128xi32>
    %get3A_1683 = arith.constant 0 : index
    %get3A_1684 = arith.constant 23552 : index
    %get3A_1685 = vector.load %arg1[%get3A_1683, %get3A_1684] : memref<8x32768xf32, #tpu.memory_space<vmem>>, vector<8x128xf32>
    %add3A_1686 = arith.constant 23552 : i32
    %add3A_1687 = vector.broadcast %add3A_1686 : i32 to vector<8x128xi32>
    %add3A_1688 = arith.addi %iota3A, %add3A_1687 : vector<8x128xi32>
    %gt3A_1689 = arith.cmpf ogt, %get3A_1685, %select_n3A_1618 : vector<8x128xf32>
    %select_n3A_1690 = arith.select %gt3A_1689, %get3A_1685, %select_n3A_1618 : vector<8x128xi1>, vector<8x128xf32>
    %select_n3A_1691 = arith.select %gt3A_1689, %add3A_1688, %select_n3A_1619 : vector<8x128xi1>, vector<8x128xi32>
    %get3A_1692 = arith.constant 0 : index
    %get3A_1693 = arith.constant 23680 : index
    %get3A_1694 = vector.load %arg1[%get3A_1692, %get3A_1693] : memref<8x32768xf32, #tpu.memory_space<vmem>>, vector<8x128xf32>
    %add3A_1695 = arith.constant 23680 : i32
    %add3A_1696 = vector.broadcast %add3A_1695 : i32 to vector<8x128xi32>
    %add3A_1697 = arith.addi %iota3A, %add3A_1696 : vector<8x128xi32>
    %gt3A_1698 = arith.cmpf ogt, %get3A_1694, %select_n3A_1627 : vector<8x128xf32>
    %select_n3A_1699 = arith.select %gt3A_1698, %get3A_1694, %select_n3A_1627 : vector<8x128xi1>, vector<8x128xf32>
    %select_n3A_1700 = arith.select %gt3A_1698, %add3A_1697, %select_n3A_1628 : vector<8x128xi1>, vector<8x128xi32>
    %get3A_1701 = arith.constant 0 : index
    %get3A_1702 = arith.constant 23808 : index
    %get3A_1703 = vector.load %arg1[%get3A_1701, %get3A_1702] : memref<8x32768xf32, #tpu.memory_space<vmem>>, vector<8x128xf32>
    %add3A_1704 = arith.constant 23808 : i32
    %add3A_1705 = vector.broadcast %add3A_1704 : i32 to vector<8x128xi32>
    %add3A_1706 = arith.addi %iota3A, %add3A_1705 : vector<8x128xi32>
    %gt3A_1707 = arith.cmpf ogt, %get3A_1703, %select_n3A_1636 : vector<8x128xf32>
    %select_n3A_1708 = arith.select %gt3A_1707, %get3A_1703, %select_n3A_1636 : vector<8x128xi1>, vector<8x128xf32>
    %select_n3A_1709 = arith.select %gt3A_1707, %add3A_1706, %select_n3A_1637 : vector<8x128xi1>, vector<8x128xi32>
    %get3A_1710 = arith.constant 0 : index
    %get3A_1711 = arith.constant 23936 : index
    %get3A_1712 = vector.load %arg1[%get3A_1710, %get3A_1711] : memref<8x32768xf32, #tpu.memory_space<vmem>>, vector<8x128xf32>
    %add3A_1713 = arith.constant 23936 : i32
    %add3A_1714 = vector.broadcast %add3A_1713 : i32 to vector<8x128xi32>
    %add3A_1715 = arith.addi %iota3A, %add3A_1714 : vector<8x128xi32>
    %gt3A_1716 = arith.cmpf ogt, %get3A_1712, %select_n3A_1645 : vector<8x128xf32>
    %select_n3A_1717 = arith.select %gt3A_1716, %get3A_1712, %select_n3A_1645 : vector<8x128xi1>, vector<8x128xf32>
    %select_n3A_1718 = arith.select %gt3A_1716, %add3A_1715, %select_n3A_1646 : vector<8x128xi1>, vector<8x128xi32>
    %get3A_1719 = arith.constant 0 : index
    %get3A_1720 = arith.constant 24064 : index
    %get3A_1721 = vector.load %arg1[%get3A_1719, %get3A_1720] : memref<8x32768xf32, #tpu.memory_space<vmem>>, vector<8x128xf32>
    %add3A_1722 = arith.constant 24064 : i32
    %add3A_1723 = vector.broadcast %add3A_1722 : i32 to vector<8x128xi32>
    %add3A_1724 = arith.addi %iota3A, %add3A_1723 : vector<8x128xi32>
    %gt3A_1725 = arith.cmpf ogt, %get3A_1721, %select_n3A_1654 : vector<8x128xf32>
    %select_n3A_1726 = arith.select %gt3A_1725, %get3A_1721, %select_n3A_1654 : vector<8x128xi1>, vector<8x128xf32>
    %select_n3A_1727 = arith.select %gt3A_1725, %add3A_1724, %select_n3A_1655 : vector<8x128xi1>, vector<8x128xi32>
    %get3A_1728 = arith.constant 0 : index
    %get3A_1729 = arith.constant 24192 : index
    %get3A_1730 = vector.load %arg1[%get3A_1728, %get3A_1729] : memref<8x32768xf32, #tpu.memory_space<vmem>>, vector<8x128xf32>
    %add3A_1731 = arith.constant 24192 : i32
    %add3A_1732 = vector.broadcast %add3A_1731 : i32 to vector<8x128xi32>
    %add3A_1733 = arith.addi %iota3A, %add3A_1732 : vector<8x128xi32>
    %gt3A_1734 = arith.cmpf ogt, %get3A_1730, %select_n3A_1663 : vector<8x128xf32>
    %select_n3A_1735 = arith.select %gt3A_1734, %get3A_1730, %select_n3A_1663 : vector<8x128xi1>, vector<8x128xf32>
    %select_n3A_1736 = arith.select %gt3A_1734, %add3A_1733, %select_n3A_1664 : vector<8x128xi1>, vector<8x128xi32>
    %get3A_1737 = arith.constant 0 : index
    %get3A_1738 = arith.constant 24320 : index
    %get3A_1739 = vector.load %arg1[%get3A_1737, %get3A_1738] : memref<8x32768xf32, #tpu.memory_space<vmem>>, vector<8x128xf32>
    %add3A_1740 = arith.constant 24320 : i32
    %add3A_1741 = vector.broadcast %add3A_1740 : i32 to vector<8x128xi32>
    %add3A_1742 = arith.addi %iota3A, %add3A_1741 : vector<8x128xi32>
    %gt3A_1743 = arith.cmpf ogt, %get3A_1739, %select_n3A_1672 : vector<8x128xf32>
    %select_n3A_1744 = arith.select %gt3A_1743, %get3A_1739, %select_n3A_1672 : vector<8x128xi1>, vector<8x128xf32>
    %select_n3A_1745 = arith.select %gt3A_1743, %add3A_1742, %select_n3A_1673 : vector<8x128xi1>, vector<8x128xi32>
    %get3A_1746 = arith.constant 0 : index
    %get3A_1747 = arith.constant 24448 : index
    %get3A_1748 = vector.load %arg1[%get3A_1746, %get3A_1747] : memref<8x32768xf32, #tpu.memory_space<vmem>>, vector<8x128xf32>
    %add3A_1749 = arith.constant 24448 : i32
    %add3A_1750 = vector.broadcast %add3A_1749 : i32 to vector<8x128xi32>
    %add3A_1751 = arith.addi %iota3A, %add3A_1750 : vector<8x128xi32>
    %gt3A_1752 = arith.cmpf ogt, %get3A_1748, %select_n3A_1681 : vector<8x128xf32>
    %select_n3A_1753 = arith.select %gt3A_1752, %get3A_1748, %select_n3A_1681 : vector<8x128xi1>, vector<8x128xf32>
    %select_n3A_1754 = arith.select %gt3A_1752, %add3A_1751, %select_n3A_1682 : vector<8x128xi1>, vector<8x128xi32>
    %get3A_1755 = arith.constant 0 : index
    %get3A_1756 = arith.constant 24576 : index
    %get3A_1757 = vector.load %arg1[%get3A_1755, %get3A_1756] : memref<8x32768xf32, #tpu.memory_space<vmem>>, vector<8x128xf32>
    %add3A_1758 = arith.constant 24576 : i32
    %add3A_1759 = vector.broadcast %add3A_1758 : i32 to vector<8x128xi32>
    %add3A_1760 = arith.addi %iota3A, %add3A_1759 : vector<8x128xi32>
    %gt3A_1761 = arith.cmpf ogt, %get3A_1757, %select_n3A_1690 : vector<8x128xf32>
    %select_n3A_1762 = arith.select %gt3A_1761, %get3A_1757, %select_n3A_1690 : vector<8x128xi1>, vector<8x128xf32>
    %select_n3A_1763 = arith.select %gt3A_1761, %add3A_1760, %select_n3A_1691 : vector<8x128xi1>, vector<8x128xi32>
    %get3A_1764 = arith.constant 0 : index
    %get3A_1765 = arith.constant 24704 : index
    %get3A_1766 = vector.load %arg1[%get3A_1764, %get3A_1765] : memref<8x32768xf32, #tpu.memory_space<vmem>>, vector<8x128xf32>
    %add3A_1767 = arith.constant 24704 : i32
    %add3A_1768 = vector.broadcast %add3A_1767 : i32 to vector<8x128xi32>
    %add3A_1769 = arith.addi %iota3A, %add3A_1768 : vector<8x128xi32>
    %gt3A_1770 = arith.cmpf ogt, %get3A_1766, %select_n3A_1699 : vector<8x128xf32>
    %select_n3A_1771 = arith.select %gt3A_1770, %get3A_1766, %select_n3A_1699 : vector<8x128xi1>, vector<8x128xf32>
    %select_n3A_1772 = arith.select %gt3A_1770, %add3A_1769, %select_n3A_1700 : vector<8x128xi1>, vector<8x128xi32>
    %get3A_1773 = arith.constant 0 : index
    %get3A_1774 = arith.constant 24832 : index
    %get3A_1775 = vector.load %arg1[%get3A_1773, %get3A_1774] : memref<8x32768xf32, #tpu.memory_space<vmem>>, vector<8x128xf32>
    %add3A_1776 = arith.constant 24832 : i32
    %add3A_1777 = vector.broadcast %add3A_1776 : i32 to vector<8x128xi32>
    %add3A_1778 = arith.addi %iota3A, %add3A_1777 : vector<8x128xi32>
    %gt3A_1779 = arith.cmpf ogt, %get3A_1775, %select_n3A_1708 : vector<8x128xf32>
    %select_n3A_1780 = arith.select %gt3A_1779, %get3A_1775, %select_n3A_1708 : vector<8x128xi1>, vector<8x128xf32>
    %select_n3A_1781 = arith.select %gt3A_1779, %add3A_1778, %select_n3A_1709 : vector<8x128xi1>, vector<8x128xi32>
    %get3A_1782 = arith.constant 0 : index
    %get3A_1783 = arith.constant 24960 : index
    %get3A_1784 = vector.load %arg1[%get3A_1782, %get3A_1783] : memref<8x32768xf32, #tpu.memory_space<vmem>>, vector<8x128xf32>
    %add3A_1785 = arith.constant 24960 : i32
    %add3A_1786 = vector.broadcast %add3A_1785 : i32 to vector<8x128xi32>
    %add3A_1787 = arith.addi %iota3A, %add3A_1786 : vector<8x128xi32>
    %gt3A_1788 = arith.cmpf ogt, %get3A_1784, %select_n3A_1717 : vector<8x128xf32>
    %select_n3A_1789 = arith.select %gt3A_1788, %get3A_1784, %select_n3A_1717 : vector<8x128xi1>, vector<8x128xf32>
    %select_n3A_1790 = arith.select %gt3A_1788, %add3A_1787, %select_n3A_1718 : vector<8x128xi1>, vector<8x128xi32>
    %get3A_1791 = arith.constant 0 : index
    %get3A_1792 = arith.constant 25088 : index
    %get3A_1793 = vector.load %arg1[%get3A_1791, %get3A_1792] : memref<8x32768xf32, #tpu.memory_space<vmem>>, vector<8x128xf32>
    %add3A_1794 = arith.constant 25088 : i32
    %add3A_1795 = vector.broadcast %add3A_1794 : i32 to vector<8x128xi32>
    %add3A_1796 = arith.addi %iota3A, %add3A_1795 : vector<8x128xi32>
    %gt3A_1797 = arith.cmpf ogt, %get3A_1793, %select_n3A_1726 : vector<8x128xf32>
    %select_n3A_1798 = arith.select %gt3A_1797, %get3A_1793, %select_n3A_1726 : vector<8x128xi1>, vector<8x128xf32>
    %select_n3A_1799 = arith.select %gt3A_1797, %add3A_1796, %select_n3A_1727 : vector<8x128xi1>, vector<8x128xi32>
    %get3A_1800 = arith.constant 0 : index
    %get3A_1801 = arith.constant 25216 : index
    %get3A_1802 = vector.load %arg1[%get3A_1800, %get3A_1801] : memref<8x32768xf32, #tpu.memory_space<vmem>>, vector<8x128xf32>
    %add3A_1803 = arith.constant 25216 : i32
    %add3A_1804 = vector.broadcast %add3A_1803 : i32 to vector<8x128xi32>
    %add3A_1805 = arith.addi %iota3A, %add3A_1804 : vector<8x128xi32>
    %gt3A_1806 = arith.cmpf ogt, %get3A_1802, %select_n3A_1735 : vector<8x128xf32>
    %select_n3A_1807 = arith.select %gt3A_1806, %get3A_1802, %select_n3A_1735 : vector<8x128xi1>, vector<8x128xf32>
    %select_n3A_1808 = arith.select %gt3A_1806, %add3A_1805, %select_n3A_1736 : vector<8x128xi1>, vector<8x128xi32>
    %get3A_1809 = arith.constant 0 : index
    %get3A_1810 = arith.constant 25344 : index
    %get3A_1811 = vector.load %arg1[%get3A_1809, %get3A_1810] : memref<8x32768xf32, #tpu.memory_space<vmem>>, vector<8x128xf32>
    %add3A_1812 = arith.constant 25344 : i32
    %add3A_1813 = vector.broadcast %add3A_1812 : i32 to vector<8x128xi32>
    %add3A_1814 = arith.addi %iota3A, %add3A_1813 : vector<8x128xi32>
    %gt3A_1815 = arith.cmpf ogt, %get3A_1811, %select_n3A_1744 : vector<8x128xf32>
    %select_n3A_1816 = arith.select %gt3A_1815, %get3A_1811, %select_n3A_1744 : vector<8x128xi1>, vector<8x128xf32>
    %select_n3A_1817 = arith.select %gt3A_1815, %add3A_1814, %select_n3A_1745 : vector<8x128xi1>, vector<8x128xi32>
    %get3A_1818 = arith.constant 0 : index
    %get3A_1819 = arith.constant 25472 : index
    %get3A_1820 = vector.load %arg1[%get3A_1818, %get3A_1819] : memref<8x32768xf32, #tpu.memory_space<vmem>>, vector<8x128xf32>
    %add3A_1821 = arith.constant 25472 : i32
    %add3A_1822 = vector.broadcast %add3A_1821 : i32 to vector<8x128xi32>
    %add3A_1823 = arith.addi %iota3A, %add3A_1822 : vector<8x128xi32>
    %gt3A_1824 = arith.cmpf ogt, %get3A_1820, %select_n3A_1753 : vector<8x128xf32>
    %select_n3A_1825 = arith.select %gt3A_1824, %get3A_1820, %select_n3A_1753 : vector<8x128xi1>, vector<8x128xf32>
    %select_n3A_1826 = arith.select %gt3A_1824, %add3A_1823, %select_n3A_1754 : vector<8x128xi1>, vector<8x128xi32>
    %get3A_1827 = arith.constant 0 : index
    %get3A_1828 = arith.constant 25600 : index
    %get3A_1829 = vector.load %arg1[%get3A_1827, %get3A_1828] : memref<8x32768xf32, #tpu.memory_space<vmem>>, vector<8x128xf32>
    %add3A_1830 = arith.constant 25600 : i32
    %add3A_1831 = vector.broadcast %add3A_1830 : i32 to vector<8x128xi32>
    %add3A_1832 = arith.addi %iota3A, %add3A_1831 : vector<8x128xi32>
    %gt3A_1833 = arith.cmpf ogt, %get3A_1829, %select_n3A_1762 : vector<8x128xf32>
    %select_n3A_1834 = arith.select %gt3A_1833, %get3A_1829, %select_n3A_1762 : vector<8x128xi1>, vector<8x128xf32>
    %select_n3A_1835 = arith.select %gt3A_1833, %add3A_1832, %select_n3A_1763 : vector<8x128xi1>, vector<8x128xi32>
    %get3A_1836 = arith.constant 0 : index
    %get3A_1837 = arith.constant 25728 : index
    %get3A_1838 = vector.load %arg1[%get3A_1836, %get3A_1837] : memref<8x32768xf32, #tpu.memory_space<vmem>>, vector<8x128xf32>
    %add3A_1839 = arith.constant 25728 : i32
    %add3A_1840 = vector.broadcast %add3A_1839 : i32 to vector<8x128xi32>
    %add3A_1841 = arith.addi %iota3A, %add3A_1840 : vector<8x128xi32>
    %gt3A_1842 = arith.cmpf ogt, %get3A_1838, %select_n3A_1771 : vector<8x128xf32>
    %select_n3A_1843 = arith.select %gt3A_1842, %get3A_1838, %select_n3A_1771 : vector<8x128xi1>, vector<8x128xf32>
    %select_n3A_1844 = arith.select %gt3A_1842, %add3A_1841, %select_n3A_1772 : vector<8x128xi1>, vector<8x128xi32>
    %get3A_1845 = arith.constant 0 : index
    %get3A_1846 = arith.constant 25856 : index
    %get3A_1847 = vector.load %arg1[%get3A_1845, %get3A_1846] : memref<8x32768xf32, #tpu.memory_space<vmem>>, vector<8x128xf32>
    %add3A_1848 = arith.constant 25856 : i32
    %add3A_1849 = vector.broadcast %add3A_1848 : i32 to vector<8x128xi32>
    %add3A_1850 = arith.addi %iota3A, %add3A_1849 : vector<8x128xi32>
    %gt3A_1851 = arith.cmpf ogt, %get3A_1847, %select_n3A_1780 : vector<8x128xf32>
    %select_n3A_1852 = arith.select %gt3A_1851, %get3A_1847, %select_n3A_1780 : vector<8x128xi1>, vector<8x128xf32>
    %select_n3A_1853 = arith.select %gt3A_1851, %add3A_1850, %select_n3A_1781 : vector<8x128xi1>, vector<8x128xi32>
    %get3A_1854 = arith.constant 0 : index
    %get3A_1855 = arith.constant 25984 : index
    %get3A_1856 = vector.load %arg1[%get3A_1854, %get3A_1855] : memref<8x32768xf32, #tpu.memory_space<vmem>>, vector<8x128xf32>
    %add3A_1857 = arith.constant 25984 : i32
    %add3A_1858 = vector.broadcast %add3A_1857 : i32 to vector<8x128xi32>
    %add3A_1859 = arith.addi %iota3A, %add3A_1858 : vector<8x128xi32>
    %gt3A_1860 = arith.cmpf ogt, %get3A_1856, %select_n3A_1789 : vector<8x128xf32>
    %select_n3A_1861 = arith.select %gt3A_1860, %get3A_1856, %select_n3A_1789 : vector<8x128xi1>, vector<8x128xf32>
    %select_n3A_1862 = arith.select %gt3A_1860, %add3A_1859, %select_n3A_1790 : vector<8x128xi1>, vector<8x128xi32>
    %get3A_1863 = arith.constant 0 : index
    %get3A_1864 = arith.constant 26112 : index
    %get3A_1865 = vector.load %arg1[%get3A_1863, %get3A_1864] : memref<8x32768xf32, #tpu.memory_space<vmem>>, vector<8x128xf32>
    %add3A_1866 = arith.constant 26112 : i32
    %add3A_1867 = vector.broadcast %add3A_1866 : i32 to vector<8x128xi32>
    %add3A_1868 = arith.addi %iota3A, %add3A_1867 : vector<8x128xi32>
    %gt3A_1869 = arith.cmpf ogt, %get3A_1865, %select_n3A_1798 : vector<8x128xf32>
    %select_n3A_1870 = arith.select %gt3A_1869, %get3A_1865, %select_n3A_1798 : vector<8x128xi1>, vector<8x128xf32>
    %select_n3A_1871 = arith.select %gt3A_1869, %add3A_1868, %select_n3A_1799 : vector<8x128xi1>, vector<8x128xi32>
    %get3A_1872 = arith.constant 0 : index
    %get3A_1873 = arith.constant 26240 : index
    %get3A_1874 = vector.load %arg1[%get3A_1872, %get3A_1873] : memref<8x32768xf32, #tpu.memory_space<vmem>>, vector<8x128xf32>
    %add3A_1875 = arith.constant 26240 : i32
    %add3A_1876 = vector.broadcast %add3A_1875 : i32 to vector<8x128xi32>
    %add3A_1877 = arith.addi %iota3A, %add3A_1876 : vector<8x128xi32>
    %gt3A_1878 = arith.cmpf ogt, %get3A_1874, %select_n3A_1807 : vector<8x128xf32>
    %select_n3A_1879 = arith.select %gt3A_1878, %get3A_1874, %select_n3A_1807 : vector<8x128xi1>, vector<8x128xf32>
    %select_n3A_1880 = arith.select %gt3A_1878, %add3A_1877, %select_n3A_1808 : vector<8x128xi1>, vector<8x128xi32>
    %get3A_1881 = arith.constant 0 : index
    %get3A_1882 = arith.constant 26368 : index
    %get3A_1883 = vector.load %arg1[%get3A_1881, %get3A_1882] : memref<8x32768xf32, #tpu.memory_space<vmem>>, vector<8x128xf32>
    %add3A_1884 = arith.constant 26368 : i32
    %add3A_1885 = vector.broadcast %add3A_1884 : i32 to vector<8x128xi32>
    %add3A_1886 = arith.addi %iota3A, %add3A_1885 : vector<8x128xi32>
    %gt3A_1887 = arith.cmpf ogt, %get3A_1883, %select_n3A_1816 : vector<8x128xf32>
    %select_n3A_1888 = arith.select %gt3A_1887, %get3A_1883, %select_n3A_1816 : vector<8x128xi1>, vector<8x128xf32>
    %select_n3A_1889 = arith.select %gt3A_1887, %add3A_1886, %select_n3A_1817 : vector<8x128xi1>, vector<8x128xi32>
    %get3A_1890 = arith.constant 0 : index
    %get3A_1891 = arith.constant 26496 : index
    %get3A_1892 = vector.load %arg1[%get3A_1890, %get3A_1891] : memref<8x32768xf32, #tpu.memory_space<vmem>>, vector<8x128xf32>
    %add3A_1893 = arith.constant 26496 : i32
    %add3A_1894 = vector.broadcast %add3A_1893 : i32 to vector<8x128xi32>
    %add3A_1895 = arith.addi %iota3A, %add3A_1894 : vector<8x128xi32>
    %gt3A_1896 = arith.cmpf ogt, %get3A_1892, %select_n3A_1825 : vector<8x128xf32>
    %select_n3A_1897 = arith.select %gt3A_1896, %get3A_1892, %select_n3A_1825 : vector<8x128xi1>, vector<8x128xf32>
    %select_n3A_1898 = arith.select %gt3A_1896, %add3A_1895, %select_n3A_1826 : vector<8x128xi1>, vector<8x128xi32>
    %get3A_1899 = arith.constant 0 : index
    %get3A_1900 = arith.constant 26624 : index
    %get3A_1901 = vector.load %arg1[%get3A_1899, %get3A_1900] : memref<8x32768xf32, #tpu.memory_space<vmem>>, vector<8x128xf32>
    %add3A_1902 = arith.constant 26624 : i32
    %add3A_1903 = vector.broadcast %add3A_1902 : i32 to vector<8x128xi32>
    %add3A_1904 = arith.addi %iota3A, %add3A_1903 : vector<8x128xi32>
    %gt3A_1905 = arith.cmpf ogt, %get3A_1901, %select_n3A_1834 : vector<8x128xf32>
    %select_n3A_1906 = arith.select %gt3A_1905, %get3A_1901, %select_n3A_1834 : vector<8x128xi1>, vector<8x128xf32>
    %select_n3A_1907 = arith.select %gt3A_1905, %add3A_1904, %select_n3A_1835 : vector<8x128xi1>, vector<8x128xi32>
    %get3A_1908 = arith.constant 0 : index
    %get3A_1909 = arith.constant 26752 : index
    %get3A_1910 = vector.load %arg1[%get3A_1908, %get3A_1909] : memref<8x32768xf32, #tpu.memory_space<vmem>>, vector<8x128xf32>
    %add3A_1911 = arith.constant 26752 : i32
    %add3A_1912 = vector.broadcast %add3A_1911 : i32 to vector<8x128xi32>
    %add3A_1913 = arith.addi %iota3A, %add3A_1912 : vector<8x128xi32>
    %gt3A_1914 = arith.cmpf ogt, %get3A_1910, %select_n3A_1843 : vector<8x128xf32>
    %select_n3A_1915 = arith.select %gt3A_1914, %get3A_1910, %select_n3A_1843 : vector<8x128xi1>, vector<8x128xf32>
    %select_n3A_1916 = arith.select %gt3A_1914, %add3A_1913, %select_n3A_1844 : vector<8x128xi1>, vector<8x128xi32>
    %get3A_1917 = arith.constant 0 : index
    %get3A_1918 = arith.constant 26880 : index
    %get3A_1919 = vector.load %arg1[%get3A_1917, %get3A_1918] : memref<8x32768xf32, #tpu.memory_space<vmem>>, vector<8x128xf32>
    %add3A_1920 = arith.constant 26880 : i32
    %add3A_1921 = vector.broadcast %add3A_1920 : i32 to vector<8x128xi32>
    %add3A_1922 = arith.addi %iota3A, %add3A_1921 : vector<8x128xi32>
    %gt3A_1923 = arith.cmpf ogt, %get3A_1919, %select_n3A_1852 : vector<8x128xf32>
    %select_n3A_1924 = arith.select %gt3A_1923, %get3A_1919, %select_n3A_1852 : vector<8x128xi1>, vector<8x128xf32>
    %select_n3A_1925 = arith.select %gt3A_1923, %add3A_1922, %select_n3A_1853 : vector<8x128xi1>, vector<8x128xi32>
    %get3A_1926 = arith.constant 0 : index
    %get3A_1927 = arith.constant 27008 : index
    %get3A_1928 = vector.load %arg1[%get3A_1926, %get3A_1927] : memref<8x32768xf32, #tpu.memory_space<vmem>>, vector<8x128xf32>
    %add3A_1929 = arith.constant 27008 : i32
    %add3A_1930 = vector.broadcast %add3A_1929 : i32 to vector<8x128xi32>
    %add3A_1931 = arith.addi %iota3A, %add3A_1930 : vector<8x128xi32>
    %gt3A_1932 = arith.cmpf ogt, %get3A_1928, %select_n3A_1861 : vector<8x128xf32>
    %select_n3A_1933 = arith.select %gt3A_1932, %get3A_1928, %select_n3A_1861 : vector<8x128xi1>, vector<8x128xf32>
    %select_n3A_1934 = arith.select %gt3A_1932, %add3A_1931, %select_n3A_1862 : vector<8x128xi1>, vector<8x128xi32>
    %get3A_1935 = arith.constant 0 : index
    %get3A_1936 = arith.constant 27136 : index
    %get3A_1937 = vector.load %arg1[%get3A_1935, %get3A_1936] : memref<8x32768xf32, #tpu.memory_space<vmem>>, vector<8x128xf32>
    %add3A_1938 = arith.constant 27136 : i32
    %add3A_1939 = vector.broadcast %add3A_1938 : i32 to vector<8x128xi32>
    %add3A_1940 = arith.addi %iota3A, %add3A_1939 : vector<8x128xi32>
    %gt3A_1941 = arith.cmpf ogt, %get3A_1937, %select_n3A_1870 : vector<8x128xf32>
    %select_n3A_1942 = arith.select %gt3A_1941, %get3A_1937, %select_n3A_1870 : vector<8x128xi1>, vector<8x128xf32>
    %select_n3A_1943 = arith.select %gt3A_1941, %add3A_1940, %select_n3A_1871 : vector<8x128xi1>, vector<8x128xi32>
    %get3A_1944 = arith.constant 0 : index
    %get3A_1945 = arith.constant 27264 : index
    %get3A_1946 = vector.load %arg1[%get3A_1944, %get3A_1945] : memref<8x32768xf32, #tpu.memory_space<vmem>>, vector<8x128xf32>
    %add3A_1947 = arith.constant 27264 : i32
    %add3A_1948 = vector.broadcast %add3A_1947 : i32 to vector<8x128xi32>
    %add3A_1949 = arith.addi %iota3A, %add3A_1948 : vector<8x128xi32>
    %gt3A_1950 = arith.cmpf ogt, %get3A_1946, %select_n3A_1879 : vector<8x128xf32>
    %select_n3A_1951 = arith.select %gt3A_1950, %get3A_1946, %select_n3A_1879 : vector<8x128xi1>, vector<8x128xf32>
    %select_n3A_1952 = arith.select %gt3A_1950, %add3A_1949, %select_n3A_1880 : vector<8x128xi1>, vector<8x128xi32>
    %get3A_1953 = arith.constant 0 : index
    %get3A_1954 = arith.constant 27392 : index
    %get3A_1955 = vector.load %arg1[%get3A_1953, %get3A_1954] : memref<8x32768xf32, #tpu.memory_space<vmem>>, vector<8x128xf32>
    %add3A_1956 = arith.constant 27392 : i32
    %add3A_1957 = vector.broadcast %add3A_1956 : i32 to vector<8x128xi32>
    %add3A_1958 = arith.addi %iota3A, %add3A_1957 : vector<8x128xi32>
    %gt3A_1959 = arith.cmpf ogt, %get3A_1955, %select_n3A_1888 : vector<8x128xf32>
    %select_n3A_1960 = arith.select %gt3A_1959, %get3A_1955, %select_n3A_1888 : vector<8x128xi1>, vector<8x128xf32>
    %select_n3A_1961 = arith.select %gt3A_1959, %add3A_1958, %select_n3A_1889 : vector<8x128xi1>, vector<8x128xi32>
    %get3A_1962 = arith.constant 0 : index
    %get3A_1963 = arith.constant 27520 : index
    %get3A_1964 = vector.load %arg1[%get3A_1962, %get3A_1963] : memref<8x32768xf32, #tpu.memory_space<vmem>>, vector<8x128xf32>
    %add3A_1965 = arith.constant 27520 : i32
    %add3A_1966 = vector.broadcast %add3A_1965 : i32 to vector<8x128xi32>
    %add3A_1967 = arith.addi %iota3A, %add3A_1966 : vector<8x128xi32>
    %gt3A_1968 = arith.cmpf ogt, %get3A_1964, %select_n3A_1897 : vector<8x128xf32>
    %select_n3A_1969 = arith.select %gt3A_1968, %get3A_1964, %select_n3A_1897 : vector<8x128xi1>, vector<8x128xf32>
    %select_n3A_1970 = arith.select %gt3A_1968, %add3A_1967, %select_n3A_1898 : vector<8x128xi1>, vector<8x128xi32>
    %get3A_1971 = arith.constant 0 : index
    %get3A_1972 = arith.constant 27648 : index
    %get3A_1973 = vector.load %arg1[%get3A_1971, %get3A_1972] : memref<8x32768xf32, #tpu.memory_space<vmem>>, vector<8x128xf32>
    %add3A_1974 = arith.constant 27648 : i32
    %add3A_1975 = vector.broadcast %add3A_1974 : i32 to vector<8x128xi32>
    %add3A_1976 = arith.addi %iota3A, %add3A_1975 : vector<8x128xi32>
    %gt3A_1977 = arith.cmpf ogt, %get3A_1973, %select_n3A_1906 : vector<8x128xf32>
    %select_n3A_1978 = arith.select %gt3A_1977, %get3A_1973, %select_n3A_1906 : vector<8x128xi1>, vector<8x128xf32>
    %select_n3A_1979 = arith.select %gt3A_1977, %add3A_1976, %select_n3A_1907 : vector<8x128xi1>, vector<8x128xi32>
    %get3A_1980 = arith.constant 0 : index
    %get3A_1981 = arith.constant 27776 : index
    %get3A_1982 = vector.load %arg1[%get3A_1980, %get3A_1981] : memref<8x32768xf32, #tpu.memory_space<vmem>>, vector<8x128xf32>
    %add3A_1983 = arith.constant 27776 : i32
    %add3A_1984 = vector.broadcast %add3A_1983 : i32 to vector<8x128xi32>
    %add3A_1985 = arith.addi %iota3A, %add3A_1984 : vector<8x128xi32>
    %gt3A_1986 = arith.cmpf ogt, %get3A_1982, %select_n3A_1915 : vector<8x128xf32>
    %select_n3A_1987 = arith.select %gt3A_1986, %get3A_1982, %select_n3A_1915 : vector<8x128xi1>, vector<8x128xf32>
    %select_n3A_1988 = arith.select %gt3A_1986, %add3A_1985, %select_n3A_1916 : vector<8x128xi1>, vector<8x128xi32>
    %get3A_1989 = arith.constant 0 : index
    %get3A_1990 = arith.constant 27904 : index
    %get3A_1991 = vector.load %arg1[%get3A_1989, %get3A_1990] : memref<8x32768xf32, #tpu.memory_space<vmem>>, vector<8x128xf32>
    %add3A_1992 = arith.constant 27904 : i32
    %add3A_1993 = vector.broadcast %add3A_1992 : i32 to vector<8x128xi32>
    %add3A_1994 = arith.addi %iota3A, %add3A_1993 : vector<8x128xi32>
    %gt3A_1995 = arith.cmpf ogt, %get3A_1991, %select_n3A_1924 : vector<8x128xf32>
    %select_n3A_1996 = arith.select %gt3A_1995, %get3A_1991, %select_n3A_1924 : vector<8x128xi1>, vector<8x128xf32>
    %select_n3A_1997 = arith.select %gt3A_1995, %add3A_1994, %select_n3A_1925 : vector<8x128xi1>, vector<8x128xi32>
    %get3A_1998 = arith.constant 0 : index
    %get3A_1999 = arith.constant 28032 : index
    %get3A_2000 = vector.load %arg1[%get3A_1998, %get3A_1999] : memref<8x32768xf32, #tpu.memory_space<vmem>>, vector<8x128xf32>
    %add3A_2001 = arith.constant 28032 : i32
    %add3A_2002 = vector.broadcast %add3A_2001 : i32 to vector<8x128xi32>
    %add3A_2003 = arith.addi %iota3A, %add3A_2002 : vector<8x128xi32>
    %gt3A_2004 = arith.cmpf ogt, %get3A_2000, %select_n3A_1933 : vector<8x128xf32>
    %select_n3A_2005 = arith.select %gt3A_2004, %get3A_2000, %select_n3A_1933 : vector<8x128xi1>, vector<8x128xf32>
    %select_n3A_2006 = arith.select %gt3A_2004, %add3A_2003, %select_n3A_1934 : vector<8x128xi1>, vector<8x128xi32>
    %get3A_2007 = arith.constant 0 : index
    %get3A_2008 = arith.constant 28160 : index
    %get3A_2009 = vector.load %arg1[%get3A_2007, %get3A_2008] : memref<8x32768xf32, #tpu.memory_space<vmem>>, vector<8x128xf32>
    %add3A_2010 = arith.constant 28160 : i32
    %add3A_2011 = vector.broadcast %add3A_2010 : i32 to vector<8x128xi32>
    %add3A_2012 = arith.addi %iota3A, %add3A_2011 : vector<8x128xi32>
    %gt3A_2013 = arith.cmpf ogt, %get3A_2009, %select_n3A_1942 : vector<8x128xf32>
    %select_n3A_2014 = arith.select %gt3A_2013, %get3A_2009, %select_n3A_1942 : vector<8x128xi1>, vector<8x128xf32>
    %select_n3A_2015 = arith.select %gt3A_2013, %add3A_2012, %select_n3A_1943 : vector<8x128xi1>, vector<8x128xi32>
    %get3A_2016 = arith.constant 0 : index
    %get3A_2017 = arith.constant 28288 : index
    %get3A_2018 = vector.load %arg1[%get3A_2016, %get3A_2017] : memref<8x32768xf32, #tpu.memory_space<vmem>>, vector<8x128xf32>
    %add3A_2019 = arith.constant 28288 : i32
    %add3A_2020 = vector.broadcast %add3A_2019 : i32 to vector<8x128xi32>
    %add3A_2021 = arith.addi %iota3A, %add3A_2020 : vector<8x128xi32>
    %gt3A_2022 = arith.cmpf ogt, %get3A_2018, %select_n3A_1951 : vector<8x128xf32>
    %select_n3A_2023 = arith.select %gt3A_2022, %get3A_2018, %select_n3A_1951 : vector<8x128xi1>, vector<8x128xf32>
    %select_n3A_2024 = arith.select %gt3A_2022, %add3A_2021, %select_n3A_1952 : vector<8x128xi1>, vector<8x128xi32>
    %get3A_2025 = arith.constant 0 : index
    %get3A_2026 = arith.constant 28416 : index
    %get3A_2027 = vector.load %arg1[%get3A_2025, %get3A_2026] : memref<8x32768xf32, #tpu.memory_space<vmem>>, vector<8x128xf32>
    %add3A_2028 = arith.constant 28416 : i32
    %add3A_2029 = vector.broadcast %add3A_2028 : i32 to vector<8x128xi32>
    %add3A_2030 = arith.addi %iota3A, %add3A_2029 : vector<8x128xi32>
    %gt3A_2031 = arith.cmpf ogt, %get3A_2027, %select_n3A_1960 : vector<8x128xf32>
    %select_n3A_2032 = arith.select %gt3A_2031, %get3A_2027, %select_n3A_1960 : vector<8x128xi1>, vector<8x128xf32>
    %select_n3A_2033 = arith.select %gt3A_2031, %add3A_2030, %select_n3A_1961 : vector<8x128xi1>, vector<8x128xi32>
    %get3A_2034 = arith.constant 0 : index
    %get3A_2035 = arith.constant 28544 : index
    %get3A_2036 = vector.load %arg1[%get3A_2034, %get3A_2035] : memref<8x32768xf32, #tpu.memory_space<vmem>>, vector<8x128xf32>
    %add3A_2037 = arith.constant 28544 : i32
    %add3A_2038 = vector.broadcast %add3A_2037 : i32 to vector<8x128xi32>
    %add3A_2039 = arith.addi %iota3A, %add3A_2038 : vector<8x128xi32>
    %gt3A_2040 = arith.cmpf ogt, %get3A_2036, %select_n3A_1969 : vector<8x128xf32>
    %select_n3A_2041 = arith.select %gt3A_2040, %get3A_2036, %select_n3A_1969 : vector<8x128xi1>, vector<8x128xf32>
    %select_n3A_2042 = arith.select %gt3A_2040, %add3A_2039, %select_n3A_1970 : vector<8x128xi1>, vector<8x128xi32>
    %get3A_2043 = arith.constant 0 : index
    %get3A_2044 = arith.constant 28672 : index
    %get3A_2045 = vector.load %arg1[%get3A_2043, %get3A_2044] : memref<8x32768xf32, #tpu.memory_space<vmem>>, vector<8x128xf32>
    %add3A_2046 = arith.constant 28672 : i32
    %add3A_2047 = vector.broadcast %add3A_2046 : i32 to vector<8x128xi32>
    %add3A_2048 = arith.addi %iota3A, %add3A_2047 : vector<8x128xi32>
    %gt3A_2049 = arith.cmpf ogt, %get3A_2045, %select_n3A_1978 : vector<8x128xf32>
    %select_n3A_2050 = arith.select %gt3A_2049, %get3A_2045, %select_n3A_1978 : vector<8x128xi1>, vector<8x128xf32>
    %select_n3A_2051 = arith.select %gt3A_2049, %add3A_2048, %select_n3A_1979 : vector<8x128xi1>, vector<8x128xi32>
    %get3A_2052 = arith.constant 0 : index
    %get3A_2053 = arith.constant 28800 : index
    %get3A_2054 = vector.load %arg1[%get3A_2052, %get3A_2053] : memref<8x32768xf32, #tpu.memory_space<vmem>>, vector<8x128xf32>
    %add3A_2055 = arith.constant 28800 : i32
    %add3A_2056 = vector.broadcast %add3A_2055 : i32 to vector<8x128xi32>
    %add3A_2057 = arith.addi %iota3A, %add3A_2056 : vector<8x128xi32>
    %gt3A_2058 = arith.cmpf ogt, %get3A_2054, %select_n3A_1987 : vector<8x128xf32>
    %select_n3A_2059 = arith.select %gt3A_2058, %get3A_2054, %select_n3A_1987 : vector<8x128xi1>, vector<8x128xf32>
    %select_n3A_2060 = arith.select %gt3A_2058, %add3A_2057, %select_n3A_1988 : vector<8x128xi1>, vector<8x128xi32>
    %get3A_2061 = arith.constant 0 : index
    %get3A_2062 = arith.constant 28928 : index
    %get3A_2063 = vector.load %arg1[%get3A_2061, %get3A_2062] : memref<8x32768xf32, #tpu.memory_space<vmem>>, vector<8x128xf32>
    %add3A_2064 = arith.constant 28928 : i32
    %add3A_2065 = vector.broadcast %add3A_2064 : i32 to vector<8x128xi32>
    %add3A_2066 = arith.addi %iota3A, %add3A_2065 : vector<8x128xi32>
    %gt3A_2067 = arith.cmpf ogt, %get3A_2063, %select_n3A_1996 : vector<8x128xf32>
    %select_n3A_2068 = arith.select %gt3A_2067, %get3A_2063, %select_n3A_1996 : vector<8x128xi1>, vector<8x128xf32>
    %select_n3A_2069 = arith.select %gt3A_2067, %add3A_2066, %select_n3A_1997 : vector<8x128xi1>, vector<8x128xi32>
    %get3A_2070 = arith.constant 0 : index
    %get3A_2071 = arith.constant 29056 : index
    %get3A_2072 = vector.load %arg1[%get3A_2070, %get3A_2071] : memref<8x32768xf32, #tpu.memory_space<vmem>>, vector<8x128xf32>
    %add3A_2073 = arith.constant 29056 : i32
    %add3A_2074 = vector.broadcast %add3A_2073 : i32 to vector<8x128xi32>
    %add3A_2075 = arith.addi %iota3A, %add3A_2074 : vector<8x128xi32>
    %gt3A_2076 = arith.cmpf ogt, %get3A_2072, %select_n3A_2005 : vector<8x128xf32>
    %select_n3A_2077 = arith.select %gt3A_2076, %get3A_2072, %select_n3A_2005 : vector<8x128xi1>, vector<8x128xf32>
    %select_n3A_2078 = arith.select %gt3A_2076, %add3A_2075, %select_n3A_2006 : vector<8x128xi1>, vector<8x128xi32>
    %get3A_2079 = arith.constant 0 : index
    %get3A_2080 = arith.constant 29184 : index
    %get3A_2081 = vector.load %arg1[%get3A_2079, %get3A_2080] : memref<8x32768xf32, #tpu.memory_space<vmem>>, vector<8x128xf32>
    %add3A_2082 = arith.constant 29184 : i32
    %add3A_2083 = vector.broadcast %add3A_2082 : i32 to vector<8x128xi32>
    %add3A_2084 = arith.addi %iota3A, %add3A_2083 : vector<8x128xi32>
    %gt3A_2085 = arith.cmpf ogt, %get3A_2081, %select_n3A_2014 : vector<8x128xf32>
    %select_n3A_2086 = arith.select %gt3A_2085, %get3A_2081, %select_n3A_2014 : vector<8x128xi1>, vector<8x128xf32>
    %select_n3A_2087 = arith.select %gt3A_2085, %add3A_2084, %select_n3A_2015 : vector<8x128xi1>, vector<8x128xi32>
    %get3A_2088 = arith.constant 0 : index
    %get3A_2089 = arith.constant 29312 : index
    %get3A_2090 = vector.load %arg1[%get3A_2088, %get3A_2089] : memref<8x32768xf32, #tpu.memory_space<vmem>>, vector<8x128xf32>
    %add3A_2091 = arith.constant 29312 : i32
    %add3A_2092 = vector.broadcast %add3A_2091 : i32 to vector<8x128xi32>
    %add3A_2093 = arith.addi %iota3A, %add3A_2092 : vector<8x128xi32>
    %gt3A_2094 = arith.cmpf ogt, %get3A_2090, %select_n3A_2023 : vector<8x128xf32>
    %select_n3A_2095 = arith.select %gt3A_2094, %get3A_2090, %select_n3A_2023 : vector<8x128xi1>, vector<8x128xf32>
    %select_n3A_2096 = arith.select %gt3A_2094, %add3A_2093, %select_n3A_2024 : vector<8x128xi1>, vector<8x128xi32>
    %get3A_2097 = arith.constant 0 : index
    %get3A_2098 = arith.constant 29440 : index
    %get3A_2099 = vector.load %arg1[%get3A_2097, %get3A_2098] : memref<8x32768xf32, #tpu.memory_space<vmem>>, vector<8x128xf32>
    %add3A_2100 = arith.constant 29440 : i32
    %add3A_2101 = vector.broadcast %add3A_2100 : i32 to vector<8x128xi32>
    %add3A_2102 = arith.addi %iota3A, %add3A_2101 : vector<8x128xi32>
    %gt3A_2103 = arith.cmpf ogt, %get3A_2099, %select_n3A_2032 : vector<8x128xf32>
    %select_n3A_2104 = arith.select %gt3A_2103, %get3A_2099, %select_n3A_2032 : vector<8x128xi1>, vector<8x128xf32>
    %select_n3A_2105 = arith.select %gt3A_2103, %add3A_2102, %select_n3A_2033 : vector<8x128xi1>, vector<8x128xi32>
    %get3A_2106 = arith.constant 0 : index
    %get3A_2107 = arith.constant 29568 : index
    %get3A_2108 = vector.load %arg1[%get3A_2106, %get3A_2107] : memref<8x32768xf32, #tpu.memory_space<vmem>>, vector<8x128xf32>
    %add3A_2109 = arith.constant 29568 : i32
    %add3A_2110 = vector.broadcast %add3A_2109 : i32 to vector<8x128xi32>
    %add3A_2111 = arith.addi %iota3A, %add3A_2110 : vector<8x128xi32>
    %gt3A_2112 = arith.cmpf ogt, %get3A_2108, %select_n3A_2041 : vector<8x128xf32>
    %select_n3A_2113 = arith.select %gt3A_2112, %get3A_2108, %select_n3A_2041 : vector<8x128xi1>, vector<8x128xf32>
    %select_n3A_2114 = arith.select %gt3A_2112, %add3A_2111, %select_n3A_2042 : vector<8x128xi1>, vector<8x128xi32>
    %get3A_2115 = arith.constant 0 : index
    %get3A_2116 = arith.constant 29696 : index
    %get3A_2117 = vector.load %arg1[%get3A_2115, %get3A_2116] : memref<8x32768xf32, #tpu.memory_space<vmem>>, vector<8x128xf32>
    %add3A_2118 = arith.constant 29696 : i32
    %add3A_2119 = vector.broadcast %add3A_2118 : i32 to vector<8x128xi32>
    %add3A_2120 = arith.addi %iota3A, %add3A_2119 : vector<8x128xi32>
    %gt3A_2121 = arith.cmpf ogt, %get3A_2117, %select_n3A_2050 : vector<8x128xf32>
    %select_n3A_2122 = arith.select %gt3A_2121, %get3A_2117, %select_n3A_2050 : vector<8x128xi1>, vector<8x128xf32>
    %select_n3A_2123 = arith.select %gt3A_2121, %add3A_2120, %select_n3A_2051 : vector<8x128xi1>, vector<8x128xi32>
    %get3A_2124 = arith.constant 0 : index
    %get3A_2125 = arith.constant 29824 : index
    %get3A_2126 = vector.load %arg1[%get3A_2124, %get3A_2125] : memref<8x32768xf32, #tpu.memory_space<vmem>>, vector<8x128xf32>
    %add3A_2127 = arith.constant 29824 : i32
    %add3A_2128 = vector.broadcast %add3A_2127 : i32 to vector<8x128xi32>
    %add3A_2129 = arith.addi %iota3A, %add3A_2128 : vector<8x128xi32>
    %gt3A_2130 = arith.cmpf ogt, %get3A_2126, %select_n3A_2059 : vector<8x128xf32>
    %select_n3A_2131 = arith.select %gt3A_2130, %get3A_2126, %select_n3A_2059 : vector<8x128xi1>, vector<8x128xf32>
    %select_n3A_2132 = arith.select %gt3A_2130, %add3A_2129, %select_n3A_2060 : vector<8x128xi1>, vector<8x128xi32>
    %get3A_2133 = arith.constant 0 : index
    %get3A_2134 = arith.constant 29952 : index
    %get3A_2135 = vector.load %arg1[%get3A_2133, %get3A_2134] : memref<8x32768xf32, #tpu.memory_space<vmem>>, vector<8x128xf32>
    %add3A_2136 = arith.constant 29952 : i32
    %add3A_2137 = vector.broadcast %add3A_2136 : i32 to vector<8x128xi32>
    %add3A_2138 = arith.addi %iota3A, %add3A_2137 : vector<8x128xi32>
    %gt3A_2139 = arith.cmpf ogt, %get3A_2135, %select_n3A_2068 : vector<8x128xf32>
    %select_n3A_2140 = arith.select %gt3A_2139, %get3A_2135, %select_n3A_2068 : vector<8x128xi1>, vector<8x128xf32>
    %select_n3A_2141 = arith.select %gt3A_2139, %add3A_2138, %select_n3A_2069 : vector<8x128xi1>, vector<8x128xi32>
    %get3A_2142 = arith.constant 0 : index
    %get3A_2143 = arith.constant 30080 : index
    %get3A_2144 = vector.load %arg1[%get3A_2142, %get3A_2143] : memref<8x32768xf32, #tpu.memory_space<vmem>>, vector<8x128xf32>
    %add3A_2145 = arith.constant 30080 : i32
    %add3A_2146 = vector.broadcast %add3A_2145 : i32 to vector<8x128xi32>
    %add3A_2147 = arith.addi %iota3A, %add3A_2146 : vector<8x128xi32>
    %gt3A_2148 = arith.cmpf ogt, %get3A_2144, %select_n3A_2077 : vector<8x128xf32>
    %select_n3A_2149 = arith.select %gt3A_2148, %get3A_2144, %select_n3A_2077 : vector<8x128xi1>, vector<8x128xf32>
    %select_n3A_2150 = arith.select %gt3A_2148, %add3A_2147, %select_n3A_2078 : vector<8x128xi1>, vector<8x128xi32>
    %get3A_2151 = arith.constant 0 : index
    %get3A_2152 = arith.constant 30208 : index
    %get3A_2153 = vector.load %arg1[%get3A_2151, %get3A_2152] : memref<8x32768xf32, #tpu.memory_space<vmem>>, vector<8x128xf32>
    %add3A_2154 = arith.constant 30208 : i32
    %add3A_2155 = vector.broadcast %add3A_2154 : i32 to vector<8x128xi32>
    %add3A_2156 = arith.addi %iota3A, %add3A_2155 : vector<8x128xi32>
    %gt3A_2157 = arith.cmpf ogt, %get3A_2153, %select_n3A_2086 : vector<8x128xf32>
    %select_n3A_2158 = arith.select %gt3A_2157, %get3A_2153, %select_n3A_2086 : vector<8x128xi1>, vector<8x128xf32>
    %select_n3A_2159 = arith.select %gt3A_2157, %add3A_2156, %select_n3A_2087 : vector<8x128xi1>, vector<8x128xi32>
    %get3A_2160 = arith.constant 0 : index
    %get3A_2161 = arith.constant 30336 : index
    %get3A_2162 = vector.load %arg1[%get3A_2160, %get3A_2161] : memref<8x32768xf32, #tpu.memory_space<vmem>>, vector<8x128xf32>
    %add3A_2163 = arith.constant 30336 : i32
    %add3A_2164 = vector.broadcast %add3A_2163 : i32 to vector<8x128xi32>
    %add3A_2165 = arith.addi %iota3A, %add3A_2164 : vector<8x128xi32>
    %gt3A_2166 = arith.cmpf ogt, %get3A_2162, %select_n3A_2095 : vector<8x128xf32>
    %select_n3A_2167 = arith.select %gt3A_2166, %get3A_2162, %select_n3A_2095 : vector<8x128xi1>, vector<8x128xf32>
    %select_n3A_2168 = arith.select %gt3A_2166, %add3A_2165, %select_n3A_2096 : vector<8x128xi1>, vector<8x128xi32>
    %get3A_2169 = arith.constant 0 : index
    %get3A_2170 = arith.constant 30464 : index
    %get3A_2171 = vector.load %arg1[%get3A_2169, %get3A_2170] : memref<8x32768xf32, #tpu.memory_space<vmem>>, vector<8x128xf32>
    %add3A_2172 = arith.constant 30464 : i32
    %add3A_2173 = vector.broadcast %add3A_2172 : i32 to vector<8x128xi32>
    %add3A_2174 = arith.addi %iota3A, %add3A_2173 : vector<8x128xi32>
    %gt3A_2175 = arith.cmpf ogt, %get3A_2171, %select_n3A_2104 : vector<8x128xf32>
    %select_n3A_2176 = arith.select %gt3A_2175, %get3A_2171, %select_n3A_2104 : vector<8x128xi1>, vector<8x128xf32>
    %select_n3A_2177 = arith.select %gt3A_2175, %add3A_2174, %select_n3A_2105 : vector<8x128xi1>, vector<8x128xi32>
    %get3A_2178 = arith.constant 0 : index
    %get3A_2179 = arith.constant 30592 : index
    %get3A_2180 = vector.load %arg1[%get3A_2178, %get3A_2179] : memref<8x32768xf32, #tpu.memory_space<vmem>>, vector<8x128xf32>
    %add3A_2181 = arith.constant 30592 : i32
    %add3A_2182 = vector.broadcast %add3A_2181 : i32 to vector<8x128xi32>
    %add3A_2183 = arith.addi %iota3A, %add3A_2182 : vector<8x128xi32>
    %gt3A_2184 = arith.cmpf ogt, %get3A_2180, %select_n3A_2113 : vector<8x128xf32>
    %select_n3A_2185 = arith.select %gt3A_2184, %get3A_2180, %select_n3A_2113 : vector<8x128xi1>, vector<8x128xf32>
    %select_n3A_2186 = arith.select %gt3A_2184, %add3A_2183, %select_n3A_2114 : vector<8x128xi1>, vector<8x128xi32>
    %get3A_2187 = arith.constant 0 : index
    %get3A_2188 = arith.constant 30720 : index
    %get3A_2189 = vector.load %arg1[%get3A_2187, %get3A_2188] : memref<8x32768xf32, #tpu.memory_space<vmem>>, vector<8x128xf32>
    %add3A_2190 = arith.constant 30720 : i32
    %add3A_2191 = vector.broadcast %add3A_2190 : i32 to vector<8x128xi32>
    %add3A_2192 = arith.addi %iota3A, %add3A_2191 : vector<8x128xi32>
    %gt3A_2193 = arith.cmpf ogt, %get3A_2189, %select_n3A_2122 : vector<8x128xf32>
    %select_n3A_2194 = arith.select %gt3A_2193, %get3A_2189, %select_n3A_2122 : vector<8x128xi1>, vector<8x128xf32>
    %select_n3A_2195 = arith.select %gt3A_2193, %add3A_2192, %select_n3A_2123 : vector<8x128xi1>, vector<8x128xi32>
    %get3A_2196 = arith.constant 0 : index
    %get3A_2197 = arith.constant 30848 : index
    %get3A_2198 = vector.load %arg1[%get3A_2196, %get3A_2197] : memref<8x32768xf32, #tpu.memory_space<vmem>>, vector<8x128xf32>
    %add3A_2199 = arith.constant 30848 : i32
    %add3A_2200 = vector.broadcast %add3A_2199 : i32 to vector<8x128xi32>
    %add3A_2201 = arith.addi %iota3A, %add3A_2200 : vector<8x128xi32>
    %gt3A_2202 = arith.cmpf ogt, %get3A_2198, %select_n3A_2131 : vector<8x128xf32>
    %select_n3A_2203 = arith.select %gt3A_2202, %get3A_2198, %select_n3A_2131 : vector<8x128xi1>, vector<8x128xf32>
    %select_n3A_2204 = arith.select %gt3A_2202, %add3A_2201, %select_n3A_2132 : vector<8x128xi1>, vector<8x128xi32>
    %get3A_2205 = arith.constant 0 : index
    %get3A_2206 = arith.constant 30976 : index
    %get3A_2207 = vector.load %arg1[%get3A_2205, %get3A_2206] : memref<8x32768xf32, #tpu.memory_space<vmem>>, vector<8x128xf32>
    %add3A_2208 = arith.constant 30976 : i32
    %add3A_2209 = vector.broadcast %add3A_2208 : i32 to vector<8x128xi32>
    %add3A_2210 = arith.addi %iota3A, %add3A_2209 : vector<8x128xi32>
    %gt3A_2211 = arith.cmpf ogt, %get3A_2207, %select_n3A_2140 : vector<8x128xf32>
    %select_n3A_2212 = arith.select %gt3A_2211, %get3A_2207, %select_n3A_2140 : vector<8x128xi1>, vector<8x128xf32>
    %select_n3A_2213 = arith.select %gt3A_2211, %add3A_2210, %select_n3A_2141 : vector<8x128xi1>, vector<8x128xi32>
    %get3A_2214 = arith.constant 0 : index
    %get3A_2215 = arith.constant 31104 : index
    %get3A_2216 = vector.load %arg1[%get3A_2214, %get3A_2215] : memref<8x32768xf32, #tpu.memory_space<vmem>>, vector<8x128xf32>
    %add3A_2217 = arith.constant 31104 : i32
    %add3A_2218 = vector.broadcast %add3A_2217 : i32 to vector<8x128xi32>
    %add3A_2219 = arith.addi %iota3A, %add3A_2218 : vector<8x128xi32>
    %gt3A_2220 = arith.cmpf ogt, %get3A_2216, %select_n3A_2149 : vector<8x128xf32>
    %select_n3A_2221 = arith.select %gt3A_2220, %get3A_2216, %select_n3A_2149 : vector<8x128xi1>, vector<8x128xf32>
    %select_n3A_2222 = arith.select %gt3A_2220, %add3A_2219, %select_n3A_2150 : vector<8x128xi1>, vector<8x128xi32>
    %get3A_2223 = arith.constant 0 : index
    %get3A_2224 = arith.constant 31232 : index
    %get3A_2225 = vector.load %arg1[%get3A_2223, %get3A_2224] : memref<8x32768xf32, #tpu.memory_space<vmem>>, vector<8x128xf32>
    %add3A_2226 = arith.constant 31232 : i32
    %add3A_2227 = vector.broadcast %add3A_2226 : i32 to vector<8x128xi32>
    %add3A_2228 = arith.addi %iota3A, %add3A_2227 : vector<8x128xi32>
    %gt3A_2229 = arith.cmpf ogt, %get3A_2225, %select_n3A_2158 : vector<8x128xf32>
    %select_n3A_2230 = arith.select %gt3A_2229, %get3A_2225, %select_n3A_2158 : vector<8x128xi1>, vector<8x128xf32>
    %select_n3A_2231 = arith.select %gt3A_2229, %add3A_2228, %select_n3A_2159 : vector<8x128xi1>, vector<8x128xi32>
    %get3A_2232 = arith.constant 0 : index
    %get3A_2233 = arith.constant 31360 : index
    %get3A_2234 = vector.load %arg1[%get3A_2232, %get3A_2233] : memref<8x32768xf32, #tpu.memory_space<vmem>>, vector<8x128xf32>
    %add3A_2235 = arith.constant 31360 : i32
    %add3A_2236 = vector.broadcast %add3A_2235 : i32 to vector<8x128xi32>
    %add3A_2237 = arith.addi %iota3A, %add3A_2236 : vector<8x128xi32>
    %gt3A_2238 = arith.cmpf ogt, %get3A_2234, %select_n3A_2167 : vector<8x128xf32>
    %select_n3A_2239 = arith.select %gt3A_2238, %get3A_2234, %select_n3A_2167 : vector<8x128xi1>, vector<8x128xf32>
    %select_n3A_2240 = arith.select %gt3A_2238, %add3A_2237, %select_n3A_2168 : vector<8x128xi1>, vector<8x128xi32>
    %get3A_2241 = arith.constant 0 : index
    %get3A_2242 = arith.constant 31488 : index
    %get3A_2243 = vector.load %arg1[%get3A_2241, %get3A_2242] : memref<8x32768xf32, #tpu.memory_space<vmem>>, vector<8x128xf32>
    %add3A_2244 = arith.constant 31488 : i32
    %add3A_2245 = vector.broadcast %add3A_2244 : i32 to vector<8x128xi32>
    %add3A_2246 = arith.addi %iota3A, %add3A_2245 : vector<8x128xi32>
    %gt3A_2247 = arith.cmpf ogt, %get3A_2243, %select_n3A_2176 : vector<8x128xf32>
    %select_n3A_2248 = arith.select %gt3A_2247, %get3A_2243, %select_n3A_2176 : vector<8x128xi1>, vector<8x128xf32>
    %select_n3A_2249 = arith.select %gt3A_2247, %add3A_2246, %select_n3A_2177 : vector<8x128xi1>, vector<8x128xi32>
    %get3A_2250 = arith.constant 0 : index
    %get3A_2251 = arith.constant 31616 : index
    %get3A_2252 = vector.load %arg1[%get3A_2250, %get3A_2251] : memref<8x32768xf32, #tpu.memory_space<vmem>>, vector<8x128xf32>
    %add3A_2253 = arith.constant 31616 : i32
    %add3A_2254 = vector.broadcast %add3A_2253 : i32 to vector<8x128xi32>
    %add3A_2255 = arith.addi %iota3A, %add3A_2254 : vector<8x128xi32>
    %gt3A_2256 = arith.cmpf ogt, %get3A_2252, %select_n3A_2185 : vector<8x128xf32>
    %select_n3A_2257 = arith.select %gt3A_2256, %get3A_2252, %select_n3A_2185 : vector<8x128xi1>, vector<8x128xf32>
    %select_n3A_2258 = arith.select %gt3A_2256, %add3A_2255, %select_n3A_2186 : vector<8x128xi1>, vector<8x128xi32>
    %get3A_2259 = arith.constant 0 : index
    %get3A_2260 = arith.constant 31744 : index
    %get3A_2261 = vector.load %arg1[%get3A_2259, %get3A_2260] : memref<8x32768xf32, #tpu.memory_space<vmem>>, vector<8x128xf32>
    %add3A_2262 = arith.constant 31744 : i32
    %add3A_2263 = vector.broadcast %add3A_2262 : i32 to vector<8x128xi32>
    %add3A_2264 = arith.addi %iota3A, %add3A_2263 : vector<8x128xi32>
    %gt3A_2265 = arith.cmpf ogt, %get3A_2261, %select_n3A_2194 : vector<8x128xf32>
    %select_n3A_2266 = arith.select %gt3A_2265, %get3A_2261, %select_n3A_2194 : vector<8x128xi1>, vector<8x128xf32>
    %select_n3A_2267 = arith.select %gt3A_2265, %add3A_2264, %select_n3A_2195 : vector<8x128xi1>, vector<8x128xi32>
    %get3A_2268 = arith.constant 0 : index
    %get3A_2269 = arith.constant 31872 : index
    %get3A_2270 = vector.load %arg1[%get3A_2268, %get3A_2269] : memref<8x32768xf32, #tpu.memory_space<vmem>>, vector<8x128xf32>
    %add3A_2271 = arith.constant 31872 : i32
    %add3A_2272 = vector.broadcast %add3A_2271 : i32 to vector<8x128xi32>
    %add3A_2273 = arith.addi %iota3A, %add3A_2272 : vector<8x128xi32>
    %gt3A_2274 = arith.cmpf ogt, %get3A_2270, %select_n3A_2203 : vector<8x128xf32>
    %select_n3A_2275 = arith.select %gt3A_2274, %get3A_2270, %select_n3A_2203 : vector<8x128xi1>, vector<8x128xf32>
    %select_n3A_2276 = arith.select %gt3A_2274, %add3A_2273, %select_n3A_2204 : vector<8x128xi1>, vector<8x128xi32>
    %get3A_2277 = arith.constant 0 : index
    %get3A_2278 = arith.constant 32000 : index
    %get3A_2279 = vector.load %arg1[%get3A_2277, %get3A_2278] : memref<8x32768xf32, #tpu.memory_space<vmem>>, vector<8x128xf32>
    %add3A_2280 = arith.constant 32000 : i32
    %add3A_2281 = vector.broadcast %add3A_2280 : i32 to vector<8x128xi32>
    %add3A_2282 = arith.addi %iota3A, %add3A_2281 : vector<8x128xi32>
    %gt3A_2283 = arith.cmpf ogt, %get3A_2279, %select_n3A_2212 : vector<8x128xf32>
    %select_n3A_2284 = arith.select %gt3A_2283, %get3A_2279, %select_n3A_2212 : vector<8x128xi1>, vector<8x128xf32>
    %select_n3A_2285 = arith.select %gt3A_2283, %add3A_2282, %select_n3A_2213 : vector<8x128xi1>, vector<8x128xi32>
    %get3A_2286 = arith.constant 0 : index
    %get3A_2287 = arith.constant 32128 : index
    %get3A_2288 = vector.load %arg1[%get3A_2286, %get3A_2287] : memref<8x32768xf32, #tpu.memory_space<vmem>>, vector<8x128xf32>
    %add3A_2289 = arith.constant 32128 : i32
    %add3A_2290 = vector.broadcast %add3A_2289 : i32 to vector<8x128xi32>
    %add3A_2291 = arith.addi %iota3A, %add3A_2290 : vector<8x128xi32>
    %gt3A_2292 = arith.cmpf ogt, %get3A_2288, %select_n3A_2221 : vector<8x128xf32>
    %select_n3A_2293 = arith.select %gt3A_2292, %get3A_2288, %select_n3A_2221 : vector<8x128xi1>, vector<8x128xf32>
    %select_n3A_2294 = arith.select %gt3A_2292, %add3A_2291, %select_n3A_2222 : vector<8x128xi1>, vector<8x128xi32>
    %get3A_2295 = arith.constant 0 : index
    %get3A_2296 = arith.constant 32256 : index
    %get3A_2297 = vector.load %arg1[%get3A_2295, %get3A_2296] : memref<8x32768xf32, #tpu.memory_space<vmem>>, vector<8x128xf32>
    %add3A_2298 = arith.constant 32256 : i32
    %add3A_2299 = vector.broadcast %add3A_2298 : i32 to vector<8x128xi32>
    %add3A_2300 = arith.addi %iota3A, %add3A_2299 : vector<8x128xi32>
    %gt3A_2301 = arith.cmpf ogt, %get3A_2297, %select_n3A_2230 : vector<8x128xf32>
    %select_n3A_2302 = arith.select %gt3A_2301, %get3A_2297, %select_n3A_2230 : vector<8x128xi1>, vector<8x128xf32>
    %select_n3A_2303 = arith.select %gt3A_2301, %add3A_2300, %select_n3A_2231 : vector<8x128xi1>, vector<8x128xi32>
    %get3A_2304 = arith.constant 0 : index
    %get3A_2305 = arith.constant 32384 : index
    %get3A_2306 = vector.load %arg1[%get3A_2304, %get3A_2305] : memref<8x32768xf32, #tpu.memory_space<vmem>>, vector<8x128xf32>
    %add3A_2307 = arith.constant 32384 : i32
    %add3A_2308 = vector.broadcast %add3A_2307 : i32 to vector<8x128xi32>
    %add3A_2309 = arith.addi %iota3A, %add3A_2308 : vector<8x128xi32>
    %gt3A_2310 = arith.cmpf ogt, %get3A_2306, %select_n3A_2239 : vector<8x128xf32>
    %select_n3A_2311 = arith.select %gt3A_2310, %get3A_2306, %select_n3A_2239 : vector<8x128xi1>, vector<8x128xf32>
    %select_n3A_2312 = arith.select %gt3A_2310, %add3A_2309, %select_n3A_2240 : vector<8x128xi1>, vector<8x128xi32>
    %get3A_2313 = arith.constant 0 : index
    %get3A_2314 = arith.constant 32512 : index
    %get3A_2315 = vector.load %arg1[%get3A_2313, %get3A_2314] : memref<8x32768xf32, #tpu.memory_space<vmem>>, vector<8x128xf32>
    %add3A_2316 = arith.constant 32512 : i32
    %add3A_2317 = vector.broadcast %add3A_2316 : i32 to vector<8x128xi32>
    %add3A_2318 = arith.addi %iota3A, %add3A_2317 : vector<8x128xi32>
    %gt3A_2319 = arith.cmpf ogt, %get3A_2315, %select_n3A_2248 : vector<8x128xf32>
    %select_n3A_2320 = arith.select %gt3A_2319, %get3A_2315, %select_n3A_2248 : vector<8x128xi1>, vector<8x128xf32>
    %select_n3A_2321 = arith.select %gt3A_2319, %add3A_2318, %select_n3A_2249 : vector<8x128xi1>, vector<8x128xi32>
    %get3A_2322 = arith.constant 0 : index
    %get3A_2323 = arith.constant 32640 : index
    %get3A_2324 = vector.load %arg1[%get3A_2322, %get3A_2323] : memref<8x32768xf32, #tpu.memory_space<vmem>>, vector<8x128xf32>
    %add3A_2325 = arith.constant 32640 : i32
    %add3A_2326 = vector.broadcast %add3A_2325 : i32 to vector<8x128xi32>
    %add3A_2327 = arith.addi %iota3A, %add3A_2326 : vector<8x128xi32>
    %gt3A_2328 = arith.cmpf ogt, %get3A_2324, %select_n3A_2257 : vector<8x128xf32>
    %select_n3A_2329 = arith.select %gt3A_2328, %get3A_2324, %select_n3A_2257 : vector<8x128xi1>, vector<8x128xf32>
    %select_n3A_2330 = arith.select %gt3A_2328, %add3A_2327, %select_n3A_2258 : vector<8x128xi1>, vector<8x128xi32>
    %gt3A_2331 = arith.cmpf ogt, %select_n3A_2275, %select_n3A_2266 : vector<8x128xf32>
    %eq3A = arith.cmpf oeq, %select_n3A_2275, %select_n3A_2266 : vector<8x128xf32>
    %lt3A = arith.cmpi slt, %select_n3A_2276, %select_n3A_2267 : vector<8x128xi32>
    %and3A = arith.andi %eq3A, %lt3A : vector<8x128xi1>
    %or3A = arith.ori %gt3A_2331, %and3A : vector<8x128xi1>
    %select_n3A_2332 = arith.select %or3A, %select_n3A_2275, %select_n3A_2266 : vector<8x128xi1>, vector<8x128xf32>
    %select_n3A_2333 = arith.select %or3A, %select_n3A_2276, %select_n3A_2267 : vector<8x128xi1>, vector<8x128xi32>
    %gt3A_2334 = arith.cmpf ogt, %select_n3A_2284, %select_n3A_2332 : vector<8x128xf32>
    %eq3A_2335 = arith.cmpf oeq, %select_n3A_2284, %select_n3A_2332 : vector<8x128xf32>
    %lt3A_2336 = arith.cmpi slt, %select_n3A_2285, %select_n3A_2333 : vector<8x128xi32>
    %and3A_2337 = arith.andi %eq3A_2335, %lt3A_2336 : vector<8x128xi1>
    %or3A_2338 = arith.ori %gt3A_2334, %and3A_2337 : vector<8x128xi1>
    %select_n3A_2339 = arith.select %or3A_2338, %select_n3A_2284, %select_n3A_2332 : vector<8x128xi1>, vector<8x128xf32>
    %select_n3A_2340 = arith.select %or3A_2338, %select_n3A_2285, %select_n3A_2333 : vector<8x128xi1>, vector<8x128xi32>
    %gt3A_2341 = arith.cmpf ogt, %select_n3A_2293, %select_n3A_2339 : vector<8x128xf32>
    %eq3A_2342 = arith.cmpf oeq, %select_n3A_2293, %select_n3A_2339 : vector<8x128xf32>
    %lt3A_2343 = arith.cmpi slt, %select_n3A_2294, %select_n3A_2340 : vector<8x128xi32>
    %and3A_2344 = arith.andi %eq3A_2342, %lt3A_2343 : vector<8x128xi1>
    %or3A_2345 = arith.ori %gt3A_2341, %and3A_2344 : vector<8x128xi1>
    %select_n3A_2346 = arith.select %or3A_2345, %select_n3A_2293, %select_n3A_2339 : vector<8x128xi1>, vector<8x128xf32>
    %select_n3A_2347 = arith.select %or3A_2345, %select_n3A_2294, %select_n3A_2340 : vector<8x128xi1>, vector<8x128xi32>
    %gt3A_2348 = arith.cmpf ogt, %select_n3A_2302, %select_n3A_2346 : vector<8x128xf32>
    %eq3A_2349 = arith.cmpf oeq, %select_n3A_2302, %select_n3A_2346 : vector<8x128xf32>
    %lt3A_2350 = arith.cmpi slt, %select_n3A_2303, %select_n3A_2347 : vector<8x128xi32>
    %and3A_2351 = arith.andi %eq3A_2349, %lt3A_2350 : vector<8x128xi1>
    %or3A_2352 = arith.ori %gt3A_2348, %and3A_2351 : vector<8x128xi1>
    %select_n3A_2353 = arith.select %or3A_2352, %select_n3A_2302, %select_n3A_2346 : vector<8x128xi1>, vector<8x128xf32>
    %select_n3A_2354 = arith.select %or3A_2352, %select_n3A_2303, %select_n3A_2347 : vector<8x128xi1>, vector<8x128xi32>
    %gt3A_2355 = arith.cmpf ogt, %select_n3A_2311, %select_n3A_2353 : vector<8x128xf32>
    %eq3A_2356 = arith.cmpf oeq, %select_n3A_2311, %select_n3A_2353 : vector<8x128xf32>
    %lt3A_2357 = arith.cmpi slt, %select_n3A_2312, %select_n3A_2354 : vector<8x128xi32>
    %and3A_2358 = arith.andi %eq3A_2356, %lt3A_2357 : vector<8x128xi1>
    %or3A_2359 = arith.ori %gt3A_2355, %and3A_2358 : vector<8x128xi1>
    %select_n3A_2360 = arith.select %or3A_2359, %select_n3A_2311, %select_n3A_2353 : vector<8x128xi1>, vector<8x128xf32>
    %select_n3A_2361 = arith.select %or3A_2359, %select_n3A_2312, %select_n3A_2354 : vector<8x128xi1>, vector<8x128xi32>
    %gt3A_2362 = arith.cmpf ogt, %select_n3A_2320, %select_n3A_2360 : vector<8x128xf32>
    %eq3A_2363 = arith.cmpf oeq, %select_n3A_2320, %select_n3A_2360 : vector<8x128xf32>
    %lt3A_2364 = arith.cmpi slt, %select_n3A_2321, %select_n3A_2361 : vector<8x128xi32>
    %and3A_2365 = arith.andi %eq3A_2363, %lt3A_2364 : vector<8x128xi1>
    %or3A_2366 = arith.ori %gt3A_2362, %and3A_2365 : vector<8x128xi1>
    %select_n3A_2367 = arith.select %or3A_2366, %select_n3A_2320, %select_n3A_2360 : vector<8x128xi1>, vector<8x128xf32>
    %select_n3A_2368 = arith.select %or3A_2366, %select_n3A_2321, %select_n3A_2361 : vector<8x128xi1>, vector<8x128xi32>
    %gt3A_2369 = arith.cmpf ogt, %select_n3A_2329, %select_n3A_2367 : vector<8x128xf32>
    %eq3A_2370 = arith.cmpf oeq, %select_n3A_2329, %select_n3A_2367 : vector<8x128xf32>
    %lt3A_2371 = arith.cmpi slt, %select_n3A_2330, %select_n3A_2368 : vector<8x128xi32>
    %and3A_2372 = arith.andi %eq3A_2370, %lt3A_2371 : vector<8x128xi1>
    %or3A_2373 = arith.ori %gt3A_2369, %and3A_2372 : vector<8x128xi1>
    %select_n3A_2374 = arith.select %or3A_2373, %select_n3A_2329, %select_n3A_2367 : vector<8x128xi1>, vector<8x128xf32>
    %select_n3A_2375 = arith.select %or3A_2373, %select_n3A_2330, %select_n3A_2368 : vector<8x128xi1>, vector<8x128xi32>
    %reduce_max3A = arith.constant dense<0xFF800000> : vector<8xf32>
    %reduce_max3A_2376 = vector.multi_reduction <maximumf>, %select_n3A_2374, %reduce_max3A [1] : vector<8x128xf32> to vector<8xf32>
    %broadcast_in_dim3A_2377 = vector.shape_cast %reduce_max3A_2376 : vector<8xf32> to vector<8x1xf32>
    %eq3A_2378 = vector.broadcast %broadcast_in_dim3A_2377 : vector<8x1xf32> to vector<8x128xf32>
    %eq3A_2379 = arith.cmpf oeq, %select_n3A_2374, %eq3A_2378 : vector<8x128xf32>
    %jit3A = arith.constant 2147483647 : i32
    %broadcast_in_dim3A_2380 = vector.broadcast %jit3A : i32 to vector<8x128xi32>
    %select_n3A_2381 = arith.select %eq3A_2379, %select_n3A_2375, %broadcast_in_dim3A_2380 : vector<8x128xi1>, vector<8x128xi32>
    %reduce_min3A = arith.constant dense<2147483647> : vector<8xi32>
    %reduce_min3A_2382 = vector.multi_reduction <minsi>, %select_n3A_2381, %reduce_min3A [1] : vector<8x128xi32> to vector<8xi32>
    %broadcast_in_dim3A_2383 = vector.shape_cast %reduce_min3A_2382 : vector<8xi32> to vector<1x1x8xi32>
    %swap3A = arith.constant 0 : index
    %swap3A_2384 = arith.constant 0 : index
    %swap3A_2385 = arith.constant 0 : index
    %swap3A_2386 = vector.load %arg2[%swap3A, %swap3A_2384, %swap3A_2385] : memref<1x1x8xi32, #tpu.memory_space<vmem>>, vector<1x1x8xi32>
    tpu.vector_store %arg2[%swap3A, %swap3A_2384, %swap3A_2385], %broadcast_in_dim3A_2383 {strides = array<i32>} : memref<1x1x8xi32, #tpu.memory_space<vmem>>, vector<1x1x8xi32>,
    return
  }
  func.func @transform_0(%arg0: i32) -> (i32, i32) {
    %c0_i32 = arith.constant 0 : i32
    %c0_i32_0 = arith.constant 0 : i32
    return %arg0, %c0_i32 : i32, i32
  }
  func.func @transform_1(%arg0: i32) -> (i32, i32, i32) {
    %c0_i32 = arith.constant 0 : i32
    %c0_i32_0 = arith.constant 0 : i32
    %c0_i32_1 = arith.constant 0 : i32
    return %arg0, %c0_i32, %c0_i32_0 : i32, i32, i32
  }
}

</mosaic_0001>

<sc_bundles>
// kernel: kernel.4.cloned.1.call-start
scs
__scs_entry_jumppad:
0x0: {  	(pc) =	sbr.rel $0x88, $3  }
0x1: {  	(tag) =	ssettag $0x0;
	lr =	simm.s32 $0x1  }
0x2: {  	[smem:$0x3FA0] =	sst lr;
	_ =	strace $0xD0000000  }
0x3: {  	_ = 	snop  }
0x4: {  	_ = 	snop  }
0x5: {  	_ = 	snop  }
0x6: {  	_ = 	snop  }
0x7: {  	_ = 	snop  }
__scs_overlays_trampoline_lowered:
0x8: {  	[smem:$0x3FAF] =	sst s0  }
0x9: {  	[smem:$0x3FB0] =	sst s1  }
0xa: {  	[smem:$0x3FB1] =	sst s2  }
0xb: {  	[smem:$0x3FB2] =	sst s3  }
0xc: {  	[smem:$0x3FB3] =	sst s4  }
0xd: {  	[smem:$0x3FB4] =	sst s5  }
0xe: {  	[smem:$0x3FB5] =	sst s6  }
0xf: {  	[smem:$0x3FB6] =	sst s7  }
0x10: {  	[smem:$0x3FB7] =	sst s8  }
0x11: {  	[smem:$0x3FB8] =	sst s9;
	s0 =	simm.s32 @!p0 $0x0  }
0x12: {  	s1 =	sld [smem:$0x3F9E];
	s0 =	simm.s32 @p0 $0x1  }
0x13: {  	[smem:$0x3FB9] =	sst s0;
	s0 =	simm.s32 @!p1 $0x0  }
0x14: {  	s2 =	sld [smem:$0x3F9D];
	s0 =	simm.s32 @p1 $0x1  }
0x15: {  	[smem:$0x3FBA] =	sst s0;
	s0 =	simm.s32 @!p2 $0x0  }
0x16: {  	s3 =	sld [smem:$0x3FDB];
	s0 =	simm.s32 @p2 $0x1  }
0x17: {  	s4 =	simm.s32 $0x1BF5;
	[smem:$0x3FBC] =	sst s0  }
0x18: {  	s0 =	sld [smem:$0x3F9F];
	_ =	swait.ge [sflag:s4], $0x0  }
0x19: {  	s7 =	sld [smem:$0x3FA0]  }
0x1a: {  	s8 =	sadd.s32 $0xFFFFE003, lr  }
0x1b: {  	s9 =	sadd.s32 $0xFFFFFEF7, lr;
	s5 =	simm.s32 $0xFFFFFFFF;
	p2 =	slt.u32 s8, $0xFFFFF086  }
0x1c: {  	p1 =	slt.u32 s9, $0xF7A;
	s5 =	simm.s32 @!p2 $0x0  }
0x1d: {  	s5 =	simm.s32 @p1 $0x1;
	p0 =	seq.s32 s7, s2  }
0x1e: {  	s7 =	smul.u32 @!p0 $0xF7A, s2;
	p2 =	seq.s32 @!p0 s5, $0x0  }
0x1f: {  	s9 =	smul.u32 $0xF7A, s1;
	s8 =	simm.s32 @!p0 $0x1BF5;
	p2 =	por !p2, p0  }
0x20: {  	[sflag:s8] =	ssyncset.s32 @!p0 $0xFFFFF086;
	s6 =	sadd.s32 @!p0 s3, s7;
	s7 =	simm.s32 @!p0 $0x108  }
0x21: {  	s3 =	sadd.s32 s3, s9;
	s6 =	sadd.s32 @!p0 $0x88, s6;
	s7 =	simm.s32 @p2 $0x1082  }
0x22: {  	[simem:s7], [sflag:s8] =	dma.local @!p0 [hbm:s6], $0xF7A  }
0x23: {  	s9 =	sor.u32 $0xD0000000, s2;
	s6 =	simm.s32 $0x108;
	_ =	swait.ge @!p0 [sflag:s8], $0x0  }
0x24: {  	s3 =	sadd.s32 $0x88, s3;
	s6 =	simm.s32 @!p1 $0x1082;
	[sflag:s4] =	ssyncset.s32 $0xFFFFF086  }
0x25: {  	[simem:s6], [sflag:s4] =	dma.local [hbm:s3], $0xF7A  }
0x26: {  	[smem:$0x3FA0] =	sst s1;
	(tag) =	ssettag s2;
	_ =	strace s9  }
0x27: {  	s1 =	sld [smem:$0x3FB0]  }
0x28: {  	s2 =	sld [smem:$0x3FB1]  }
0x29: {  	s4 =	sld [smem:$0x3FB3]  }
0x2a: {  	p0 =	seq.s32 s5, $0x0;
	s5 =	sld [smem:$0x3FB4]  }
0x2b: {  	s6 =	sld [smem:$0x3FB5]  }
0x2c: {  	s7 =	sld [smem:$0x3FB6]  }
0x2d: {  	s3 =	simm.s32 $0x108;
	s8 =	sld [smem:$0x3FB7]  }
0x2e: {  	s3 =	simm.s32 @!p0 $0x1082;
	s9 =	sld [smem:$0x3FB8]  }
0x2f: {  	lr =	sadd.s32 s0, s3;
	s0 =	sld [smem:$0x3FAF]  }
0x30: {  	s3 =	sld [smem:$0x3FB2]  }
0x31: {  	[smem:$0x3FBB] =	sst s10  }
0x32: {  	s10 =	sld [smem:$0x3FB9];
	_ =	sdelay $0x3  }
0x33: {  	p0 =	seq.s32 s10, $0x1;
	s10 =	sld [smem:$0x3FBB];
	_ =	sdelay $0x3  }
0x34: {  	[smem:$0x3FBB] =	sst s10  }
0x35: {  	s10 =	sld [smem:$0x3FBA];
	_ =	sdelay $0x3  }
0x36: {  	p1 =	seq.s32 s10, $0x1;
	s10 =	sld [smem:$0x3FBB];
	_ =	sdelay $0x3  }
0x37: {  	[smem:$0x3FBB] =	sst s10  }
0x38: {  	s10 =	sld [smem:$0x3FBC]  }
0x39: {  	_ = 	snop;
	(pc) =	sbr.ind lr, $3  }
0x3a: {  	_ = 	snop  }
0x3b: {  	_ = 	snop  }
0x3c: {  	p2 =	seq.s32 s10, $0x1;
	s10 =	sld [smem:$0x3FBB]  }
0x3d: {  	_ =	shalt  }
0x3e: {  	_ =	shalt  }
0x3f: {  	_ =	shalt  }
0x40: {  	_ =	shalt  }
0x41: {  	_ =	shalt  }
0x42: {  	_ =	shalt  }
0x43: {  	_ =	shalt  }
0x44: {  	_ =	shalt  }
0x45: {  	_ =	shalt  }
0x46: {  	_ =	shalt  }
0x47: {  	_ =	shalt  }
0x48: {  	_ =	shalt  }
0x49: {  	_ =	shalt  }
0x4a: {  	_ =	shalt  }
0x4b: {  	_ =	shalt  }
0x4c: {  	_ =	shalt  }
0x4d: {  	_ =	shalt  }
0x4e: {  	_ =	shalt  }
0x4f: {  	_ =	shalt  }
0x50: {  	_ =	shalt  }
0x51: {  	_ =	shalt  }
0x52: {  	_ =	shalt  }
0x53: {  	_ =	shalt  }
0x54: {  	_ =	shalt  }
0x55: {  	_ =	shalt  }
0x56: {  	_ =	shalt  }
0x57: {  	_ =	shalt  }
0x58: {  	_ =	shalt  }
0x59: {  	_ =	shalt  }
0x5a: {  	_ =	shalt  }
0x5b: {  	_ =	shalt  }
0x5c: {  	_ =	shalt  }
0x5d: {  	_ =	shalt  }
0x5e: {  	_ =	shalt  }
0x5f: {  	_ =	shalt  }
0x60: {  	_ =	shalt  }
0x61: {  	_ =	shalt  }
0x62: {  	_ =	shalt  }
0x63: {  	_ =	shalt  }
0x64: {  	_ =	shalt  }
0x65: {  	_ =	shalt  }
0x66: {  	_ =	shalt  }
0x67: {  	_ =	shalt  }
0x68: {  	_ =	shalt  }
0x69: {  	_ =	shalt  }
0x6a: {  	_ =	shalt  }
0x6b: {  	_ =	shalt  }
0x6c: {  	_ =	shalt  }
0x6d: {  	_ =	shalt  }
0x6e: {  	_ =	shalt  }
0x6f: {  	_ =	shalt  }
0x70: {  	_ =	shalt  }
0x71: {  	_ =	shalt  }
0x72: {  	_ =	shalt  }
0x73: {  	_ =	shalt  }
0x74: {  	_ =	shalt  }
0x75: {  	_ =	shalt  }
0x76: {  	_ =	shalt  }
0x77: {  	_ =	shalt  }
0x78: {  	_ =	shalt  }
0x79: {  	_ =	shalt  }
0x7a: {  	_ =	shalt  }
0x7b: {  	_ =	shalt  }
0x7c: {  	_ =	shalt  }
0x7d: {  	_ =	shalt  }
0x7e: {  	_ =	shalt  }
0x7f: {  	_ =	shalt  }
0x80: {  	_ =	shalt  }
0x81: {  	_ =	shalt  }
0x82: {  	_ =	shalt  }
0x83: {  	_ =	shalt  }
0x84: {  	_ =	shalt  }
0x85: {  	_ =	shalt  }
0x86: {  	_ =	shalt  }
0x87: {  	_ =	shalt  }
.Lfunc_end0:
.L_simem_size_0:
called_computation_lowered:
.L_overlay_start_0:
0x88: {  	s2 =	sld [smem:$0x3FD9]  }
0x89: {  	s3 =	sld [smem:$0x3FFE];
	_ =	sdelay $0x1  }
0x8a: {  	s1 =	srdreg.scid  }
0x8b: {  	s0 =	sand.u32 $0x1, s1  }
0x8c: {  	s17 =	sshll.u32 s0, $0xA;
	s2 =	sadd.s32 s3, s2  }
0x8d: {  	s2 =	sadd.s32 s2, s17  }
0x8e: {  	[smem:$0x3FC7] =	sst s2  }
0x8f: {  	_ = 	snop  }
0x90: {  	s2 =	sld [smem:$0x3FC9];
	(tm) =	ssettm $0x1  }
0x91: {  	s18 =	sld [smem:$0x3FFB];
	_ =	sdelay $0x3  }
0x92: {  	_ =	strace s18  }
0x93: {  	s3 =	sld [smem:$0x3FFC];
	_ =	sdelay $0x3  }
0x94: {  	_ =	strace s3  }
0x95: {  	s3 =	sld [smem:$0x3FFD];
	_ =	sdelay $0x3  }
0x96: {  	_ =	strace s3  }
0x97: {  	_ =	strace $0x8FFFFFFF  }
0x98: {  	s19 =	sld [smem:$0x3FDB];
	_ =	sdelay $0x1  }
0x99: {  	s4 =	simm.s32 $_scs_section_size  }
0x9a: {  	s5 =	simm.s32 $_size__tile_overlayer_lowered;
	s6 =	simm.s32 $_tile_overlayer_lowered  }
0x9b: {  	s22 =	simm.s32 $0x1BFF;
	s21 =	sshll.u32 s6, $0x1;
	s3 =	sadd.s32 s4, s19  }
0x9c: {  	s7 =	simm.s32 $0x0;
	s20 =	sshll.u32 s5, $0x1;
	s5 =	sadd.s32 s21, s3  }
0x9d: {  	[timem:s7], [sflag:s22] =	dma.local [hbm:s5], s20  }
0x9e: {  	_ =	swait.ge [sflag:s22], s20  }
0x9f: {  	s4 =	ssub.s32 $0x0, s20;
	[sflag:s22] =	ssyncset.done $0x0  }
0xa0: {  	[sflag:s22] =	ssyncadd.s32 s4;
	_ =	sdelay $0x1  }
0xa1: {  	s23 =	simm.s32 $0x1B8B  }
0xa2: {  	_ =	swait.ge [sflag:s23], $0x1  }
0xa3: {  	[sflag:s23] =	ssyncset.done $0x0  }
0xa4: {  	s25 =	simm.s32 $0x1B8E;
	s24 =	sld [smem:$0x3FFE];
	[sflag:s23] =	ssyncadd.s32 $0xFFFFFFFF  }
0xa5: {  	s26 =	simm.s32 $execute0_lowered;
	[smem:$0x3FD2] =	sst s25  }
0xa6: {  	s5 =	sshll.u32 s26, $0x1;
	_ =	strace $0x80000046;
	[dreg:$0x1] =	wrdreg $0xFFFFFFFF  }
0xa7: {  	s28 =	simm.s32 $_size_execute0_lowered;
	s3 =	sadd.s32 s3, s5;
	[dreg:$0x0] =	wrdreg $0x0  }
0xa8: {  	s5 =	sshll.u32 s28, $0x1;
	[dreg:$0x2] =	wrdreg s3  }
0xa9: {  	[dreg:$0x3] =	wrdreg s5  }
0xaa: {  	[dreg:$0x4] =	wrdreg $0xC0  }
0xab: {  	_ =	task [dreg:s7], $0x5FFFF  }
0xac: {  	[dreg:$0x1] =	wrdreg $0xFFFFFFFF  }
0xad: {  	[dreg:$0x0] =	wrdreg $0x60  }
0xae: {  	[dreg:$0x2] =	wrdreg s2  }
0xaf: {  	[dreg:$0x3] =	wrdreg s24  }
0xb0: {  	[dreg:$0x4] =	wrdreg $0x9  }
0xb1: {  	_ =	task.clear_ibuf [dreg:s7], $0x5FFFF;
	_ =	strace $0x90000046  }
0xb2: {  	s29 =	simm.s32 $0x9;
	_ =	strace $0x80000048  }
0xb3: {  	_ =	swait.ge [sflag:s29], $0x1  }
0xb4: {  	[sflag:s29] =	ssyncadd.s32 $0xFFFFFFFF  }
0xb5: {  	_ =	strace $0x90000048  }
0xb6: {  	_ =	sfence  }
0xb7: {  	s30 =	sld [smem:$0x0];
	_ =	sdelay $0x2  }
0xb8: {  	s31 =	sshll.u32 s1, $0xD;
	s1 =	sshrl.u32 s1, $0x2  }
0xb9: {  	s3 =	sand.u32 $0x4000, s31;
	s1 =	sadd.s32 s1, s30  }
0xba: {  	s0 =	sor.u32 s3, s0;
	s1 =	sshll.u32 s1, $0x11  }
0xbb: {  	s0 =	sor.u32 s1, s0  }
0xbc: {  	s0 =	sadd.s32 $0x8F2B, s0  }
0xbd: {  	[sflag:s0] =	ssyncadd.remote.s32 $0x1  }
0xbe: {  	_ =	sfence.sel $0xFFFF  }
0xbf: {  	[dreg:$0x0] =	wrdreg $0xFFFFFFFF;
	(pc) =	sbr.abs _section_cstart, $3  }
0xc0: {  	[dreg:$0x1] =	wrdreg $0xFFFFFFFF  }
0xc1: {  	_ =	task.clear_ibuf [dreg:s7], $0x2FFFF;
	_ =	strace $0x9FFFFFFF  }
0xc2: {  	(tm) =	ssettm $0x7FFFFFFF  }
0xc3: {  	_ =	shalt  }
tec
execute0_lowered:
.L_overlay_start_1:
0x0: {  	(tag) =	ssettag $0x1  }
0x1: {  	v0 =	vimm.s32 $0xFEDCBA98;
	v1 =	vimm.s32 $0x76543210  }
0x2: {  	v2 =	vimm.s32 $0x3210FEDC;
	v3 =	vimm.s32 $0xBA987654;
	v4 =	vimm.s32 $0x10FEDCBA  }
0x3: {  	s3 =	rddreg [dreg:$0x0];
	s1 =	srdreg.scid;
	v5 =	vimm.s32 $0x98765432;
	v6 =	vimm.s32 $0xFEDCBA9;
	v7 =	vimm.s32 $0x87654321  }
0x4: {  	s0 =	stileid.u32;
	s4 =	rddreg [dreg:$0x1];
	s9 =	simm.s32 $0x8000;
	v0 =	vunpack.c.l.s4.s8 v0;
	v1 =	vunpack.c.l.s4.s8 v1;
	v2 =	vunpack.c.l.s4.s8 v2  }
0x5: {  	s10 =	simm.s32 $0x2;
	s11 =	simm.s32 $0x0;
	s5 =	sand.u32 $0x1, s1;
	v3 =	vunpack.c.l.s4.s8 v3;
	v4 =	vunpack.c.l.s4.s8 v4;
	v5 =	vunpack.c.l.s4.s8 v5  }
0x6: {  	s2 =	sshll.u32 s0, $0x1;
	s1 =	rddreg [dreg:$0x2];
	s7 =	sshll.u32 s0, $0xD;
	v6 =	vunpack.c.l.s4.s8 v6;
	v7 =	vunpack.c.l.s4.s8 v7;
	v0 =	vunpack.c.0.s8.s32 v0  }
0x7: {  	s6 =	sor.u32 s5, s2;
	s2 =	simm.s32 $0x0;
	s5 =	ssub.s32 $0x2, s5;
	v2 =	vunpack.c.0.s8.s32 v2;
	v3 =	vunpack.c.0.s8.s32 v3;
	v4 =	vunpack.c.0.s8.s32 v4  }
0x8: {  	s8 =	sshll.u32 s6, $0x4;
	[smem:$0x7FF] =	sst s2;
	s31 =	sshrl.u32 s5, $0x1;
	v5 =	vunpack.c.0.s8.s32 v5;
	v6 =	vunpack.c.0.s8.s32 v6;
	v7 =	vunpack.c.0.s8.s32 v7  }
0x9: {  	s6 =	sshll.u32 s6, $0x1;
	v1 =	vunpack.c.0.s8.s32 v1;
	s7 =	sor.u32 s8, s7;
	_ =	strace $0x80000047;
	v2 =	vcombine.low v3, v2  }
0xa: {  	s5 =	ssub.s32 s5, s31;
	s4 =	sadd.s32 s4, s6;
	s7 =	sand.u32 $0x18070, s7;
	v3 =	vcombine.low v5, v4;
	v4 =	vcombine.low v7, v6;
	v0 =	vand.u32 $0xF, v0  }
0xb: {  	vm0 =	vmmov $0x1;
	s6 =	simm.s32 $0x80;
	s8 =	simm.s32 $0x1;
	s3 =	sadd.s32 s7, s3;
	v0 =	vcombine.low v0, v1  }
0xc: {  	s5 =	smax.u32 s5, $0x1;
	s7 =	simm.s32 $0x400;
	s3 =	sadd.s32 $0x60000, s3;
	v1 =	vand.u32 $0xF, v2;
	v2 =	vand.u32 $0xF, v3;
	v3 =	vand.u32 $0xF, v4  }
.LBB2_1:
0xd: {  	[tilespmem:s2], [sflag:$0x1] =	stream.strided.gather [hbm4b:s3+s6], $0x8000, s7, s6, $0x38;
	[tilespmem:$0x8080] =	vst v63  }
0xe: {  	_ =	swait.ge [sflag:s8], $0x8000  }
0xf: {  	[sflag:s8] =	ssyncset.done $0x0  }
0x10: {  	s12 =	simm.s32 $0x0;
	[sflag:s8] =	ssyncadd.s32 $0xFFFF8000  }
0x11: {  	v7 =	vld [tilespmem:s12+$0x0]  }
0x12: {  	v9 =	vld [tilespmem:s12+$0x10]  }
0x13: {  	v11 =	vld [tilespmem:s12+$0x30]  }
0x14: {  	v12 =	vld [tilespmem:s12+$0x40]  }
0x15: {  	v14 =	vld [tilespmem:s12+$0x50]  }
0x16: {  	v17 =	vlaneseq.u32;
	v16 =	vimm.f32 $-Inf;
	v22 =	vld [tilespmem:s12+$0x60]  }
0x17: {  	v34 =	vimm.s32 $0x0;
	v27 =	vor.u32 $0x10, v17;
	v32 =	vor.u32 $0x20, v17;
	v23 =	vld [tilespmem:s12+$0x70]  }
0x18: {  	v35 =	vor.u32 $0x30, v17;
	v8 =	vor.u32 $0x40, v17;
	v6 =	vor.u32 $0x50, v17;
	v10 =	vld [tilespmem:s12+$0x20]  }
0x19: {  	v5 =	vor.u32 $0x60, v17;
	v4 =	vor.u32 $0x70, v17;
	v33 =	vadd.s32 $0x80, v17  }
0x1a: {  	vm1 =	vgt.f32 v7, v16;
	vm2 =	vgt.f32 v9, v16;
	vm3 =	vgt.f32 v11, v16  }
0x1b: {  	s12 =	simm.s32 $0x80;
	vm4 =	vgt.f32 v12, v16;
	vm5 =	vgt.f32 v14, v16;
	vm6 =	vgt.f32 v22, v16  }
0x1c: {  	v29 =	vld [tilespmem:s12+$0x0];
	vm7 =	vgt.f32 v23, v16;
	v19 =	vsel vm1, v7, v16;
	v21 =	vsel vm1, v17, v34  }
0x1d: {  	v31 =	vld [tilespmem:s12+$0x10];
	v20 =	vsel vm2, v9, v16;
	vm1 =	vgt.f32 v10, v16;
	v15 =	vsel vm3, v11, v16  }
0x1e: {  	v28 =	vld [tilespmem:s12+$0x20];
	v13 =	vsel vm4, v12, v16;
	v12 =	vsel vm5, v14, v16;
	v7 =	vsel vm7, v23, v16  }
0x1f: {  	v26 =	vld [tilespmem:s12+$0x30];
	v30 =	vsel vm2, v27, v34;
	v23 =	vsel vm3, v35, v34;
	v14 =	vsel vm5, v6, v34  }
0x20: {  	v24 =	vld [tilespmem:s12+$0x40];
	v11 =	vsel vm6, v5, v34;
	v9 =	vsel vm7, v4, v34;
	v18 =	vsel vm1, v10, v16  }
0x21: {  	v17 =	vld [tilespmem:s12+$0x60];
	v10 =	vsel vm6, v22, v16;
	v25 =	vsel vm1, v32, v34;
	v16 =	vsel vm4, v8, v34  }
0x22: {  	s13 =	simm.s32 $0x400;
	v22 =	vld [tilespmem:s12+$0x50];
	v34 =	vadd.s32 $0x80, v27;
	v32 =	vadd.s32 $0x80, v32;
	v27 =	vadd.s32 $0x80, v35  }
.LBB2_2:
0x23: {  	p0 =	sne.s32 s13, $0x1FE00;
	v35 =	vld [tilespmem:s12+$0x70];
	v8 =	vadd.s32 $0x80, v8;
	v6 =	vadd.s32 $0x80, v6;
	v5 =	vadd.s32 $0x80, v5  }
0x24: {  	vm1 =	vgt.f32 v29, v19;
	vm2 =	vgt.f32 v31, v20;
	v4 =	vadd.s32 $0x80, v4  }
0x25: {  	v19 =	vsel vm1, v29, v19;
	v21 =	vsel vm1, v33, v21;
	v20 =	vsel vm2, v31, v20  }
0x26: {  	s12 =	sshra.s32 s13, $0x2;
	vm1 =	vgt.f32 v28, v18;
	vm3 =	vgt.f32 v26, v15;
	vm4 =	vgt.f32 v24, v13  }
0x27: {  	v18 =	vsel vm1, v28, v18;
	v15 =	vsel vm3, v26, v15;
	v13 =	vsel vm4, v24, v13;
	v29 =	vld [tilespmem:s12+$0x0]  }
0x28: {  	vm5 =	vgt.f32 v22, v12;
	vm6 =	vgt.f32 v17, v10;
	v31 =	vld [tilespmem:s12+$0x10];
	vm7 =	vgt.f32 v35, v7  }
.Ltmp0:
0x29: {  	v12 =	vsel vm5, v22, v12;
	v10 =	vsel vm6, v17, v10;
	v28 =	vld [tilespmem:s12+$0x20];
	v7 =	vsel vm7, v35, v7;
	(pc) =	sbr.rel @p0 .LBB2_2-.Ltmp0, $4  }
0x2a: {  	v30 =	vsel vm2, v34, v30;
	v25 =	vsel vm1, v32, v25;
	v23 =	vsel vm3, v27, v23;
	v26 =	vld [tilespmem:s12+$0x30]  }
0x2b: {  	v16 =	vsel vm4, v8, v16;
	v14 =	vsel vm5, v6, v14;
	v11 =	vsel vm6, v5, v11;
	v24 =	vld [tilespmem:s12+$0x40]  }
0x2c: {  	v33 =	vadd.s32 $0x80, v33;
	v9 =	vsel vm7, v4, v9;
	v22 =	vld [tilespmem:s12+$0x50]  }
0x2d: {  	s13 =	sadd.s32 $0x200, s13;
	v34 =	vadd.s32 $0x80, v34;
	v32 =	vadd.s32 $0x80, v32;
	v27 =	vadd.s32 $0x80, v27;
	v17 =	vld [tilespmem:s12+$0x60]  }
0x2e: {  	vm1 =	vgt.f32 v29, v19  }
0x2f: {  	vm2 =	vgt.f32 v31, v20;
	v19 =	vsel vm1, v29, v19  }
0x30: {  	v21 =	vsel vm1, v33, v21;
	v20 =	vsel vm2, v31, v20;
	v54 =	vsel vm2, v34, v30  }
0x31: {  	vm1 =	veq.f32 v20, v19;
	vm2 =	vlt.s32 v54, v21  }
0x32: {  	vm3 =	vgt.f32 v28, v18;
	vm4 =	vgt.f32 v20, v19;
	vm1 =	vmand vm1, vm2  }
0x33: {  	v18 =	vsel vm3, v28, v18;
	vm1 =	vmor vm4, vm1  }
0x34: {  	v25 =	vsel vm3, v32, v25;
	v19 =	vsel vm1, v20, v19;
	v55 =	vsel vm1, v54, v21  }
0x35: {  	vm1 =	veq.f32 v18, v19;
	vm2 =	vlt.s32 v25, v55  }
0x36: {  	vm3 =	vgt.f32 v26, v15;
	vm11 =	vgt.f32 v18, v19;
	vm1 =	vmand vm1, vm2  }
0x37: {  	v15 =	vsel vm3, v26, v15;
	vm1 =	vmor vm11, vm1  }
0x38: {  	v56 =	vsel vm3, v27, v23;
	v18 =	vsel vm1, v18, v19;
	v57 =	vsel vm1, v25, v55  }
0x39: {  	vm1 =	veq.f32 v15, v18;
	vm2 =	vlt.s32 v56, v57  }
0x3a: {  	vm3 =	vgt.f32 v24, v13;
	vm12 =	vgt.f32 v15, v18;
	vm1 =	vmand vm1, vm2  }
0x3b: {  	v8 =	vadd.s32 $0x80, v8;
	v13 =	vsel vm3, v24, v13;
	vm1 =	vmor vm12, vm1  }
0x3c: {  	v8 =	vsel vm3, v8, v16;
	v15 =	vsel vm1, v15, v18;
	v58 =	vsel vm1, v56, v57  }
0x3d: {  	vm1 =	veq.f32 v13, v15;
	vm2 =	vlt.s32 v8, v58  }
0x3e: {  	vm3 =	vgt.f32 v22, v12;
	vm13 =	vgt.f32 v13, v15;
	vm1 =	vmand vm1, vm2  }
0x3f: {  	v6 =	vadd.s32 $0x80, v6;
	v12 =	vsel vm3, v22, v12;
	vm1 =	vmor vm13, vm1  }
0x40: {  	v6 =	vsel vm3, v6, v14;
	v13 =	vsel vm1, v13, v15;
	v8 =	vsel vm1, v8, v58  }
0x41: {  	v59 =	vld [tilespmem:s12+$0x70];
	vm1 =	veq.f32 v12, v13;
	vm2 =	vlt.s32 v6, v8  }
0x42: {  	vm3 =	vgt.f32 v17, v10;
	vm14 =	vgt.f32 v12, v13;
	vm1 =	vmand vm1, vm2  }
0x43: {  	v5 =	vadd.s32 $0x80, v5;
	v10 =	vsel vm3, v17, v10;
	vm1 =	vmor vm14, vm1  }
0x44: {  	v5 =	vsel vm3, v5, v11;
	v60 =	vsel vm1, v12, v13;
	v6 =	vsel vm1, v6, v8  }
0x45: {  	vm1 =	veq.f32 v10, v60;
	vm2 =	vlt.s32 v5, v6  }
0x46: {  	vm3 =	vgt.f32 v59, v7;
	vm15 =	vgt.f32 v10, v60;
	vm1 =	vmand vm1, vm2  }
0x47: {  	v4 =	vadd.s32 $0x80, v4;
	v7 =	vsel vm3, v59, v7;
	vm1 =	vmor vm15, vm1  }
0x48: {  	v4 =	vsel vm3, v4, v9;
	v61 =	vsel vm1, v10, v60;
	v5 =	vsel vm1, v5, v6  }
0x49: {  	vm1 =	veq.f32 v7, v61;
	vm2 =	vlt.s32 v4, v5  }
0x4a: {  	vm3 =	vgt.f32 v7, v61;
	vm1 =	vmand vm1, vm2  }
0x4b: {  	vm1 =	vmor vm3, vm1  }
0x4c: {  	v62 =	vsel vm1, v7, v61  }
0x4d: {  	v7 =	vperm.xlane v62, v0;
	_ =	sdelay $0x1  }
0x4e: {  	v7 =	vmax.f32 v62, v7  }
0x4f: {  	v63 =	vperm.xlane v7, v1;
	_ =	sdelay $0x1  }
0x50: {  	v7 =	vmax.f32 v7, v63  }
0x51: {  	v8 =	vperm.xlane v7, v2;
	_ =	sdelay $0x1  }
0x52: {  	v7 =	vmax.f32 v7, v8  }
0x53: {  	v8 =	vperm.xlane v7, v3;
	_ =	sdelay $0x1  }
0x54: {  	v7 =	vmax.f32 v7, v8  }
0x55: {  	v4 =	vsel vm1, v4, v5;
	vm1 =	veq.f32 v62, v7  }
0x56: {  	v4 =	vnsel vm1, $0x7FFFFFFF, v4  }
0x57: {  	v5 =	vperm.xlane v4, v0;
	_ =	sdelay $0x1  }
0x58: {  	vm1 =	vlt.s32 v4, v5  }
0x59: {  	v4 =	vsel vm1, v4, v5  }
0x5a: {  	v5 =	vperm.xlane v4, v1;
	_ =	sdelay $0x1  }
0x5b: {  	vm1 =	vlt.s32 v4, v5  }
0x5c: {  	v4 =	vsel vm1, v4, v5  }
0x5d: {  	v5 =	vperm.xlane v4, v2;
	_ =	sdelay $0x1  }
0x5e: {  	vm1 =	vlt.s32 v4, v5  }
0x5f: {  	v4 =	vsel vm1, v4, v5  }
0x60: {  	v5 =	vperm.xlane v4, v3;
	_ =	sdelay $0x1  }
0x61: {  	vm1 =	vlt.s32 v4, v5  }
0x62: {  	s11 =	sadd.s32 $0x1, s11;
	v4 =	vsel vm1, v4, v5  }
0x63: {  	p0 =	sne.s32 s11, s5;
	v4 =	vnsel vm0, $0x0, v4  }
.Ltmp1:
0x64: {  	[tilespmem:$0x8000] =	vst v4;
	(pc) =	sbr.rel @p0 .LBB2_1-.Ltmp1, $4  }
0x65: {  	[hbm4b:s4+s2] =	stream.linear.scatter [tilespmem:s9], [sflag:$0x2], $0x10, $0x38;
	[tilespmem:$0x8080] =	vst v63  }
0x66: {  	_ =	swait.ge [sflag:s10], $0x10  }
0x67: {  	[sflag:s10] =	ssyncset.done $0x0  }
0x68: {  	[sflag:s10] =	ssyncadd.s32 $0xFFFFFFF0  }
0x69: {  	_ =	sfence.sel $0x180000  }
0x6a: {  	[bflag:$0x0] =	sbarrier.arrive $0xFFFF  }
0x6b: {  	p0 =	sne.s32 s0, $0x0;
	_ =	strace $0x90000047  }
0x6c: {  	s0 =	sadd.s32 @!p0 $0x100000, s1;
	[bflag:$0x2] =	sbarrier.arrive $0xFFFF  }
0x6d: {  	[sflag:s0] =	ssyncadd.tile.s32 @!p0 $0x1;
	_ =	shalt  }
.Lfunc_end2:
_tile_overlayer_lowered:
.L_overlay_start_2:
0x6e: {  	(tag) =	ssettag $0x2  }
0x6f: {  	s0 =	rddreg [dreg:$0x0];
	s2 =	stileid.u32  }
0x70: {  	s1 =	rddreg [dreg:$0x1];
	p0 =	sne.s32 s2, $0x0  }
0x71: {  	s3 =	rddreg [dreg:$0x2];
	[bflag:$0x3] =	sbarrier.arrive $0xFFFF;
	s2 =	simm.s32 @!p0 $0x1C02  }
0x72: {  	[timem:s3], [sflag:s2] =	dma.local @!p0 [hbm:s0], s1  }
0x73: {  	s0 =	simm.s32 @!p0 $0x2  }
0x74: {  	_ =	swait.ge @!p0 [sflag:s0], s1  }
0x75: {  	s1 =	ssub.s32 @!p0 $0x0, s1;
	[sflag:s0] =	ssyncset.done @!p0 $0x0  }
0x76: {  	[sflag:s0] =	ssyncadd.s32 @!p0 s1  }
0x77: {  	[bflag:$0x3] =	sbarrier.arrive $0xFFFF  }
0x78: {  	_ =	shalt  }

</sc_bundles>
